<compile_context>
chip_gen: v7x
topology: tpu7x:2x2x1
jax: 0.10.2.dev20260603
libtpu: 0.0.44.dev20260713+nightly
codegen_flags: <defaults>
</compile_context>

<pallas_src>
import functools

import jax
import jax.numpy as jnp
import numpy as np
from jax import lax
from jax.experimental import pallas as pl
from jax.experimental.pallas import tpu as pltpu
from jax.experimental.pallas import tpu_sc as plsc

_VMIN, _VMAX, _BINS = 0.0, 8.0, 64
_GAMMAS = (100.0, 10.0, 1.0)
_D = 128
_E = 320000
_GW = 3 * _D
_RBF_W = 3 * _BINS
_W = _GW + _RBF_W

_NC, _NS, _L = 2, 16, 16
_NW = _NC * _NS
_PER_W = _E // _NW
_CHUNK = 80
_N_CHUNKS = _PER_W // _CHUNK
_N_PAIRS = (_N_CHUNKS - 1) // 2


_TC_BE = 2560


def _tc_rbf_kernel(d_ref, out_ref):
    i = pl.program_id(0)
    r = lax.broadcasted_iota(jnp.int32, (1, _RBF_W), 1)
    cen = (r % _BINS).astype(jnp.float32) * ((_VMAX - _VMIN) / (_BINS - 1))
    band = r // _BINS
    gam = jnp.where(band == 0, _GAMMAS[0],
                    jnp.where(band == 1, _GAMMAS[1], _GAMMAS[2]))
    d = d_ref[pl.ds(i * _TC_BE, _TC_BE)].reshape(_TC_BE, 1)
    t = d - cen
    out_ref[:, :] = jnp.exp(t * t * (-gam))


def _tc_rbf(d):
    return pl.pallas_call(
        _tc_rbf_kernel,
        out_shape=jax.ShapeDtypeStruct((_E, _RBF_W), jnp.float32),
        grid=(_E // _TC_BE,),
        in_specs=[
            pl.BlockSpec((_E,), lambda i: (0,)),
        ],
        out_specs=pl.BlockSpec((_TC_BE, _RBF_W), lambda i: (i, 0)),
    )(d)




def _sc_kernel(i0_hbm, i1_hbm, i2_hbm, rbf_hbm, feat_hbm, out_hbm,
               idx_v, g_v, rbf_v, si0, si1, sr0, sr1, sg0, sg1, sw0, sw1):
    sem_i = (si0, si1)
    sem_r = (sr0, sr1)
    sem_g = (sg0, sg1)
    sem_w = (sw0, sw1)
    i_hbm = (i0_hbm, i1_hbm, i2_hbm)
    wid = lax.axis_index("s") * _NC + lax.axis_index("c")
    w0 = wid * _PER_W

    def stage_idx(c, s):
        base = w0 + c * _CHUNK
        for j in range(3):
            pltpu.async_copy(i_hbm[j].at[pl.ds(base, _CHUNK)],
                             idx_v.at[s, j], sem_i[s])

    def wait_idx(c, s):
        base = w0 + c * _CHUNK
        for j in range(3):
            pltpu.make_async_copy(i_hbm[j].at[pl.ds(base, _CHUNK)],
                                  idx_v.at[s, j], sem_i[s]).wait()

    def stage_rbf(c, s):
        base = w0 + c * _CHUNK
        pltpu.async_copy(rbf_hbm.at[pl.ds(base, _CHUNK)], rbf_v.at[s],
                         sem_r[s])

    def wait_rbf(c, s):
        base = w0 + c * _CHUNK
        pltpu.make_async_copy(rbf_hbm.at[pl.ds(base, _CHUNK)], rbf_v.at[s],
                              sem_r[s]).wait()

    def start_gathers(s):
        for j in range(3):
            pltpu.async_copy(feat_hbm.at[idx_v.at[s, j]], g_v.at[s, j],
                             sem_g[s])

    def wait_gathers(s):
        for j in range(3):
            pltpu.make_async_copy(feat_hbm.at[idx_v.at[s, j]], g_v.at[s, j],
                                  sem_g[s]).wait()

    def issue_writes(c, s):
        base = w0 + c * _CHUNK
        rows = out_hbm.at[pl.ds(base, _CHUNK)]
        for j in range(3):
            pltpu.async_copy(g_v.at[s, j], rows.at[:, pl.ds(j * _D, _D)],
                             sem_w[s])
        pltpu.async_copy(rbf_v.at[s, :, pl.ds(0, _D)],
                         rows.at[:, pl.ds(_GW, _D)], sem_w[s])
        pltpu.async_copy(rbf_v.at[s, :, pl.ds(_D, _RBF_W - _D)],
                         rows.at[:, pl.ds(_GW + _D, _RBF_W - _D)], sem_w[s])

    def wait_writes(c, s):
        base = w0 + c * _CHUNK
        rows = out_hbm.at[pl.ds(base, _CHUNK)]
        for j in range(3):
            pltpu.make_async_copy(g_v.at[s, j], rows.at[:, pl.ds(j * _D, _D)],
                                  sem_w[s]).wait()
        pltpu.make_async_copy(rbf_v.at[s, :, pl.ds(0, _D)],
                              rows.at[:, pl.ds(_GW, _D)], sem_w[s]).wait()
        pltpu.make_async_copy(rbf_v.at[s, :, pl.ds(_D, _RBF_W - _D)],
                              rows.at[:, pl.ds(_GW + _D, _RBF_W - _D)],
                              sem_w[s]).wait()

    stage_idx(0, 0)
    stage_rbf(0, 0)
    wait_idx(0, 0)
    start_gathers(0)
    stage_idx(1, 1)
    stage_rbf(1, 1)

    def pair_body(k, carry):
        for b in range(2):
            cur, nxt = b, 1 - b
            c = 2 * k + b
            if b == 0:
                @pl.when(k > 0)
                def _():
                    wait_writes(c - 1, nxt)
                    stage_rbf(c + 1, nxt)
            else:
                wait_writes(c - 1, nxt)
                stage_rbf(c + 1, nxt)
            wait_idx(c + 1, nxt)
            start_gathers(nxt)
            wait_gathers(cur)
            if b == 0:
                stage_idx(c + 2, cur)
            else:
                @pl.when(k < _N_PAIRS - 1)
                def _():
                    stage_idx(c + 2, cur)
            wait_rbf(c, cur)
            issue_writes(c, cur)
        return carry

    lax.fori_loop(0, _N_PAIRS, pair_body, 0)

    last = _N_CHUNKS - 1
    wait_gathers(0)
    wait_rbf(last, 0)
    issue_writes(last, 0)
    wait_writes(last - 1, 1)
    wait_writes(last, 0)


def _sc_assemble(i0, i1, i2, rbf, FEATURE):
    mesh = plsc.VectorSubcoreMesh(
        core_axis_name="c", subcore_axis_name="s",
        num_cores=_NC, num_subcores=_NS)
    f = pl.kernel(
        _sc_kernel,
        out_type=jax.ShapeDtypeStruct((_E, _W), jnp.float32),
        mesh=mesh,
        scratch_types=[
            pltpu.VMEM((2, 3, _CHUNK), jnp.int32),
            pltpu.VMEM((2, 3, _CHUNK, _D), jnp.float32),
            pltpu.VMEM((2, _CHUNK, _RBF_W), jnp.float32),
            pltpu.SemaphoreType.DMA,
            pltpu.SemaphoreType.DMA,
            pltpu.SemaphoreType.DMA,
            pltpu.SemaphoreType.DMA,
            pltpu.SemaphoreType.DMA,
            pltpu.SemaphoreType.DMA,
            pltpu.SemaphoreType.DMA,
            pltpu.SemaphoreType.DMA,
        ],
    )
    return f(i0, i1, i2, rbf, FEATURE)


@jax.jit
def _rbf_triangle(distance, FEATURE):
    idx = distance[:, :3].astype(jnp.int32)
    d = distance[:, 3]
    rbf = _tc_rbf(d)
    return _sc_assemble(idx[:, 0], idx[:, 1], idx[:, 2], rbf, FEATURE)


def kernel(distance, FEATURE):
    return _rbf_triangle(distance, FEATURE)

# --- scband reference (transcript-rebuilt; emitter-appended) ---
"""Pipeline reference for scband-rbfexpansion-triangle-49761491092019 (READ-ONLY COPY).

The authoritative reference and input builder live on the scoring server;
editing this copy changes nothing except your own understanding.
"""

import jax, jax.numpy as jnp
import numpy as np

VMIN = 0.0
VMAX = 8.0
BINS = 64
GAMMA1 = 1.0 / 0.01
GAMMA2 = 1.0 / 0.1
GAMMA3 = 1.0
N_NODES = 10000
D_FEAT = 128
E = 320000


def setup_inputs(seed: int = 0) -> dict:
    key = jax.random.key(seed)
    k1, k2, k3 = jax.random.split(key, 3)
    # columns 0..2 hold integer row-indices into FEATURE (stored as floats),
    # column 3 holds the interatomic distance value in [0, 8).
    idx = jax.random.randint(k1, (E, 3), 0, N_NODES).astype(jnp.float32)
    dval = jax.random.uniform(k2, (E, 1), minval=0.0, maxval=8.0, dtype=jnp.float32)
    distance = jnp.concatenate([idx, dval], axis=1)
    FEATURE = jax.random.normal(k3, (N_NODES, D_FEAT), dtype=jnp.float32)
    return {"distance": distance, "FEATURE": FEATURE}


def reference(distance, FEATURE):
    centers = jnp.linspace(VMIN, VMAX, BINS)
    d = distance[:, 3][:, None]
    a1 = jnp.exp(-GAMMA1 * (d - centers) ** 2).reshape(-1, BINS)
    a2 = jnp.exp(-GAMMA2 * (d - centers) ** 2).reshape(-1, BINS)
    a3 = jnp.exp(-GAMMA3 * (d - centers) ** 2).reshape(-1, BINS)
    a6 = jnp.take(FEATURE, distance[:, 0].astype(jnp.int32), axis=0)
    a7 = jnp.take(FEATURE, distance[:, 1].astype(jnp.int32), axis=0)
    a8 = jnp.take(FEATURE, distance[:, 2].astype(jnp.int32), axis=0)
    return jnp.concatenate([a6, a7, a8, a1, a2, a3], axis=1)

if __name__ == "__main__":
    import jax
    _d = setup_inputs()
    print(jax.jit(kernel)(*tuple(_d.values())))

</pallas_src>

<mosaic_0001>
#map = affine_map<(d0, d1) -> (0)>
#map1 = affine_map<(d0, d1) -> (0, 0)>
module attributes {stable_mosaic.version = 14 : i64} {
  func.func @_sc_kernel(%arg0: i32, %arg1: i32, %arg2: memref<320000xi32, #tpu.memory_space<hbm>>, %arg3: memref<320000xi32, #tpu.memory_space<hbm>>, %arg4: memref<320000xi32, #tpu.memory_space<hbm>>, %arg5: memref<320000x192xf32, #tpu.memory_space<hbm>>, %arg6: memref<10000x128xf32, #tpu.memory_space<hbm>>, %arg7: memref<320000x576xf32, #tpu.memory_space<hbm>>, %arg8: memref<2x3x80xi32, #tpu.memory_space<vmem>>, %arg9: memref<2x3x80x128xf32, #tpu.memory_space<vmem>>, %arg10: memref<2x80x192xf32, #tpu.memory_space<vmem>>, %arg11: memref<!tpu.dma_semaphore, #tpu.memory_space<semaphore_mem>>, %arg12: memref<!tpu.dma_semaphore, #tpu.memory_space<semaphore_mem>>, %arg13: memref<!tpu.dma_semaphore, #tpu.memory_space<semaphore_mem>>, %arg14: memref<!tpu.dma_semaphore, #tpu.memory_space<semaphore_mem>>, %arg15: memref<!tpu.dma_semaphore, #tpu.memory_space<semaphore_mem>>, %arg16: memref<!tpu.dma_semaphore, #tpu.memory_space<semaphore_mem>>, %arg17: memref<!tpu.dma_semaphore, #tpu.memory_space<semaphore_mem>>, %arg18: memref<!tpu.dma_semaphore, #tpu.memory_space<semaphore_mem>>) attributes {dimension_semantics = [#tpu.dimension_semantics<core_parallel>, #tpu.dimension_semantics<subcore_parallel>], iteration_bounds = array<i64: 2, 16>, scalar_prefetch = 0 : i64, scratch_operands = 11 : i64, tpu.core_type = #tpu.core_type<sc_vector_subcore>, window_params = [{transform_indices = #map}, {transform_indices = #map}, {transform_indices = #map}, {transform_indices = #map1}, {transform_indices = #map1}, {transform_indices = #map1}]} {
    %mul3A = arith.constant 2 : i32
    %mul3A_0 = arith.muli %arg1, %mul3A : i32
    %add3A = arith.addi %mul3A_0, %arg0 : i32
    %mul3A_1 = arith.constant 10000 : i32
    %mul3A_2 = arith.muli %add3A, %mul3A_1 : i32
    %add3A_3 = arith.constant 0 : i32
    %add3A_4 = arith.addi %mul3A_2, %add3A_3 : i32
    %dma_start3A = arith.constant 0 : i32
    %dma_start3A_5 = arith.constant 0 : i32
    %dma_start3A_6 = arith.constant 0 : i32
    %dma_start3A_7 = tpu.memref_slice %arg8[%dma_start3A, %dma_start3A_5, %dma_start3A_6] : memref<2x3x80xi32, #tpu.memory_space<vmem>> -> memref<1x1x80xi32, #tpu.memory_space<vmem>>
    %dma_start3A_8 = tpu.memref_squeeze %dma_start3A_7 : memref<1x1x80xi32, #tpu.memory_space<vmem>> -> memref<80xi32, #tpu.memory_space<vmem>>
    %dma_start3A_9 = tpu.memref_slice %arg2[%add3A_4] : memref<320000xi32, #tpu.memory_space<hbm>> -> memref<80xi32, #tpu.memory_space<hbm>>
    %dma_start3A_10 = arith.constant 0 : i32
    %dma_start3A_11 = tpu.memref_slice %arg8[%dma_start3A, %dma_start3A_5, %dma_start3A_10] : memref<2x3x80xi32, #tpu.memory_space<vmem>> -> memref<1x1x80xi32, #tpu.memory_space<vmem>>
    %dma_start3A_12 = tpu.memref_squeeze %dma_start3A_11 : memref<1x1x80xi32, #tpu.memory_space<vmem>> -> memref<80xi32, #tpu.memory_space<vmem>>
    %dma_start3A_13 = tpu.memref_slice %arg2[%add3A_4] : memref<320000xi32, #tpu.memory_space<hbm>> -> memref<80xi32, #tpu.memory_space<hbm>>
    tpu.enqueue_dma source(%dma_start3A_13 : memref<80xi32, #tpu.memory_space<hbm>>) target(%dma_start3A_12 : memref<80xi32, #tpu.memory_space<vmem>>) target_semaphore(%arg11 : memref<!tpu.dma_semaphore, #tpu.memory_space<semaphore_mem>>)
    %dma_start3A_14 = arith.constant 0 : i32
    %dma_start3A_15 = arith.constant 1 : i32
    %dma_start3A_16 = arith.constant 0 : i32
    %dma_start3A_17 = tpu.memref_slice %arg8[%dma_start3A_14, %dma_start3A_15, %dma_start3A_16] : memref<2x3x80xi32, #tpu.memory_space<vmem>> -> memref<1x1x80xi32, #tpu.memory_space<vmem>>
    %dma_start3A_18 = tpu.memref_squeeze %dma_start3A_17 : memref<1x1x80xi32, #tpu.memory_space<vmem>> -> memref<80xi32, #tpu.memory_space<vmem>>
    %dma_start3A_19 = tpu.memref_slice %arg3[%add3A_4] : memref<320000xi32, #tpu.memory_space<hbm>> -> memref<80xi32, #tpu.memory_space<hbm>>
    %dma_start3A_20 = arith.constant 0 : i32
    %dma_start3A_21 = tpu.memref_slice %arg8[%dma_start3A_14, %dma_start3A_15, %dma_start3A_20] : memref<2x3x80xi32, #tpu.memory_space<vmem>> -> memref<1x1x80xi32, #tpu.memory_space<vmem>>
    %dma_start3A_22 = tpu.memref_squeeze %dma_start3A_21 : memref<1x1x80xi32, #tpu.memory_space<vmem>> -> memref<80xi32, #tpu.memory_space<vmem>>
    %dma_start3A_23 = tpu.memref_slice %arg3[%add3A_4] : memref<320000xi32, #tpu.memory_space<hbm>> -> memref<80xi32, #tpu.memory_space<hbm>>
    tpu.enqueue_dma source(%dma_start3A_23 : memref<80xi32, #tpu.memory_space<hbm>>) target(%dma_start3A_22 : memref<80xi32, #tpu.memory_space<vmem>>) target_semaphore(%arg11 : memref<!tpu.dma_semaphore, #tpu.memory_space<semaphore_mem>>)
    %dma_start3A_24 = arith.constant 0 : i32
    %dma_start3A_25 = arith.constant 2 : i32
    %dma_start3A_26 = arith.constant 0 : i32
    %dma_start3A_27 = tpu.memref_slice %arg8[%dma_start3A_24, %dma_start3A_25, %dma_start3A_26] : memref<2x3x80xi32, #tpu.memory_space<vmem>> -> memref<1x1x80xi32, #tpu.memory_space<vmem>>
    %dma_start3A_28 = tpu.memref_squeeze %dma_start3A_27 : memref<1x1x80xi32, #tpu.memory_space<vmem>> -> memref<80xi32, #tpu.memory_space<vmem>>
    %dma_start3A_29 = tpu.memref_slice %arg4[%add3A_4] : memref<320000xi32, #tpu.memory_space<hbm>> -> memref<80xi32, #tpu.memory_space<hbm>>
    %dma_start3A_30 = arith.constant 0 : i32
    %dma_start3A_31 = tpu.memref_slice %arg8[%dma_start3A_24, %dma_start3A_25, %dma_start3A_30] : memref<2x3x80xi32, #tpu.memory_space<vmem>> -> memref<1x1x80xi32, #tpu.memory_space<vmem>>
    %dma_start3A_32 = tpu.memref_squeeze %dma_start3A_31 : memref<1x1x80xi32, #tpu.memory_space<vmem>> -> memref<80xi32, #tpu.memory_space<vmem>>
    %dma_start3A_33 = tpu.memref_slice %arg4[%add3A_4] : memref<320000xi32, #tpu.memory_space<hbm>> -> memref<80xi32, #tpu.memory_space<hbm>>
    tpu.enqueue_dma source(%dma_start3A_33 : memref<80xi32, #tpu.memory_space<hbm>>) target(%dma_start3A_32 : memref<80xi32, #tpu.memory_space<vmem>>) target_semaphore(%arg11 : memref<!tpu.dma_semaphore, #tpu.memory_space<semaphore_mem>>)
    %add3A_34 = arith.constant 0 : i32
    %add3A_35 = arith.addi %mul3A_2, %add3A_34 : i32
    %dma_start3A_36 = arith.constant 0 : i32
    %dma_start3A_37 = arith.constant 0 : i32
    %dma_start3A_38 = arith.constant 0 : i32
    %dma_start3A_39 = tpu.memref_slice %arg10[%dma_start3A_36, %dma_start3A_37, %dma_start3A_38] : memref<2x80x192xf32, #tpu.memory_space<vmem>> -> memref<1x80x192xf32, #tpu.memory_space<vmem>>
    %dma_start3A_40 = tpu.memref_squeeze %dma_start3A_39 : memref<1x80x192xf32, #tpu.memory_space<vmem>> -> memref<80x192xf32, #tpu.memory_space<vmem>>
    %dma_start3A_41 = arith.constant 0 : i32
    %dma_start3A_42 = tpu.memref_slice %arg5[%add3A_35, %dma_start3A_41] : memref<320000x192xf32, #tpu.memory_space<hbm>> -> memref<80x192xf32, #tpu.memory_space<hbm>>
    %dma_start3A_43 = arith.constant 0 : i32
    %dma_start3A_44 = arith.constant 0 : i32
    %dma_start3A_45 = tpu.memref_slice %arg10[%dma_start3A_36, %dma_start3A_43, %dma_start3A_44] : memref<2x80x192xf32, #tpu.memory_space<vmem>> -> memref<1x80x192xf32, #tpu.memory_space<vmem>>
    %dma_start3A_46 = tpu.memref_squeeze %dma_start3A_45 : memref<1x80x192xf32, #tpu.memory_space<vmem>> -> memref<80x192xf32, #tpu.memory_space<vmem>>
    %dma_start3A_47 = arith.constant 0 : i32
    %dma_start3A_48 = tpu.memref_slice %arg5[%add3A_35, %dma_start3A_47] : memref<320000x192xf32, #tpu.memory_space<hbm>> -> memref<80x192xf32, #tpu.memory_space<hbm>>
    tpu.enqueue_dma source(%dma_start3A_48 : memref<80x192xf32, #tpu.memory_space<hbm>>) target(%dma_start3A_46 : memref<80x192xf32, #tpu.memory_space<vmem>>) target_semaphore(%arg13 : memref<!tpu.dma_semaphore, #tpu.memory_space<semaphore_mem>>)
    %add3A_49 = arith.constant 0 : i32
    %add3A_50 = arith.addi %mul3A_2, %add3A_49 : i32
    %dma_wait3A = arith.constant 0 : i32
    %dma_wait3A_51 = arith.constant 0 : i32
    %dma_wait3A_52 = arith.constant 0 : i32
    %dma_wait3A_53 = tpu.memref_slice %arg8[%dma_wait3A, %dma_wait3A_51, %dma_wait3A_52] : memref<2x3x80xi32, #tpu.memory_space<vmem>> -> memref<1x1x80xi32, #tpu.memory_space<vmem>>
    %dma_wait3A_54 = tpu.memref_squeeze %dma_wait3A_53 : memref<1x1x80xi32, #tpu.memory_space<vmem>> -> memref<80xi32, #tpu.memory_space<vmem>>
    %dma_wait3A_55 = tpu.memref_slice %arg2[%add3A_50] : memref<320000xi32, #tpu.memory_space<hbm>> -> memref<80xi32, #tpu.memory_space<hbm>>
    %dma_wait3A_56 = arith.constant 0 : i32
    %dma_wait3A_57 = tpu.memref_slice %arg8[%dma_wait3A, %dma_wait3A_51, %dma_wait3A_56] : memref<2x3x80xi32, #tpu.memory_space<vmem>> -> memref<1x1x80xi32, #tpu.memory_space<vmem>>
    %dma_wait3A_58 = tpu.memref_squeeze %dma_wait3A_57 : memref<1x1x80xi32, #tpu.memory_space<vmem>> -> memref<80xi32, #tpu.memory_space<vmem>>
    %dma_wait3A_59 = tpu.memref_slice %arg2[%add3A_50] : memref<320000xi32, #tpu.memory_space<hbm>> -> memref<80xi32, #tpu.memory_space<hbm>>
    tpu.wait_dma2 semaphore(%arg11 : memref<!tpu.dma_semaphore, #tpu.memory_space<semaphore_mem>>) src(%dma_wait3A_59 : memref<80xi32, #tpu.memory_space<hbm>>) dst(%dma_wait3A_58 : memref<80xi32, #tpu.memory_space<vmem>>)
    %dma_wait3A_60 = arith.constant 0 : i32
    %dma_wait3A_61 = arith.constant 1 : i32
    %dma_wait3A_62 = arith.constant 0 : i32
    %dma_wait3A_63 = tpu.memref_slice %arg8[%dma_wait3A_60, %dma_wait3A_61, %dma_wait3A_62] : memref<2x3x80xi32, #tpu.memory_space<vmem>> -> memref<1x1x80xi32, #tpu.memory_space<vmem>>
    %dma_wait3A_64 = tpu.memref_squeeze %dma_wait3A_63 : memref<1x1x80xi32, #tpu.memory_space<vmem>> -> memref<80xi32, #tpu.memory_space<vmem>>
    %dma_wait3A_65 = tpu.memref_slice %arg3[%add3A_50] : memref<320000xi32, #tpu.memory_space<hbm>> -> memref<80xi32, #tpu.memory_space<hbm>>
    %dma_wait3A_66 = arith.constant 0 : i32
    %dma_wait3A_67 = tpu.memref_slice %arg8[%dma_wait3A_60, %dma_wait3A_61, %dma_wait3A_66] : memref<2x3x80xi32, #tpu.memory_space<vmem>> -> memref<1x1x80xi32, #tpu.memory_space<vmem>>
    %dma_wait3A_68 = tpu.memref_squeeze %dma_wait3A_67 : memref<1x1x80xi32, #tpu.memory_space<vmem>> -> memref<80xi32, #tpu.memory_space<vmem>>
    %dma_wait3A_69 = tpu.memref_slice %arg3[%add3A_50] : memref<320000xi32, #tpu.memory_space<hbm>> -> memref<80xi32, #tpu.memory_space<hbm>>
    tpu.wait_dma2 semaphore(%arg11 : memref<!tpu.dma_semaphore, #tpu.memory_space<semaphore_mem>>) src(%dma_wait3A_69 : memref<80xi32, #tpu.memory_space<hbm>>) dst(%dma_wait3A_68 : memref<80xi32, #tpu.memory_space<vmem>>)
    %dma_wait3A_70 = arith.constant 0 : i32
    %dma_wait3A_71 = arith.constant 2 : i32
    %dma_wait3A_72 = arith.constant 0 : i32
    %dma_wait3A_73 = tpu.memref_slice %arg8[%dma_wait3A_70, %dma_wait3A_71, %dma_wait3A_72] : memref<2x3x80xi32, #tpu.memory_space<vmem>> -> memref<1x1x80xi32, #tpu.memory_space<vmem>>
    %dma_wait3A_74 = tpu.memref_squeeze %dma_wait3A_73 : memref<1x1x80xi32, #tpu.memory_space<vmem>> -> memref<80xi32, #tpu.memory_space<vmem>>
    %dma_wait3A_75 = tpu.memref_slice %arg4[%add3A_50] : memref<320000xi32, #tpu.memory_space<hbm>> -> memref<80xi32, #tpu.memory_space<hbm>>
    %dma_wait3A_76 = arith.constant 0 : i32
    %dma_wait3A_77 = tpu.memref_slice %arg8[%dma_wait3A_70, %dma_wait3A_71, %dma_wait3A_76] : memref<2x3x80xi32, #tpu.memory_space<vmem>> -> memref<1x1x80xi32, #tpu.memory_space<vmem>>
    %dma_wait3A_78 = tpu.memref_squeeze %dma_wait3A_77 : memref<1x1x80xi32, #tpu.memory_space<vmem>> -> memref<80xi32, #tpu.memory_space<vmem>>
    %dma_wait3A_79 = tpu.memref_slice %arg4[%add3A_50] : memref<320000xi32, #tpu.memory_space<hbm>> -> memref<80xi32, #tpu.memory_space<hbm>>
    tpu.wait_dma2 semaphore(%arg11 : memref<!tpu.dma_semaphore, #tpu.memory_space<semaphore_mem>>) src(%dma_wait3A_79 : memref<80xi32, #tpu.memory_space<hbm>>) dst(%dma_wait3A_78 : memref<80xi32, #tpu.memory_space<vmem>>)
    %dma_start3A_80 = arith.constant 0 : i32
    %dma_start3A_81 = arith.constant 0 : i32
    %dma_start3A_82 = arith.constant 0 : i32
    %dma_start3A_83 = arith.constant 0 : i32
    %dma_start3A_84 = arith.constant 0 : i32
    %dma_start3A_85 = arith.constant 0 : i32
    %dma_start3A_86 = tpu.memref_slice %arg9[%dma_start3A_82, %dma_start3A_83, %dma_start3A_84, %dma_start3A_85] : memref<2x3x80x128xf32, #tpu.memory_space<vmem>> -> memref<1x1x80x128xf32, #tpu.memory_space<vmem>>
    %dma_start3A_87 = tpu.memref_squeeze %dma_start3A_86 : memref<1x1x80x128xf32, #tpu.memory_space<vmem>> -> memref<80x128xf32, #tpu.memory_space<vmem>>
    %dma_start3A_88 = arith.constant 0 : i32
    %dma_start3A_89 = tpu.memref_slice %arg8[%dma_start3A_80, %dma_start3A_81, %dma_start3A_88] : memref<2x3x80xi32, #tpu.memory_space<vmem>> -> memref<1x1x80xi32, #tpu.memory_space<vmem>>
    %dma_start3A_90 = tpu.memref_squeeze %dma_start3A_89 : memref<1x1x80xi32, #tpu.memory_space<vmem>> -> memref<80xi32, #tpu.memory_space<vmem>>
    %dma_start3A_91 = arith.constant 0 : i32
    %dma_start3A_92 = arith.constant 0 : i32
    %dma_start3A_93 = tpu.memref_slice %arg6[%dma_start3A_91, %dma_start3A_92] : memref<10000x128xf32, #tpu.memory_space<hbm>> -> memref<10000x128xf32, #tpu.memory_space<hbm>>
    tpu.enqueue_indirect_dma source(%dma_start3A_93 : memref<10000x128xf32, #tpu.memory_space<hbm>>) target(%dma_start3A_87 : memref<80x128xf32, #tpu.memory_space<vmem>>) offsets(%dma_start3A_90 : memref<80xi32, #tpu.memory_space<vmem>>) semaphore(%arg15 : memref<!tpu.dma_semaphore, #tpu.memory_space<semaphore_mem>>)
    %dma_start3A_94 = arith.constant 0 : i32
    %dma_start3A_95 = arith.constant 1 : i32
    %dma_start3A_96 = arith.constant 0 : i32
    %dma_start3A_97 = arith.constant 1 : i32
    %dma_start3A_98 = arith.constant 0 : i32
    %dma_start3A_99 = arith.constant 0 : i32
    %dma_start3A_100 = tpu.memref_slice %arg9[%dma_start3A_96, %dma_start3A_97, %dma_start3A_98, %dma_start3A_99] : memref<2x3x80x128xf32, #tpu.memory_space<vmem>> -> memref<1x1x80x128xf32, #tpu.memory_space<vmem>>
    %dma_start3A_101 = tpu.memref_squeeze %dma_start3A_100 : memref<1x1x80x128xf32, #tpu.memory_space<vmem>> -> memref<80x128xf32, #tpu.memory_space<vmem>>
    %dma_start3A_102 = arith.constant 0 : i32
    %dma_start3A_103 = tpu.memref_slice %arg8[%dma_start3A_94, %dma_start3A_95, %dma_start3A_102] : memref<2x3x80xi32, #tpu.memory_space<vmem>> -> memref<1x1x80xi32, #tpu.memory_space<vmem>>
    %dma_start3A_104 = tpu.memref_squeeze %dma_start3A_103 : memref<1x1x80xi32, #tpu.memory_space<vmem>> -> memref<80xi32, #tpu.memory_space<vmem>>
    %dma_start3A_105 = arith.constant 0 : i32
    %dma_start3A_106 = arith.constant 0 : i32
    %dma_start3A_107 = tpu.memref_slice %arg6[%dma_start3A_105, %dma_start3A_106] : memref<10000x128xf32, #tpu.memory_space<hbm>> -> memref<10000x128xf32, #tpu.memory_space<hbm>>
    tpu.enqueue_indirect_dma source(%dma_start3A_107 : memref<10000x128xf32, #tpu.memory_space<hbm>>) target(%dma_start3A_101 : memref<80x128xf32, #tpu.memory_space<vmem>>) offsets(%dma_start3A_104 : memref<80xi32, #tpu.memory_space<vmem>>) semaphore(%arg15 : memref<!tpu.dma_semaphore, #tpu.memory_space<semaphore_mem>>)
    %dma_start3A_108 = arith.constant 0 : i32
    %dma_start3A_109 = arith.constant 2 : i32
    %dma_start3A_110 = arith.constant 0 : i32
    %dma_start3A_111 = arith.constant 2 : i32
    %dma_start3A_112 = arith.constant 0 : i32
    %dma_start3A_113 = arith.constant 0 : i32
    %dma_start3A_114 = tpu.memref_slice %arg9[%dma_start3A_110, %dma_start3A_111, %dma_start3A_112, %dma_start3A_113] : memref<2x3x80x128xf32, #tpu.memory_space<vmem>> -> memref<1x1x80x128xf32, #tpu.memory_space<vmem>>
    %dma_start3A_115 = tpu.memref_squeeze %dma_start3A_114 : memref<1x1x80x128xf32, #tpu.memory_space<vmem>> -> memref<80x128xf32, #tpu.memory_space<vmem>>
    %dma_start3A_116 = arith.constant 0 : i32
    %dma_start3A_117 = tpu.memref_slice %arg8[%dma_start3A_108, %dma_start3A_109, %dma_start3A_116] : memref<2x3x80xi32, #tpu.memory_space<vmem>> -> memref<1x1x80xi32, #tpu.memory_space<vmem>>
    %dma_start3A_118 = tpu.memref_squeeze %dma_start3A_117 : memref<1x1x80xi32, #tpu.memory_space<vmem>> -> memref<80xi32, #tpu.memory_space<vmem>>
    %dma_start3A_119 = arith.constant 0 : i32
    %dma_start3A_120 = arith.constant 0 : i32
    %dma_start3A_121 = tpu.memref_slice %arg6[%dma_start3A_119, %dma_start3A_120] : memref<10000x128xf32, #tpu.memory_space<hbm>> -> memref<10000x128xf32, #tpu.memory_space<hbm>>
    tpu.enqueue_indirect_dma source(%dma_start3A_121 : memref<10000x128xf32, #tpu.memory_space<hbm>>) target(%dma_start3A_115 : memref<80x128xf32, #tpu.memory_space<vmem>>) offsets(%dma_start3A_118 : memref<80xi32, #tpu.memory_space<vmem>>) semaphore(%arg15 : memref<!tpu.dma_semaphore, #tpu.memory_space<semaphore_mem>>)
    %add3A_122 = arith.constant 80 : i32
    %add3A_123 = arith.addi %mul3A_2, %add3A_122 : i32
    %dma_start3A_124 = arith.constant 1 : i32
    %dma_start3A_125 = arith.constant 0 : i32
    %dma_start3A_126 = arith.constant 0 : i32
    %dma_start3A_127 = tpu.memref_slice %arg8[%dma_start3A_124, %dma_start3A_125, %dma_start3A_126] : memref<2x3x80xi32, #tpu.memory_space<vmem>> -> memref<1x1x80xi32, #tpu.memory_space<vmem>>
    %dma_start3A_128 = tpu.memref_squeeze %dma_start3A_127 : memref<1x1x80xi32, #tpu.memory_space<vmem>> -> memref<80xi32, #tpu.memory_space<vmem>>
    %dma_start3A_129 = tpu.memref_slice %arg2[%add3A_123] : memref<320000xi32, #tpu.memory_space<hbm>> -> memref<80xi32, #tpu.memory_space<hbm>>
    %dma_start3A_130 = arith.constant 0 : i32
    %dma_start3A_131 = tpu.memref_slice %arg8[%dma_start3A_124, %dma_start3A_125, %dma_start3A_130] : memref<2x3x80xi32, #tpu.memory_space<vmem>> -> memref<1x1x80xi32, #tpu.memory_space<vmem>>
    %dma_start3A_132 = tpu.memref_squeeze %dma_start3A_131 : memref<1x1x80xi32, #tpu.memory_space<vmem>> -> memref<80xi32, #tpu.memory_space<vmem>>
    %dma_start3A_133 = tpu.memref_slice %arg2[%add3A_123] : memref<320000xi32, #tpu.memory_space<hbm>> -> memref<80xi32, #tpu.memory_space<hbm>>
    tpu.enqueue_dma source(%dma_start3A_133 : memref<80xi32, #tpu.memory_space<hbm>>) target(%dma_start3A_132 : memref<80xi32, #tpu.memory_space<vmem>>) target_semaphore(%arg12 : memref<!tpu.dma_semaphore, #tpu.memory_space<semaphore_mem>>)
    %dma_start3A_134 = arith.constant 1 : i32
    %dma_start3A_135 = arith.constant 1 : i32
    %dma_start3A_136 = arith.constant 0 : i32
    %dma_start3A_137 = tpu.memref_slice %arg8[%dma_start3A_134, %dma_start3A_135, %dma_start3A_136] : memref<2x3x80xi32, #tpu.memory_space<vmem>> -> memref<1x1x80xi32, #tpu.memory_space<vmem>>
    %dma_start3A_138 = tpu.memref_squeeze %dma_start3A_137 : memref<1x1x80xi32, #tpu.memory_space<vmem>> -> memref<80xi32, #tpu.memory_space<vmem>>
    %dma_start3A_139 = tpu.memref_slice %arg3[%add3A_123] : memref<320000xi32, #tpu.memory_space<hbm>> -> memref<80xi32, #tpu.memory_space<hbm>>
    %dma_start3A_140 = arith.constant 0 : i32
    %dma_start3A_141 = tpu.memref_slice %arg8[%dma_start3A_134, %dma_start3A_135, %dma_start3A_140] : memref<2x3x80xi32, #tpu.memory_space<vmem>> -> memref<1x1x80xi32, #tpu.memory_space<vmem>>
    %dma_start3A_142 = tpu.memref_squeeze %dma_start3A_141 : memref<1x1x80xi32, #tpu.memory_space<vmem>> -> memref<80xi32, #tpu.memory_space<vmem>>
    %dma_start3A_143 = tpu.memref_slice %arg3[%add3A_123] : memref<320000xi32, #tpu.memory_space<hbm>> -> memref<80xi32, #tpu.memory_space<hbm>>
    tpu.enqueue_dma source(%dma_start3A_143 : memref<80xi32, #tpu.memory_space<hbm>>) target(%dma_start3A_142 : memref<80xi32, #tpu.memory_space<vmem>>) target_semaphore(%arg12 : memref<!tpu.dma_semaphore, #tpu.memory_space<semaphore_mem>>)
    %dma_start3A_144 = arith.constant 1 : i32
    %dma_start3A_145 = arith.constant 2 : i32
    %dma_start3A_146 = arith.constant 0 : i32
    %dma_start3A_147 = tpu.memref_slice %arg8[%dma_start3A_144, %dma_start3A_145, %dma_start3A_146] : memref<2x3x80xi32, #tpu.memory_space<vmem>> -> memref<1x1x80xi32, #tpu.memory_space<vmem>>
    %dma_start3A_148 = tpu.memref_squeeze %dma_start3A_147 : memref<1x1x80xi32, #tpu.memory_space<vmem>> -> memref<80xi32, #tpu.memory_space<vmem>>
    %dma_start3A_149 = tpu.memref_slice %arg4[%add3A_123] : memref<320000xi32, #tpu.memory_space<hbm>> -> memref<80xi32, #tpu.memory_space<hbm>>
    %dma_start3A_150 = arith.constant 0 : i32
    %dma_start3A_151 = tpu.memref_slice %arg8[%dma_start3A_144, %dma_start3A_145, %dma_start3A_150] : memref<2x3x80xi32, #tpu.memory_space<vmem>> -> memref<1x1x80xi32, #tpu.memory_space<vmem>>
    %dma_start3A_152 = tpu.memref_squeeze %dma_start3A_151 : memref<1x1x80xi32, #tpu.memory_space<vmem>> -> memref<80xi32, #tpu.memory_space<vmem>>
    %dma_start3A_153 = tpu.memref_slice %arg4[%add3A_123] : memref<320000xi32, #tpu.memory_space<hbm>> -> memref<80xi32, #tpu.memory_space<hbm>>
    tpu.enqueue_dma source(%dma_start3A_153 : memref<80xi32, #tpu.memory_space<hbm>>) target(%dma_start3A_152 : memref<80xi32, #tpu.memory_space<vmem>>) target_semaphore(%arg12 : memref<!tpu.dma_semaphore, #tpu.memory_space<semaphore_mem>>)
    %add3A_154 = arith.constant 80 : i32
    %add3A_155 = arith.addi %mul3A_2, %add3A_154 : i32
    %dma_start3A_156 = arith.constant 1 : i32
    %dma_start3A_157 = arith.constant 0 : i32
    %dma_start3A_158 = arith.constant 0 : i32
    %dma_start3A_159 = tpu.memref_slice %arg10[%dma_start3A_156, %dma_start3A_157, %dma_start3A_158] : memref<2x80x192xf32, #tpu.memory_space<vmem>> -> memref<1x80x192xf32, #tpu.memory_space<vmem>>
    %dma_start3A_160 = tpu.memref_squeeze %dma_start3A_159 : memref<1x80x192xf32, #tpu.memory_space<vmem>> -> memref<80x192xf32, #tpu.memory_space<vmem>>
    %dma_start3A_161 = arith.constant 0 : i32
    %dma_start3A_162 = tpu.memref_slice %arg5[%add3A_155, %dma_start3A_161] : memref<320000x192xf32, #tpu.memory_space<hbm>> -> memref<80x192xf32, #tpu.memory_space<hbm>>
    %dma_start3A_163 = arith.constant 0 : i32
    %dma_start3A_164 = arith.constant 0 : i32
    %dma_start3A_165 = tpu.memref_slice %arg10[%dma_start3A_156, %dma_start3A_163, %dma_start3A_164] : memref<2x80x192xf32, #tpu.memory_space<vmem>> -> memref<1x80x192xf32, #tpu.memory_space<vmem>>
    %dma_start3A_166 = tpu.memref_squeeze %dma_start3A_165 : memref<1x80x192xf32, #tpu.memory_space<vmem>> -> memref<80x192xf32, #tpu.memory_space<vmem>>
    %dma_start3A_167 = arith.constant 0 : i32
    %dma_start3A_168 = tpu.memref_slice %arg5[%add3A_155, %dma_start3A_167] : memref<320000x192xf32, #tpu.memory_space<hbm>> -> memref<80x192xf32, #tpu.memory_space<hbm>>
    tpu.enqueue_dma source(%dma_start3A_168 : memref<80x192xf32, #tpu.memory_space<hbm>>) target(%dma_start3A_166 : memref<80x192xf32, #tpu.memory_space<vmem>>) target_semaphore(%arg14 : memref<!tpu.dma_semaphore, #tpu.memory_space<semaphore_mem>>)
    %scan3A = arith.constant 0 : i32
    %scan3A_169 = arith.constant 0 : i32
    %scan3A_170 = arith.constant 62 : i32
    %scan3A_171 = arith.addi %scan3A_169, %scan3A_170 : i32
    %scan3A_172 = arith.constant 1 : i32
    scf.for %scan3A_531 = %scan3A_169 to %scan3A_171 step %scan3A_172  : i32 {
      %mul3A_532 = arith.constant 2 : i32
      %mul3A_533 = arith.muli %mul3A_532, %scan3A_531 : i32
      %add3A_534 = arith.constant 0 : i32
      %add3A_535 = arith.addi %mul3A_533, %add3A_534 : i32
      %gt3A = arith.constant 0 : i32
      %gt3A_536 = arith.cmpi sgt, %scan3A_531, %gt3A : i32
      %convert_element_type3A = arith.extui %gt3A_536 : i1 to i32
      %cond3A = arith.constant 0 : i32
      %cond3A_537 = arith.cmpi ne, %convert_element_type3A, %cond3A : i32
      scf.if %cond3A_537 {
        %sub3A_1173 = arith.constant 1 : i32
        %sub3A_1174 = arith.subi %add3A_535, %sub3A_1173 : i32
        %mul3A_1175 = arith.constant 80 : i32
        %mul3A_1176 = arith.muli %sub3A_1174, %mul3A_1175 : i32
        %add3A_1177 = arith.addi %mul3A_2, %mul3A_1176 : i32
        %dma_wait3A_1178 = arith.constant 1 : i32
        %dma_wait3A_1179 = arith.constant 0 : i32
        %dma_wait3A_1180 = arith.constant 0 : i32
        %dma_wait3A_1181 = arith.constant 0 : i32
        %dma_wait3A_1182 = tpu.memref_slice %arg9[%dma_wait3A_1178, %dma_wait3A_1179, %dma_wait3A_1180, %dma_wait3A_1181] : memref<2x3x80x128xf32, #tpu.memory_space<vmem>> -> memref<1x1x80x128xf32, #tpu.memory_space<vmem>>
        %dma_wait3A_1183 = tpu.memref_squeeze %dma_wait3A_1182 : memref<1x1x80x128xf32, #tpu.memory_space<vmem>> -> memref<80x128xf32, #tpu.memory_space<vmem>>
        %dma_wait3A_1184 = arith.constant 0 : i32
        %dma_wait3A_1185 = tpu.memref_slice %arg7[%add3A_1177, %dma_wait3A_1184] : memref<320000x576xf32, #tpu.memory_space<hbm>> -> memref<80x576xf32, #tpu.memory_space<hbm>>
        %dma_wait3A_1186 = arith.constant 0 : i32
        %dma_wait3A_1187 = arith.constant 0 : i32
        %dma_wait3A_1188 = tpu.memref_slice %dma_wait3A_1185[%dma_wait3A_1186, %dma_wait3A_1187] : memref<80x576xf32, #tpu.memory_space<hbm>> -> memref<80x128xf32, #tpu.memory_space<hbm>>
        %dma_wait3A_1189 = arith.constant 0 : i32
        %dma_wait3A_1190 = tpu.memref_slice %arg7[%add3A_1177, %dma_wait3A_1189] : memref<320000x576xf32, #tpu.memory_space<hbm>> -> memref<80x576xf32, #tpu.memory_space<hbm>>
        %dma_wait3A_1191 = arith.constant 0 : i32
        %dma_wait3A_1192 = arith.constant 0 : i32
        %dma_wait3A_1193 = tpu.memref_slice %dma_wait3A_1190[%dma_wait3A_1191, %dma_wait3A_1192] : memref<80x576xf32, #tpu.memory_space<hbm>> -> memref<80x128xf32, #tpu.memory_space<hbm>>
        %dma_wait3A_1194 = arith.constant 0 : i32
        %dma_wait3A_1195 = arith.constant 0 : i32
        %dma_wait3A_1196 = tpu.memref_slice %arg9[%dma_wait3A_1178, %dma_wait3A_1179, %dma_wait3A_1194, %dma_wait3A_1195] : memref<2x3x80x128xf32, #tpu.memory_space<vmem>> -> memref<1x1x80x128xf32, #tpu.memory_space<vmem>>
        %dma_wait3A_1197 = tpu.memref_squeeze %dma_wait3A_1196 : memref<1x1x80x128xf32, #tpu.memory_space<vmem>> -> memref<80x128xf32, #tpu.memory_space<vmem>>
        tpu.wait_dma2 semaphore(%arg18 : memref<!tpu.dma_semaphore, #tpu.memory_space<semaphore_mem>>) src(%dma_wait3A_1197 : memref<80x128xf32, #tpu.memory_space<vmem>>) dst(%dma_wait3A_1193 : memref<80x128xf32, #tpu.memory_space<hbm>>)
        %dma_wait3A_1198 = arith.constant 1 : i32
        %dma_wait3A_1199 = arith.constant 1 : i32
        %dma_wait3A_1200 = arith.constant 0 : i32
        %dma_wait3A_1201 = arith.constant 0 : i32
        %dma_wait3A_1202 = tpu.memref_slice %arg9[%dma_wait3A_1198, %dma_wait3A_1199, %dma_wait3A_1200, %dma_wait3A_1201] : memref<2x3x80x128xf32, #tpu.memory_space<vmem>> -> memref<1x1x80x128xf32, #tpu.memory_space<vmem>>
        %dma_wait3A_1203 = tpu.memref_squeeze %dma_wait3A_1202 : memref<1x1x80x128xf32, #tpu.memory_space<vmem>> -> memref<80x128xf32, #tpu.memory_space<vmem>>
        %dma_wait3A_1204 = arith.constant 0 : i32
        %dma_wait3A_1205 = tpu.memref_slice %arg7[%add3A_1177, %dma_wait3A_1204] : memref<320000x576xf32, #tpu.memory_space<hbm>> -> memref<80x576xf32, #tpu.memory_space<hbm>>
        %dma_wait3A_1206 = arith.constant 0 : i32
        %dma_wait3A_1207 = arith.constant 128 : i32
        %dma_wait3A_1208 = tpu.memref_slice %dma_wait3A_1205[%dma_wait3A_1206, %dma_wait3A_1207] : memref<80x576xf32, #tpu.memory_space<hbm>> -> memref<80x128xf32, #tpu.memory_space<hbm>>
        %dma_wait3A_1209 = arith.constant 0 : i32
        %dma_wait3A_1210 = tpu.memref_slice %arg7[%add3A_1177, %dma_wait3A_1209] : memref<320000x576xf32, #tpu.memory_space<hbm>> -> memref<80x576xf32, #tpu.memory_space<hbm>>
        %dma_wait3A_1211 = arith.constant 0 : i32
        %dma_wait3A_1212 = arith.constant 128 : i32
        %dma_wait3A_1213 = tpu.memref_slice %dma_wait3A_1210[%dma_wait3A_1211, %dma_wait3A_1212] : memref<80x576xf32, #tpu.memory_space<hbm>> -> memref<80x128xf32, #tpu.memory_space<hbm>>
        %dma_wait3A_1214 = arith.constant 0 : i32
        %dma_wait3A_1215 = arith.constant 0 : i32
        %dma_wait3A_1216 = tpu.memref_slice %arg9[%dma_wait3A_1198, %dma_wait3A_1199, %dma_wait3A_1214, %dma_wait3A_1215] : memref<2x3x80x128xf32, #tpu.memory_space<vmem>> -> memref<1x1x80x128xf32, #tpu.memory_space<vmem>>
        %dma_wait3A_1217 = tpu.memref_squeeze %dma_wait3A_1216 : memref<1x1x80x128xf32, #tpu.memory_space<vmem>> -> memref<80x128xf32, #tpu.memory_space<vmem>>
        tpu.wait_dma2 semaphore(%arg18 : memref<!tpu.dma_semaphore, #tpu.memory_space<semaphore_mem>>) src(%dma_wait3A_1217 : memref<80x128xf32, #tpu.memory_space<vmem>>) dst(%dma_wait3A_1213 : memref<80x128xf32, #tpu.memory_space<hbm>>)
        %dma_wait3A_1218 = arith.constant 1 : i32
        %dma_wait3A_1219 = arith.constant 2 : i32
        %dma_wait3A_1220 = arith.constant 0 : i32
        %dma_wait3A_1221 = arith.constant 0 : i32
        %dma_wait3A_1222 = tpu.memref_slice %arg9[%dma_wait3A_1218, %dma_wait3A_1219, %dma_wait3A_1220, %dma_wait3A_1221] : memref<2x3x80x128xf32, #tpu.memory_space<vmem>> -> memref<1x1x80x128xf32, #tpu.memory_space<vmem>>
        %dma_wait3A_1223 = tpu.memref_squeeze %dma_wait3A_1222 : memref<1x1x80x128xf32, #tpu.memory_space<vmem>> -> memref<80x128xf32, #tpu.memory_space<vmem>>
        %dma_wait3A_1224 = arith.constant 0 : i32
        %dma_wait3A_1225 = tpu.memref_slice %arg7[%add3A_1177, %dma_wait3A_1224] : memref<320000x576xf32, #tpu.memory_space<hbm>> -> memref<80x576xf32, #tpu.memory_space<hbm>>
        %dma_wait3A_1226 = arith.constant 0 : i32
        %dma_wait3A_1227 = arith.constant 256 : i32
        %dma_wait3A_1228 = tpu.memref_slice %dma_wait3A_1225[%dma_wait3A_1226, %dma_wait3A_1227] : memref<80x576xf32, #tpu.memory_space<hbm>> -> memref<80x128xf32, #tpu.memory_space<hbm>>
        %dma_wait3A_1229 = arith.constant 0 : i32
        %dma_wait3A_1230 = tpu.memref_slice %arg7[%add3A_1177, %dma_wait3A_1229] : memref<320000x576xf32, #tpu.memory_space<hbm>> -> memref<80x576xf32, #tpu.memory_space<hbm>>
        %dma_wait3A_1231 = arith.constant 0 : i32
        %dma_wait3A_1232 = arith.constant 256 : i32
        %dma_wait3A_1233 = tpu.memref_slice %dma_wait3A_1230[%dma_wait3A_1231, %dma_wait3A_1232] : memref<80x576xf32, #tpu.memory_space<hbm>> -> memref<80x128xf32, #tpu.memory_space<hbm>>
        %dma_wait3A_1234 = arith.constant 0 : i32
        %dma_wait3A_1235 = arith.constant 0 : i32
        %dma_wait3A_1236 = tpu.memref_slice %arg9[%dma_wait3A_1218, %dma_wait3A_1219, %dma_wait3A_1234, %dma_wait3A_1235] : memref<2x3x80x128xf32, #tpu.memory_space<vmem>> -> memref<1x1x80x128xf32, #tpu.memory_space<vmem>>
        %dma_wait3A_1237 = tpu.memref_squeeze %dma_wait3A_1236 : memref<1x1x80x128xf32, #tpu.memory_space<vmem>> -> memref<80x128xf32, #tpu.memory_space<vmem>>
        tpu.wait_dma2 semaphore(%arg18 : memref<!tpu.dma_semaphore, #tpu.memory_space<semaphore_mem>>) src(%dma_wait3A_1237 : memref<80x128xf32, #tpu.memory_space<vmem>>) dst(%dma_wait3A_1233 : memref<80x128xf32, #tpu.memory_space<hbm>>)
        %dma_wait3A_1238 = arith.constant 1 : i32
        %dma_wait3A_1239 = arith.constant 0 : i32
        %dma_wait3A_1240 = arith.constant 0 : i32
        %dma_wait3A_1241 = tpu.memref_slice %arg10[%dma_wait3A_1238, %dma_wait3A_1239, %dma_wait3A_1240] : memref<2x80x192xf32, #tpu.memory_space<vmem>> -> memref<1x80x128xf32, #tpu.memory_space<vmem>>
        %dma_wait3A_1242 = tpu.memref_squeeze %dma_wait3A_1241 : memref<1x80x128xf32, #tpu.memory_space<vmem>> -> memref<80x128xf32, #tpu.memory_space<vmem>>
        %dma_wait3A_1243 = arith.constant 0 : i32
        %dma_wait3A_1244 = tpu.memref_slice %arg7[%add3A_1177, %dma_wait3A_1243] : memref<320000x576xf32, #tpu.memory_space<hbm>> -> memref<80x576xf32, #tpu.memory_space<hbm>>
        %dma_wait3A_1245 = arith.constant 0 : i32
        %dma_wait3A_1246 = arith.constant 384 : i32
        %dma_wait3A_1247 = tpu.memref_slice %dma_wait3A_1244[%dma_wait3A_1245, %dma_wait3A_1246] : memref<80x576xf32, #tpu.memory_space<hbm>> -> memref<80x128xf32, #tpu.memory_space<hbm>>
        %dma_wait3A_1248 = arith.constant 0 : i32
        %dma_wait3A_1249 = tpu.memref_slice %arg7[%add3A_1177, %dma_wait3A_1248] : memref<320000x576xf32, #tpu.memory_space<hbm>> -> memref<80x576xf32, #tpu.memory_space<hbm>>
        %dma_wait3A_1250 = arith.constant 0 : i32
        %dma_wait3A_1251 = arith.constant 384 : i32
        %dma_wait3A_1252 = tpu.memref_slice %dma_wait3A_1249[%dma_wait3A_1250, %dma_wait3A_1251] : memref<80x576xf32, #tpu.memory_space<hbm>> -> memref<80x128xf32, #tpu.memory_space<hbm>>
        %dma_wait3A_1253 = arith.constant 0 : i32
        %dma_wait3A_1254 = arith.constant 0 : i32
        %dma_wait3A_1255 = tpu.memref_slice %arg10[%dma_wait3A_1238, %dma_wait3A_1253, %dma_wait3A_1254] : memref<2x80x192xf32, #tpu.memory_space<vmem>> -> memref<1x80x128xf32, #tpu.memory_space<vmem>>
        %dma_wait3A_1256 = tpu.memref_squeeze %dma_wait3A_1255 : memref<1x80x128xf32, #tpu.memory_space<vmem>> -> memref<80x128xf32, #tpu.memory_space<vmem>>
        tpu.wait_dma2 semaphore(%arg18 : memref<!tpu.dma_semaphore, #tpu.memory_space<semaphore_mem>>) src(%dma_wait3A_1256 : memref<80x128xf32, #tpu.memory_space<vmem>>) dst(%dma_wait3A_1252 : memref<80x128xf32, #tpu.memory_space<hbm>>)
        %dma_wait3A_1257 = arith.constant 1 : i32
        %dma_wait3A_1258 = arith.constant 0 : i32
        %dma_wait3A_1259 = arith.constant 128 : i32
        %dma_wait3A_1260 = tpu.memref_slice %arg10[%dma_wait3A_1257, %dma_wait3A_1258, %dma_wait3A_1259] : memref<2x80x192xf32, #tpu.memory_space<vmem>> -> memref<1x80x64xf32, #tpu.memory_space<vmem>>
        %dma_wait3A_1261 = tpu.memref_squeeze %dma_wait3A_1260 : memref<1x80x64xf32, #tpu.memory_space<vmem>> -> memref<80x64xf32, #tpu.memory_space<vmem>>
        %dma_wait3A_1262 = arith.constant 0 : i32
        %dma_wait3A_1263 = tpu.memref_slice %arg7[%add3A_1177, %dma_wait3A_1262] : memref<320000x576xf32, #tpu.memory_space<hbm>> -> memref<80x576xf32, #tpu.memory_space<hbm>>
        %dma_wait3A_1264 = arith.constant 0 : i32
        %dma_wait3A_1265 = arith.constant 512 : i32
        %dma_wait3A_1266 = tpu.memref_slice %dma_wait3A_1263[%dma_wait3A_1264, %dma_wait3A_1265] : memref<80x576xf32, #tpu.memory_space<hbm>> -> memref<80x64xf32, #tpu.memory_space<hbm>>
        %dma_wait3A_1267 = arith.constant 0 : i32
        %dma_wait3A_1268 = tpu.memref_slice %arg7[%add3A_1177, %dma_wait3A_1267] : memref<320000x576xf32, #tpu.memory_space<hbm>> -> memref<80x576xf32, #tpu.memory_space<hbm>>
        %dma_wait3A_1269 = arith.constant 0 : i32
        %dma_wait3A_1270 = arith.constant 512 : i32
        %dma_wait3A_1271 = tpu.memref_slice %dma_wait3A_1268[%dma_wait3A_1269, %dma_wait3A_1270] : memref<80x576xf32, #tpu.memory_space<hbm>> -> memref<80x64xf32, #tpu.memory_space<hbm>>
        %dma_wait3A_1272 = arith.constant 0 : i32
        %dma_wait3A_1273 = arith.constant 128 : i32
        %dma_wait3A_1274 = tpu.memref_slice %arg10[%dma_wait3A_1257, %dma_wait3A_1272, %dma_wait3A_1273] : memref<2x80x192xf32, #tpu.memory_space<vmem>> -> memref<1x80x64xf32, #tpu.memory_space<vmem>>
        %dma_wait3A_1275 = tpu.memref_squeeze %dma_wait3A_1274 : memref<1x80x64xf32, #tpu.memory_space<vmem>> -> memref<80x64xf32, #tpu.memory_space<vmem>>
        tpu.wait_dma2 semaphore(%arg18 : memref<!tpu.dma_semaphore, #tpu.memory_space<semaphore_mem>>) src(%dma_wait3A_1275 : memref<80x64xf32, #tpu.memory_space<vmem>>) dst(%dma_wait3A_1271 : memref<80x64xf32, #tpu.memory_space<hbm>>)
        %add3A_1276 = arith.constant 1 : i32
        %add3A_1277 = arith.addi %add3A_535, %add3A_1276 : i32
        %mul3A_1278 = arith.constant 80 : i32
        %mul3A_1279 = arith.muli %add3A_1277, %mul3A_1278 : i32
        %add3A_1280 = arith.addi %mul3A_2, %mul3A_1279 : i32
        %dma_start3A_1281 = arith.constant 1 : i32
        %dma_start3A_1282 = arith.constant 0 : i32
        %dma_start3A_1283 = arith.constant 0 : i32
        %dma_start3A_1284 = tpu.memref_slice %arg10[%dma_start3A_1281, %dma_start3A_1282, %dma_start3A_1283] : memref<2x80x192xf32, #tpu.memory_space<vmem>> -> memref<1x80x192xf32, #tpu.memory_space<vmem>>
        %dma_start3A_1285 = tpu.memref_squeeze %dma_start3A_1284 : memref<1x80x192xf32, #tpu.memory_space<vmem>> -> memref<80x192xf32, #tpu.memory_space<vmem>>
        %dma_start3A_1286 = arith.constant 0 : i32
        %dma_start3A_1287 = tpu.memref_slice %arg5[%add3A_1280, %dma_start3A_1286] : memref<320000x192xf32, #tpu.memory_space<hbm>> -> memref<80x192xf32, #tpu.memory_space<hbm>>
        %dma_start3A_1288 = arith.constant 0 : i32
        %dma_start3A_1289 = arith.constant 0 : i32
        %dma_start3A_1290 = tpu.memref_slice %arg10[%dma_start3A_1281, %dma_start3A_1288, %dma_start3A_1289] : memref<2x80x192xf32, #tpu.memory_space<vmem>> -> memref<1x80x192xf32, #tpu.memory_space<vmem>>
        %dma_start3A_1291 = tpu.memref_squeeze %dma_start3A_1290 : memref<1x80x192xf32, #tpu.memory_space<vmem>> -> memref<80x192xf32, #tpu.memory_space<vmem>>
        %dma_start3A_1292 = arith.constant 0 : i32
        %dma_start3A_1293 = tpu.memref_slice %arg5[%add3A_1280, %dma_start3A_1292] : memref<320000x192xf32, #tpu.memory_space<hbm>> -> memref<80x192xf32, #tpu.memory_space<hbm>>
        tpu.enqueue_dma source(%dma_start3A_1293 : memref<80x192xf32, #tpu.memory_space<hbm>>) target(%dma_start3A_1291 : memref<80x192xf32, #tpu.memory_space<vmem>>) target_semaphore(%arg14 : memref<!tpu.dma_semaphore, #tpu.memory_space<semaphore_mem>>)
      } else {
      }
      %add3A_538 = arith.constant 1 : i32
      %add3A_539 = arith.addi %add3A_535, %add3A_538 : i32
      %mul3A_540 = arith.constant 80 : i32
      %mul3A_541 = arith.muli %add3A_539, %mul3A_540 : i32
      %add3A_542 = arith.addi %mul3A_2, %mul3A_541 : i32
      %dma_wait3A_543 = arith.constant 1 : i32
      %dma_wait3A_544 = arith.constant 0 : i32
      %dma_wait3A_545 = arith.constant 0 : i32
      %dma_wait3A_546 = tpu.memref_slice %arg8[%dma_wait3A_543, %dma_wait3A_544, %dma_wait3A_545] : memref<2x3x80xi32, #tpu.memory_space<vmem>> -> memref<1x1x80xi32, #tpu.memory_space<vmem>>
      %dma_wait3A_547 = tpu.memref_squeeze %dma_wait3A_546 : memref<1x1x80xi32, #tpu.memory_space<vmem>> -> memref<80xi32, #tpu.memory_space<vmem>>
      %dma_wait3A_548 = tpu.memref_slice %arg2[%add3A_542] : memref<320000xi32, #tpu.memory_space<hbm>> -> memref<80xi32, #tpu.memory_space<hbm>>
      %dma_wait3A_549 = arith.constant 0 : i32
      %dma_wait3A_550 = tpu.memref_slice %arg8[%dma_wait3A_543, %dma_wait3A_544, %dma_wait3A_549] : memref<2x3x80xi32, #tpu.memory_space<vmem>> -> memref<1x1x80xi32, #tpu.memory_space<vmem>>
      %dma_wait3A_551 = tpu.memref_squeeze %dma_wait3A_550 : memref<1x1x80xi32, #tpu.memory_space<vmem>> -> memref<80xi32, #tpu.memory_space<vmem>>
      %dma_wait3A_552 = tpu.memref_slice %arg2[%add3A_542] : memref<320000xi32, #tpu.memory_space<hbm>> -> memref<80xi32, #tpu.memory_space<hbm>>
      tpu.wait_dma2 semaphore(%arg12 : memref<!tpu.dma_semaphore, #tpu.memory_space<semaphore_mem>>) src(%dma_wait3A_552 : memref<80xi32, #tpu.memory_space<hbm>>) dst(%dma_wait3A_551 : memref<80xi32, #tpu.memory_space<vmem>>)
      %dma_wait3A_553 = arith.constant 1 : i32
      %dma_wait3A_554 = arith.constant 1 : i32
      %dma_wait3A_555 = arith.constant 0 : i32
      %dma_wait3A_556 = tpu.memref_slice %arg8[%dma_wait3A_553, %dma_wait3A_554, %dma_wait3A_555] : memref<2x3x80xi32, #tpu.memory_space<vmem>> -> memref<1x1x80xi32, #tpu.memory_space<vmem>>
      %dma_wait3A_557 = tpu.memref_squeeze %dma_wait3A_556 : memref<1x1x80xi32, #tpu.memory_space<vmem>> -> memref<80xi32, #tpu.memory_space<vmem>>
      %dma_wait3A_558 = tpu.memref_slice %arg3[%add3A_542] : memref<320000xi32, #tpu.memory_space<hbm>> -> memref<80xi32, #tpu.memory_space<hbm>>
      %dma_wait3A_559 = arith.constant 0 : i32
      %dma_wait3A_560 = tpu.memref_slice %arg8[%dma_wait3A_553, %dma_wait3A_554, %dma_wait3A_559] : memref<2x3x80xi32, #tpu.memory_space<vmem>> -> memref<1x1x80xi32, #tpu.memory_space<vmem>>
      %dma_wait3A_561 = tpu.memref_squeeze %dma_wait3A_560 : memref<1x1x80xi32, #tpu.memory_space<vmem>> -> memref<80xi32, #tpu.memory_space<vmem>>
      %dma_wait3A_562 = tpu.memref_slice %arg3[%add3A_542] : memref<320000xi32, #tpu.memory_space<hbm>> -> memref<80xi32, #tpu.memory_space<hbm>>
      tpu.wait_dma2 semaphore(%arg12 : memref<!tpu.dma_semaphore, #tpu.memory_space<semaphore_mem>>) src(%dma_wait3A_562 : memref<80xi32, #tpu.memory_space<hbm>>) dst(%dma_wait3A_561 : memref<80xi32, #tpu.memory_space<vmem>>)
      %dma_wait3A_563 = arith.constant 1 : i32
      %dma_wait3A_564 = arith.constant 2 : i32
      %dma_wait3A_565 = arith.constant 0 : i32
      %dma_wait3A_566 = tpu.memref_slice %arg8[%dma_wait3A_563, %dma_wait3A_564, %dma_wait3A_565] : memref<2x3x80xi32, #tpu.memory_space<vmem>> -> memref<1x1x80xi32, #tpu.memory_space<vmem>>
      %dma_wait3A_567 = tpu.memref_squeeze %dma_wait3A_566 : memref<1x1x80xi32, #tpu.memory_space<vmem>> -> memref<80xi32, #tpu.memory_space<vmem>>
      %dma_wait3A_568 = tpu.memref_slice %arg4[%add3A_542] : memref<320000xi32, #tpu.memory_space<hbm>> -> memref<80xi32, #tpu.memory_space<hbm>>
      %dma_wait3A_569 = arith.constant 0 : i32
      %dma_wait3A_570 = tpu.memref_slice %arg8[%dma_wait3A_563, %dma_wait3A_564, %dma_wait3A_569] : memref<2x3x80xi32, #tpu.memory_space<vmem>> -> memref<1x1x80xi32, #tpu.memory_space<vmem>>
      %dma_wait3A_571 = tpu.memref_squeeze %dma_wait3A_570 : memref<1x1x80xi32, #tpu.memory_space<vmem>> -> memref<80xi32, #tpu.memory_space<vmem>>
      %dma_wait3A_572 = tpu.memref_slice %arg4[%add3A_542] : memref<320000xi32, #tpu.memory_space<hbm>> -> memref<80xi32, #tpu.memory_space<hbm>>
      tpu.wait_dma2 semaphore(%arg12 : memref<!tpu.dma_semaphore, #tpu.memory_space<semaphore_mem>>) src(%dma_wait3A_572 : memref<80xi32, #tpu.memory_space<hbm>>) dst(%dma_wait3A_571 : memref<80xi32, #tpu.memory_space<vmem>>)
      %dma_start3A_573 = arith.constant 1 : i32
      %dma_start3A_574 = arith.constant 0 : i32
      %dma_start3A_575 = arith.constant 1 : i32
      %dma_start3A_576 = arith.constant 0 : i32
      %dma_start3A_577 = arith.constant 0 : i32
      %dma_start3A_578 = arith.constant 0 : i32
      %dma_start3A_579 = tpu.memref_slice %arg9[%dma_start3A_575, %dma_start3A_576, %dma_start3A_577, %dma_start3A_578] : memref<2x3x80x128xf32, #tpu.memory_space<vmem>> -> memref<1x1x80x128xf32, #tpu.memory_space<vmem>>
      %dma_start3A_580 = tpu.memref_squeeze %dma_start3A_579 : memref<1x1x80x128xf32, #tpu.memory_space<vmem>> -> memref<80x128xf32, #tpu.memory_space<vmem>>
      %dma_start3A_581 = arith.constant 0 : i32
      %dma_start3A_582 = tpu.memref_slice %arg8[%dma_start3A_573, %dma_start3A_574, %dma_start3A_581] : memref<2x3x80xi32, #tpu.memory_space<vmem>> -> memref<1x1x80xi32, #tpu.memory_space<vmem>>
      %dma_start3A_583 = tpu.memref_squeeze %dma_start3A_582 : memref<1x1x80xi32, #tpu.memory_space<vmem>> -> memref<80xi32, #tpu.memory_space<vmem>>
      %dma_start3A_584 = arith.constant 0 : i32
      %dma_start3A_585 = arith.constant 0 : i32
      %dma_start3A_586 = tpu.memref_slice %arg6[%dma_start3A_584, %dma_start3A_585] : memref<10000x128xf32, #tpu.memory_space<hbm>> -> memref<10000x128xf32, #tpu.memory_space<hbm>>
      tpu.enqueue_indirect_dma source(%dma_start3A_586 : memref<10000x128xf32, #tpu.memory_space<hbm>>) target(%dma_start3A_580 : memref<80x128xf32, #tpu.memory_space<vmem>>) offsets(%dma_start3A_583 : memref<80xi32, #tpu.memory_space<vmem>>) semaphore(%arg16 : memref<!tpu.dma_semaphore, #tpu.memory_space<semaphore_mem>>)
      %dma_start3A_587 = arith.constant 1 : i32
      %dma_start3A_588 = arith.constant 1 : i32
      %dma_start3A_589 = arith.constant 1 : i32
      %dma_start3A_590 = arith.constant 1 : i32
      %dma_start3A_591 = arith.constant 0 : i32
      %dma_start3A_592 = arith.constant 0 : i32
      %dma_start3A_593 = tpu.memref_slice %arg9[%dma_start3A_589, %dma_start3A_590, %dma_start3A_591, %dma_start3A_592] : memref<2x3x80x128xf32, #tpu.memory_space<vmem>> -> memref<1x1x80x128xf32, #tpu.memory_space<vmem>>
      %dma_start3A_594 = tpu.memref_squeeze %dma_start3A_593 : memref<1x1x80x128xf32, #tpu.memory_space<vmem>> -> memref<80x128xf32, #tpu.memory_space<vmem>>
      %dma_start3A_595 = arith.constant 0 : i32
      %dma_start3A_596 = tpu.memref_slice %arg8[%dma_start3A_587, %dma_start3A_588, %dma_start3A_595] : memref<2x3x80xi32, #tpu.memory_space<vmem>> -> memref<1x1x80xi32, #tpu.memory_space<vmem>>
      %dma_start3A_597 = tpu.memref_squeeze %dma_start3A_596 : memref<1x1x80xi32, #tpu.memory_space<vmem>> -> memref<80xi32, #tpu.memory_space<vmem>>
      %dma_start3A_598 = arith.constant 0 : i32
      %dma_start3A_599 = arith.constant 0 : i32
      %dma_start3A_600 = tpu.memref_slice %arg6[%dma_start3A_598, %dma_start3A_599] : memref<10000x128xf32, #tpu.memory_space<hbm>> -> memref<10000x128xf32, #tpu.memory_space<hbm>>
      tpu.enqueue_indirect_dma source(%dma_start3A_600 : memref<10000x128xf32, #tpu.memory_space<hbm>>) target(%dma_start3A_594 : memref<80x128xf32, #tpu.memory_space<vmem>>) offsets(%dma_start3A_597 : memref<80xi32, #tpu.memory_space<vmem>>) semaphore(%arg16 : memref<!tpu.dma_semaphore, #tpu.memory_space<semaphore_mem>>)
      %dma_start3A_601 = arith.constant 1 : i32
      %dma_start3A_602 = arith.constant 2 : i32
      %dma_start3A_603 = arith.constant 1 : i32
      %dma_start3A_604 = arith.constant 2 : i32
      %dma_start3A_605 = arith.constant 0 : i32
      %dma_start3A_606 = arith.constant 0 : i32
      %dma_start3A_607 = tpu.memref_slice %arg9[%dma_start3A_603, %dma_start3A_604, %dma_start3A_605, %dma_start3A_606] : memref<2x3x80x128xf32, #tpu.memory_space<vmem>> -> memref<1x1x80x128xf32, #tpu.memory_space<vmem>>
      %dma_start3A_608 = tpu.memref_squeeze %dma_start3A_607 : memref<1x1x80x128xf32, #tpu.memory_space<vmem>> -> memref<80x128xf32, #tpu.memory_space<vmem>>
      %dma_start3A_609 = arith.constant 0 : i32
      %dma_start3A_610 = tpu.memref_slice %arg8[%dma_start3A_601, %dma_start3A_602, %dma_start3A_609] : memref<2x3x80xi32, #tpu.memory_space<vmem>> -> memref<1x1x80xi32, #tpu.memory_space<vmem>>
      %dma_start3A_611 = tpu.memref_squeeze %dma_start3A_610 : memref<1x1x80xi32, #tpu.memory_space<vmem>> -> memref<80xi32, #tpu.memory_space<vmem>>
      %dma_start3A_612 = arith.constant 0 : i32
      %dma_start3A_613 = arith.constant 0 : i32
      %dma_start3A_614 = tpu.memref_slice %arg6[%dma_start3A_612, %dma_start3A_613] : memref<10000x128xf32, #tpu.memory_space<hbm>> -> memref<10000x128xf32, #tpu.memory_space<hbm>>
      tpu.enqueue_indirect_dma source(%dma_start3A_614 : memref<10000x128xf32, #tpu.memory_space<hbm>>) target(%dma_start3A_608 : memref<80x128xf32, #tpu.memory_space<vmem>>) offsets(%dma_start3A_611 : memref<80xi32, #tpu.memory_space<vmem>>) semaphore(%arg16 : memref<!tpu.dma_semaphore, #tpu.memory_space<semaphore_mem>>)
      %dma_wait3A_615 = arith.constant 0 : i32
      %dma_wait3A_616 = arith.constant 0 : i32
      %dma_wait3A_617 = arith.constant 0 : i32
      %dma_wait3A_618 = arith.constant 0 : i32
      %dma_wait3A_619 = arith.constant 0 : i32
      %dma_wait3A_620 = arith.constant 0 : i32
      %dma_wait3A_621 = tpu.memref_slice %arg9[%dma_wait3A_617, %dma_wait3A_618, %dma_wait3A_619, %dma_wait3A_620] : memref<2x3x80x128xf32, #tpu.memory_space<vmem>> -> memref<1x1x80x128xf32, #tpu.memory_space<vmem>>
      %dma_wait3A_622 = tpu.memref_squeeze %dma_wait3A_621 : memref<1x1x80x128xf32, #tpu.memory_space<vmem>> -> memref<80x128xf32, #tpu.memory_space<vmem>>
      %dma_wait3A_623 = arith.constant 0 : i32
      %dma_wait3A_624 = tpu.memref_slice %arg8[%dma_wait3A_615, %dma_wait3A_616, %dma_wait3A_623] : memref<2x3x80xi32, #tpu.memory_space<vmem>> -> memref<1x1x80xi32, #tpu.memory_space<vmem>>
      %dma_wait3A_625 = tpu.memref_squeeze %dma_wait3A_624 : memref<1x1x80xi32, #tpu.memory_space<vmem>> -> memref<80xi32, #tpu.memory_space<vmem>>
      %dma_wait3A_626 = arith.constant 0 : i32
      %dma_wait3A_627 = arith.constant 0 : i32
      %dma_wait3A_628 = tpu.memref_slice %arg6[%dma_wait3A_626, %dma_wait3A_627] : memref<10000x128xf32, #tpu.memory_space<hbm>> -> memref<10000x128xf32, #tpu.memory_space<hbm>>
      tpu.wait_indirect_dma semaphore(%arg15 : memref<!tpu.dma_semaphore, #tpu.memory_space<semaphore_mem>>) src(%dma_wait3A_628 : memref<10000x128xf32, #tpu.memory_space<hbm>>) dst(%dma_wait3A_622 : memref<80x128xf32, #tpu.memory_space<vmem>>)
      %dma_wait3A_629 = arith.constant 0 : i32
      %dma_wait3A_630 = arith.constant 1 : i32
      %dma_wait3A_631 = arith.constant 0 : i32
      %dma_wait3A_632 = arith.constant 1 : i32
      %dma_wait3A_633 = arith.constant 0 : i32
      %dma_wait3A_634 = arith.constant 0 : i32
      %dma_wait3A_635 = tpu.memref_slice %arg9[%dma_wait3A_631, %dma_wait3A_632, %dma_wait3A_633, %dma_wait3A_634] : memref<2x3x80x128xf32, #tpu.memory_space<vmem>> -> memref<1x1x80x128xf32, #tpu.memory_space<vmem>>
      %dma_wait3A_636 = tpu.memref_squeeze %dma_wait3A_635 : memref<1x1x80x128xf32, #tpu.memory_space<vmem>> -> memref<80x128xf32, #tpu.memory_space<vmem>>
      %dma_wait3A_637 = arith.constant 0 : i32
      %dma_wait3A_638 = tpu.memref_slice %arg8[%dma_wait3A_629, %dma_wait3A_630, %dma_wait3A_637] : memref<2x3x80xi32, #tpu.memory_space<vmem>> -> memref<1x1x80xi32, #tpu.memory_space<vmem>>
      %dma_wait3A_639 = tpu.memref_squeeze %dma_wait3A_638 : memref<1x1x80xi32, #tpu.memory_space<vmem>> -> memref<80xi32, #tpu.memory_space<vmem>>
      %dma_wait3A_640 = arith.constant 0 : i32
      %dma_wait3A_641 = arith.constant 0 : i32
      %dma_wait3A_642 = tpu.memref_slice %arg6[%dma_wait3A_640, %dma_wait3A_641] : memref<10000x128xf32, #tpu.memory_space<hbm>> -> memref<10000x128xf32, #tpu.memory_space<hbm>>
      tpu.wait_indirect_dma semaphore(%arg15 : memref<!tpu.dma_semaphore, #tpu.memory_space<semaphore_mem>>) src(%dma_wait3A_642 : memref<10000x128xf32, #tpu.memory_space<hbm>>) dst(%dma_wait3A_636 : memref<80x128xf32, #tpu.memory_space<vmem>>)
      %dma_wait3A_643 = arith.constant 0 : i32
      %dma_wait3A_644 = arith.constant 2 : i32
      %dma_wait3A_645 = arith.constant 0 : i32
      %dma_wait3A_646 = arith.constant 2 : i32
      %dma_wait3A_647 = arith.constant 0 : i32
      %dma_wait3A_648 = arith.constant 0 : i32
      %dma_wait3A_649 = tpu.memref_slice %arg9[%dma_wait3A_645, %dma_wait3A_646, %dma_wait3A_647, %dma_wait3A_648] : memref<2x3x80x128xf32, #tpu.memory_space<vmem>> -> memref<1x1x80x128xf32, #tpu.memory_space<vmem>>
      %dma_wait3A_650 = tpu.memref_squeeze %dma_wait3A_649 : memref<1x1x80x128xf32, #tpu.memory_space<vmem>> -> memref<80x128xf32, #tpu.memory_space<vmem>>
      %dma_wait3A_651 = arith.constant 0 : i32
      %dma_wait3A_652 = tpu.memref_slice %arg8[%dma_wait3A_643, %dma_wait3A_644, %dma_wait3A_651] : memref<2x3x80xi32, #tpu.memory_space<vmem>> -> memref<1x1x80xi32, #tpu.memory_space<vmem>>
      %dma_wait3A_653 = tpu.memref_squeeze %dma_wait3A_652 : memref<1x1x80xi32, #tpu.memory_space<vmem>> -> memref<80xi32, #tpu.memory_space<vmem>>
      %dma_wait3A_654 = arith.constant 0 : i32
      %dma_wait3A_655 = arith.constant 0 : i32
      %dma_wait3A_656 = tpu.memref_slice %arg6[%dma_wait3A_654, %dma_wait3A_655] : memref<10000x128xf32, #tpu.memory_space<hbm>> -> memref<10000x128xf32, #tpu.memory_space<hbm>>
      tpu.wait_indirect_dma semaphore(%arg15 : memref<!tpu.dma_semaphore, #tpu.memory_space<semaphore_mem>>) src(%dma_wait3A_656 : memref<10000x128xf32, #tpu.memory_space<hbm>>) dst(%dma_wait3A_650 : memref<80x128xf32, #tpu.memory_space<vmem>>)
      %add3A_657 = arith.constant 2 : i32
      %add3A_658 = arith.addi %add3A_535, %add3A_657 : i32
      %mul3A_659 = arith.constant 80 : i32
      %mul3A_660 = arith.muli %add3A_658, %mul3A_659 : i32
      %add3A_661 = arith.addi %mul3A_2, %mul3A_660 : i32
      %dma_start3A_662 = arith.constant 0 : i32
      %dma_start3A_663 = arith.constant 0 : i32
      %dma_start3A_664 = arith.constant 0 : i32
      %dma_start3A_665 = tpu.memref_slice %arg8[%dma_start3A_662, %dma_start3A_663, %dma_start3A_664] : memref<2x3x80xi32, #tpu.memory_space<vmem>> -> memref<1x1x80xi32, #tpu.memory_space<vmem>>
      %dma_start3A_666 = tpu.memref_squeeze %dma_start3A_665 : memref<1x1x80xi32, #tpu.memory_space<vmem>> -> memref<80xi32, #tpu.memory_space<vmem>>
      %dma_start3A_667 = tpu.memref_slice %arg2[%add3A_661] : memref<320000xi32, #tpu.memory_space<hbm>> -> memref<80xi32, #tpu.memory_space<hbm>>
      %dma_start3A_668 = arith.constant 0 : i32
      %dma_start3A_669 = tpu.memref_slice %arg8[%dma_start3A_662, %dma_start3A_663, %dma_start3A_668] : memref<2x3x80xi32, #tpu.memory_space<vmem>> -> memref<1x1x80xi32, #tpu.memory_space<vmem>>
      %dma_start3A_670 = tpu.memref_squeeze %dma_start3A_669 : memref<1x1x80xi32, #tpu.memory_space<vmem>> -> memref<80xi32, #tpu.memory_space<vmem>>
      %dma_start3A_671 = tpu.memref_slice %arg2[%add3A_661] : memref<320000xi32, #tpu.memory_space<hbm>> -> memref<80xi32, #tpu.memory_space<hbm>>
      tpu.enqueue_dma source(%dma_start3A_671 : memref<80xi32, #tpu.memory_space<hbm>>) target(%dma_start3A_670 : memref<80xi32, #tpu.memory_space<vmem>>) target_semaphore(%arg11 : memref<!tpu.dma_semaphore, #tpu.memory_space<semaphore_mem>>)
      %dma_start3A_672 = arith.constant 0 : i32
      %dma_start3A_673 = arith.constant 1 : i32
      %dma_start3A_674 = arith.constant 0 : i32
      %dma_start3A_675 = tpu.memref_slice %arg8[%dma_start3A_672, %dma_start3A_673, %dma_start3A_674] : memref<2x3x80xi32, #tpu.memory_space<vmem>> -> memref<1x1x80xi32, #tpu.memory_space<vmem>>
      %dma_start3A_676 = tpu.memref_squeeze %dma_start3A_675 : memref<1x1x80xi32, #tpu.memory_space<vmem>> -> memref<80xi32, #tpu.memory_space<vmem>>
      %dma_start3A_677 = tpu.memref_slice %arg3[%add3A_661] : memref<320000xi32, #tpu.memory_space<hbm>> -> memref<80xi32, #tpu.memory_space<hbm>>
      %dma_start3A_678 = arith.constant 0 : i32
      %dma_start3A_679 = tpu.memref_slice %arg8[%dma_start3A_672, %dma_start3A_673, %dma_start3A_678] : memref<2x3x80xi32, #tpu.memory_space<vmem>> -> memref<1x1x80xi32, #tpu.memory_space<vmem>>
      %dma_start3A_680 = tpu.memref_squeeze %dma_start3A_679 : memref<1x1x80xi32, #tpu.memory_space<vmem>> -> memref<80xi32, #tpu.memory_space<vmem>>
      %dma_start3A_681 = tpu.memref_slice %arg3[%add3A_661] : memref<320000xi32, #tpu.memory_space<hbm>> -> memref<80xi32, #tpu.memory_space<hbm>>
      tpu.enqueue_dma source(%dma_start3A_681 : memref<80xi32, #tpu.memory_space<hbm>>) target(%dma_start3A_680 : memref<80xi32, #tpu.memory_space<vmem>>) target_semaphore(%arg11 : memref<!tpu.dma_semaphore, #tpu.memory_space<semaphore_mem>>)
      %dma_start3A_682 = arith.constant 0 : i32
      %dma_start3A_683 = arith.constant 2 : i32
      %dma_start3A_684 = arith.constant 0 : i32
      %dma_start3A_685 = tpu.memref_slice %arg8[%dma_start3A_682, %dma_start3A_683, %dma_start3A_684] : memref<2x3x80xi32, #tpu.memory_space<vmem>> -> memref<1x1x80xi32, #tpu.memory_space<vmem>>
      %dma_start3A_686 = tpu.memref_squeeze %dma_start3A_685 : memref<1x1x80xi32, #tpu.memory_space<vmem>> -> memref<80xi32, #tpu.memory_space<vmem>>
      %dma_start3A_687 = tpu.memref_slice %arg4[%add3A_661] : memref<320000xi32, #tpu.memory_space<hbm>> -> memref<80xi32, #tpu.memory_space<hbm>>
      %dma_start3A_688 = arith.constant 0 : i32
      %dma_start3A_689 = tpu.memref_slice %arg8[%dma_start3A_682, %dma_start3A_683, %dma_start3A_688] : memref<2x3x80xi32, #tpu.memory_space<vmem>> -> memref<1x1x80xi32, #tpu.memory_space<vmem>>
      %dma_start3A_690 = tpu.memref_squeeze %dma_start3A_689 : memref<1x1x80xi32, #tpu.memory_space<vmem>> -> memref<80xi32, #tpu.memory_space<vmem>>
      %dma_start3A_691 = tpu.memref_slice %arg4[%add3A_661] : memref<320000xi32, #tpu.memory_space<hbm>> -> memref<80xi32, #tpu.memory_space<hbm>>
      tpu.enqueue_dma source(%dma_start3A_691 : memref<80xi32, #tpu.memory_space<hbm>>) target(%dma_start3A_690 : memref<80xi32, #tpu.memory_space<vmem>>) target_semaphore(%arg11 : memref<!tpu.dma_semaphore, #tpu.memory_space<semaphore_mem>>)
      %mul3A_692 = arith.constant 80 : i32
      %mul3A_693 = arith.muli %add3A_535, %mul3A_692 : i32
      %add3A_694 = arith.addi %mul3A_2, %mul3A_693 : i32
      %dma_wait3A_695 = arith.constant 0 : i32
      %dma_wait3A_696 = arith.constant 0 : i32
      %dma_wait3A_697 = arith.constant 0 : i32
      %dma_wait3A_698 = tpu.memref_slice %arg10[%dma_wait3A_695, %dma_wait3A_696, %dma_wait3A_697] : memref<2x80x192xf32, #tpu.memory_space<vmem>> -> memref<1x80x192xf32, #tpu.memory_space<vmem>>
      %dma_wait3A_699 = tpu.memref_squeeze %dma_wait3A_698 : memref<1x80x192xf32, #tpu.memory_space<vmem>> -> memref<80x192xf32, #tpu.memory_space<vmem>>
      %dma_wait3A_700 = arith.constant 0 : i32
      %dma_wait3A_701 = tpu.memref_slice %arg5[%add3A_694, %dma_wait3A_700] : memref<320000x192xf32, #tpu.memory_space<hbm>> -> memref<80x192xf32, #tpu.memory_space<hbm>>
      %dma_wait3A_702 = arith.constant 0 : i32
      %dma_wait3A_703 = arith.constant 0 : i32
      %dma_wait3A_704 = tpu.memref_slice %arg10[%dma_wait3A_695, %dma_wait3A_702, %dma_wait3A_703] : memref<2x80x192xf32, #tpu.memory_space<vmem>> -> memref<1x80x192xf32, #tpu.memory_space<vmem>>
      %dma_wait3A_705 = tpu.memref_squeeze %dma_wait3A_704 : memref<1x80x192xf32, #tpu.memory_space<vmem>> -> memref<80x192xf32, #tpu.memory_space<vmem>>
      %dma_wait3A_706 = arith.constant 0 : i32
      %dma_wait3A_707 = tpu.memref_slice %arg5[%add3A_694, %dma_wait3A_706] : memref<320000x192xf32, #tpu.memory_space<hbm>> -> memref<80x192xf32, #tpu.memory_space<hbm>>
      tpu.wait_dma2 semaphore(%arg13 : memref<!tpu.dma_semaphore, #tpu.memory_space<semaphore_mem>>) src(%dma_wait3A_707 : memref<80x192xf32, #tpu.memory_space<hbm>>) dst(%dma_wait3A_705 : memref<80x192xf32, #tpu.memory_space<vmem>>)
      %mul3A_708 = arith.constant 80 : i32
      %mul3A_709 = arith.muli %add3A_535, %mul3A_708 : i32
      %add3A_710 = arith.addi %mul3A_2, %mul3A_709 : i32
      %dma_start3A_711 = arith.constant 0 : i32
      %dma_start3A_712 = arith.constant 0 : i32
      %dma_start3A_713 = arith.constant 0 : i32
      %dma_start3A_714 = arith.constant 0 : i32
      %dma_start3A_715 = tpu.memref_slice %arg9[%dma_start3A_711, %dma_start3A_712, %dma_start3A_713, %dma_start3A_714] : memref<2x3x80x128xf32, #tpu.memory_space<vmem>> -> memref<1x1x80x128xf32, #tpu.memory_space<vmem>>
      %dma_start3A_716 = tpu.memref_squeeze %dma_start3A_715 : memref<1x1x80x128xf32, #tpu.memory_space<vmem>> -> memref<80x128xf32, #tpu.memory_space<vmem>>
      %dma_start3A_717 = arith.constant 0 : i32
      %dma_start3A_718 = tpu.memref_slice %arg7[%add3A_710, %dma_start3A_717] : memref<320000x576xf32, #tpu.memory_space<hbm>> -> memref<80x576xf32, #tpu.memory_space<hbm>>
      %dma_start3A_719 = arith.constant 0 : i32
      %dma_start3A_720 = arith.constant 0 : i32
      %dma_start3A_721 = tpu.memref_slice %dma_start3A_718[%dma_start3A_719, %dma_start3A_720] : memref<80x576xf32, #tpu.memory_space<hbm>> -> memref<80x128xf32, #tpu.memory_space<hbm>>
      %dma_start3A_722 = arith.constant 0 : i32
      %dma_start3A_723 = tpu.memref_slice %arg7[%add3A_710, %dma_start3A_722] : memref<320000x576xf32, #tpu.memory_space<hbm>> -> memref<80x576xf32, #tpu.memory_space<hbm>>
      %dma_start3A_724 = arith.constant 0 : i32
      %dma_start3A_725 = arith.constant 0 : i32
      %dma_start3A_726 = tpu.memref_slice %dma_start3A_723[%dma_start3A_724, %dma_start3A_725] : memref<80x576xf32, #tpu.memory_space<hbm>> -> memref<80x128xf32, #tpu.memory_space<hbm>>
      %dma_start3A_727 = arith.constant 0 : i32
      %dma_start3A_728 = arith.constant 0 : i32
      %dma_start3A_729 = tpu.memref_slice %arg9[%dma_start3A_711, %dma_start3A_712, %dma_start3A_727, %dma_start3A_728] : memref<2x3x80x128xf32, #tpu.memory_space<vmem>> -> memref<1x1x80x128xf32, #tpu.memory_space<vmem>>
      %dma_start3A_730 = tpu.memref_squeeze %dma_start3A_729 : memref<1x1x80x128xf32, #tpu.memory_space<vmem>> -> memref<80x128xf32, #tpu.memory_space<vmem>>
      tpu.enqueue_dma source(%dma_start3A_730 : memref<80x128xf32, #tpu.memory_space<vmem>>) target(%dma_start3A_726 : memref<80x128xf32, #tpu.memory_space<hbm>>) target_semaphore(%arg17 : memref<!tpu.dma_semaphore, #tpu.memory_space<semaphore_mem>>)
      %dma_start3A_731 = arith.constant 0 : i32
      %dma_start3A_732 = arith.constant 1 : i32
      %dma_start3A_733 = arith.constant 0 : i32
      %dma_start3A_734 = arith.constant 0 : i32
      %dma_start3A_735 = tpu.memref_slice %arg9[%dma_start3A_731, %dma_start3A_732, %dma_start3A_733, %dma_start3A_734] : memref<2x3x80x128xf32, #tpu.memory_space<vmem>> -> memref<1x1x80x128xf32, #tpu.memory_space<vmem>>
      %dma_start3A_736 = tpu.memref_squeeze %dma_start3A_735 : memref<1x1x80x128xf32, #tpu.memory_space<vmem>> -> memref<80x128xf32, #tpu.memory_space<vmem>>
      %dma_start3A_737 = arith.constant 0 : i32
      %dma_start3A_738 = tpu.memref_slice %arg7[%add3A_710, %dma_start3A_737] : memref<320000x576xf32, #tpu.memory_space<hbm>> -> memref<80x576xf32, #tpu.memory_space<hbm>>
      %dma_start3A_739 = arith.constant 0 : i32
      %dma_start3A_740 = arith.constant 128 : i32
      %dma_start3A_741 = tpu.memref_slice %dma_start3A_738[%dma_start3A_739, %dma_start3A_740] : memref<80x576xf32, #tpu.memory_space<hbm>> -> memref<80x128xf32, #tpu.memory_space<hbm>>
      %dma_start3A_742 = arith.constant 0 : i32
      %dma_start3A_743 = tpu.memref_slice %arg7[%add3A_710, %dma_start3A_742] : memref<320000x576xf32, #tpu.memory_space<hbm>> -> memref<80x576xf32, #tpu.memory_space<hbm>>
      %dma_start3A_744 = arith.constant 0 : i32
      %dma_start3A_745 = arith.constant 128 : i32
      %dma_start3A_746 = tpu.memref_slice %dma_start3A_743[%dma_start3A_744, %dma_start3A_745] : memref<80x576xf32, #tpu.memory_space<hbm>> -> memref<80x128xf32, #tpu.memory_space<hbm>>
      %dma_start3A_747 = arith.constant 0 : i32
      %dma_start3A_748 = arith.constant 0 : i32
      %dma_start3A_749 = tpu.memref_slice %arg9[%dma_start3A_731, %dma_start3A_732, %dma_start3A_747, %dma_start3A_748] : memref<2x3x80x128xf32, #tpu.memory_space<vmem>> -> memref<1x1x80x128xf32, #tpu.memory_space<vmem>>
      %dma_start3A_750 = tpu.memref_squeeze %dma_start3A_749 : memref<1x1x80x128xf32, #tpu.memory_space<vmem>> -> memref<80x128xf32, #tpu.memory_space<vmem>>
      tpu.enqueue_dma source(%dma_start3A_750 : memref<80x128xf32, #tpu.memory_space<vmem>>) target(%dma_start3A_746 : memref<80x128xf32, #tpu.memory_space<hbm>>) target_semaphore(%arg17 : memref<!tpu.dma_semaphore, #tpu.memory_space<semaphore_mem>>)
      %dma_start3A_751 = arith.constant 0 : i32
      %dma_start3A_752 = arith.constant 2 : i32
      %dma_start3A_753 = arith.constant 0 : i32
      %dma_start3A_754 = arith.constant 0 : i32
      %dma_start3A_755 = tpu.memref_slice %arg9[%dma_start3A_751, %dma_start3A_752, %dma_start3A_753, %dma_start3A_754] : memref<2x3x80x128xf32, #tpu.memory_space<vmem>> -> memref<1x1x80x128xf32, #tpu.memory_space<vmem>>
      %dma_start3A_756 = tpu.memref_squeeze %dma_start3A_755 : memref<1x1x80x128xf32, #tpu.memory_space<vmem>> -> memref<80x128xf32, #tpu.memory_space<vmem>>
      %dma_start3A_757 = arith.constant 0 : i32
      %dma_start3A_758 = tpu.memref_slice %arg7[%add3A_710, %dma_start3A_757] : memref<320000x576xf32, #tpu.memory_space<hbm>> -> memref<80x576xf32, #tpu.memory_space<hbm>>
      %dma_start3A_759 = arith.constant 0 : i32
      %dma_start3A_760 = arith.constant 256 : i32
      %dma_start3A_761 = tpu.memref_slice %dma_start3A_758[%dma_start3A_759, %dma_start3A_760] : memref<80x576xf32, #tpu.memory_space<hbm>> -> memref<80x128xf32, #tpu.memory_space<hbm>>
      %dma_start3A_762 = arith.constant 0 : i32
      %dma_start3A_763 = tpu.memref_slice %arg7[%add3A_710, %dma_start3A_762] : memref<320000x576xf32, #tpu.memory_space<hbm>> -> memref<80x576xf32, #tpu.memory_space<hbm>>
      %dma_start3A_764 = arith.constant 0 : i32
      %dma_start3A_765 = arith.constant 256 : i32
      %dma_start3A_766 = tpu.memref_slice %dma_start3A_763[%dma_start3A_764, %dma_start3A_765] : memref<80x576xf32, #tpu.memory_space<hbm>> -> memref<80x128xf32, #tpu.memory_space<hbm>>
      %dma_start3A_767 = arith.constant 0 : i32
      %dma_start3A_768 = arith.constant 0 : i32
      %dma_start3A_769 = tpu.memref_slice %arg9[%dma_start3A_751, %dma_start3A_752, %dma_start3A_767, %dma_start3A_768] : memref<2x3x80x128xf32, #tpu.memory_space<vmem>> -> memref<1x1x80x128xf32, #tpu.memory_space<vmem>>
      %dma_start3A_770 = tpu.memref_squeeze %dma_start3A_769 : memref<1x1x80x128xf32, #tpu.memory_space<vmem>> -> memref<80x128xf32, #tpu.memory_space<vmem>>
      tpu.enqueue_dma source(%dma_start3A_770 : memref<80x128xf32, #tpu.memory_space<vmem>>) target(%dma_start3A_766 : memref<80x128xf32, #tpu.memory_space<hbm>>) target_semaphore(%arg17 : memref<!tpu.dma_semaphore, #tpu.memory_space<semaphore_mem>>)
      %dma_start3A_771 = arith.constant 0 : i32
      %dma_start3A_772 = arith.constant 0 : i32
      %dma_start3A_773 = arith.constant 0 : i32
      %dma_start3A_774 = tpu.memref_slice %arg10[%dma_start3A_771, %dma_start3A_772, %dma_start3A_773] : memref<2x80x192xf32, #tpu.memory_space<vmem>> -> memref<1x80x128xf32, #tpu.memory_space<vmem>>
      %dma_start3A_775 = tpu.memref_squeeze %dma_start3A_774 : memref<1x80x128xf32, #tpu.memory_space<vmem>> -> memref<80x128xf32, #tpu.memory_space<vmem>>
      %dma_start3A_776 = arith.constant 0 : i32
      %dma_start3A_777 = tpu.memref_slice %arg7[%add3A_710, %dma_start3A_776] : memref<320000x576xf32, #tpu.memory_space<hbm>> -> memref<80x576xf32, #tpu.memory_space<hbm>>
      %dma_start3A_778 = arith.constant 0 : i32
      %dma_start3A_779 = arith.constant 384 : i32
      %dma_start3A_780 = tpu.memref_slice %dma_start3A_777[%dma_start3A_778, %dma_start3A_779] : memref<80x576xf32, #tpu.memory_space<hbm>> -> memref<80x128xf32, #tpu.memory_space<hbm>>
      %dma_start3A_781 = arith.constant 0 : i32
      %dma_start3A_782 = tpu.memref_slice %arg7[%add3A_710, %dma_start3A_781] : memref<320000x576xf32, #tpu.memory_space<hbm>> -> memref<80x576xf32, #tpu.memory_space<hbm>>
      %dma_start3A_783 = arith.constant 0 : i32
      %dma_start3A_784 = arith.constant 384 : i32
      %dma_start3A_785 = tpu.memref_slice %dma_start3A_782[%dma_start3A_783, %dma_start3A_784] : memref<80x576xf32, #tpu.memory_space<hbm>> -> memref<80x128xf32, #tpu.memory_space<hbm>>
      %dma_start3A_786 = arith.constant 0 : i32
      %dma_start3A_787 = arith.constant 0 : i32
      %dma_start3A_788 = tpu.memref_slice %arg10[%dma_start3A_771, %dma_start3A_786, %dma_start3A_787] : memref<2x80x192xf32, #tpu.memory_space<vmem>> -> memref<1x80x128xf32, #tpu.memory_space<vmem>>
      %dma_start3A_789 = tpu.memref_squeeze %dma_start3A_788 : memref<1x80x128xf32, #tpu.memory_space<vmem>> -> memref<80x128xf32, #tpu.memory_space<vmem>>
      tpu.enqueue_dma source(%dma_start3A_789 : memref<80x128xf32, #tpu.memory_space<vmem>>) target(%dma_start3A_785 : memref<80x128xf32, #tpu.memory_space<hbm>>) target_semaphore(%arg17 : memref<!tpu.dma_semaphore, #tpu.memory_space<semaphore_mem>>)
      %dma_start3A_790 = arith.constant 0 : i32
      %dma_start3A_791 = arith.constant 0 : i32
      %dma_start3A_792 = arith.constant 128 : i32
      %dma_start3A_793 = tpu.memref_slice %arg10[%dma_start3A_790, %dma_start3A_791, %dma_start3A_792] : memref<2x80x192xf32, #tpu.memory_space<vmem>> -> memref<1x80x64xf32, #tpu.memory_space<vmem>>
      %dma_start3A_794 = tpu.memref_squeeze %dma_start3A_793 : memref<1x80x64xf32, #tpu.memory_space<vmem>> -> memref<80x64xf32, #tpu.memory_space<vmem>>
      %dma_start3A_795 = arith.constant 0 : i32
      %dma_start3A_796 = tpu.memref_slice %arg7[%add3A_710, %dma_start3A_795] : memref<320000x576xf32, #tpu.memory_space<hbm>> -> memref<80x576xf32, #tpu.memory_space<hbm>>
      %dma_start3A_797 = arith.constant 0 : i32
      %dma_start3A_798 = arith.constant 512 : i32
      %dma_start3A_799 = tpu.memref_slice %dma_start3A_796[%dma_start3A_797, %dma_start3A_798] : memref<80x576xf32, #tpu.memory_space<hbm>> -> memref<80x64xf32, #tpu.memory_space<hbm>>
      %dma_start3A_800 = arith.constant 0 : i32
      %dma_start3A_801 = tpu.memref_slice %arg7[%add3A_710, %dma_start3A_800] : memref<320000x576xf32, #tpu.memory_space<hbm>> -> memref<80x576xf32, #tpu.memory_space<hbm>>
      %dma_start3A_802 = arith.constant 0 : i32
      %dma_start3A_803 = arith.constant 512 : i32
      %dma_start3A_804 = tpu.memref_slice %dma_start3A_801[%dma_start3A_802, %dma_start3A_803] : memref<80x576xf32, #tpu.memory_space<hbm>> -> memref<80x64xf32, #tpu.memory_space<hbm>>
      %dma_start3A_805 = arith.constant 0 : i32
      %dma_start3A_806 = arith.constant 128 : i32
      %dma_start3A_807 = tpu.memref_slice %arg10[%dma_start3A_790, %dma_start3A_805, %dma_start3A_806] : memref<2x80x192xf32, #tpu.memory_space<vmem>> -> memref<1x80x64xf32, #tpu.memory_space<vmem>>
      %dma_start3A_808 = tpu.memref_squeeze %dma_start3A_807 : memref<1x80x64xf32, #tpu.memory_space<vmem>> -> memref<80x64xf32, #tpu.memory_space<vmem>>
      tpu.enqueue_dma source(%dma_start3A_808 : memref<80x64xf32, #tpu.memory_space<vmem>>) target(%dma_start3A_804 : memref<80x64xf32, #tpu.memory_space<hbm>>) target_semaphore(%arg17 : memref<!tpu.dma_semaphore, #tpu.memory_space<semaphore_mem>>)
      %mul3A_809 = arith.constant 2 : i32
      %mul3A_810 = arith.muli %mul3A_809, %scan3A_531 : i32
      %add3A_811 = arith.constant 1 : i32
      %add3A_812 = arith.addi %mul3A_810, %add3A_811 : i32
      %sub3A = arith.constant 1 : i32
      %sub3A_813 = arith.subi %add3A_812, %sub3A : i32
      %mul3A_814 = arith.constant 80 : i32
      %mul3A_815 = arith.muli %sub3A_813, %mul3A_814 : i32
      %add3A_816 = arith.addi %mul3A_2, %mul3A_815 : i32
      %dma_wait3A_817 = arith.constant 0 : i32
      %dma_wait3A_818 = arith.constant 0 : i32
      %dma_wait3A_819 = arith.constant 0 : i32
      %dma_wait3A_820 = arith.constant 0 : i32
      %dma_wait3A_821 = tpu.memref_slice %arg9[%dma_wait3A_817, %dma_wait3A_818, %dma_wait3A_819, %dma_wait3A_820] : memref<2x3x80x128xf32, #tpu.memory_space<vmem>> -> memref<1x1x80x128xf32, #tpu.memory_space<vmem>>
      %dma_wait3A_822 = tpu.memref_squeeze %dma_wait3A_821 : memref<1x1x80x128xf32, #tpu.memory_space<vmem>> -> memref<80x128xf32, #tpu.memory_space<vmem>>
      %dma_wait3A_823 = arith.constant 0 : i32
      %dma_wait3A_824 = tpu.memref_slice %arg7[%add3A_816, %dma_wait3A_823] : memref<320000x576xf32, #tpu.memory_space<hbm>> -> memref<80x576xf32, #tpu.memory_space<hbm>>
      %dma_wait3A_825 = arith.constant 0 : i32
      %dma_wait3A_826 = arith.constant 0 : i32
      %dma_wait3A_827 = tpu.memref_slice %dma_wait3A_824[%dma_wait3A_825, %dma_wait3A_826] : memref<80x576xf32, #tpu.memory_space<hbm>> -> memref<80x128xf32, #tpu.memory_space<hbm>>
      %dma_wait3A_828 = arith.constant 0 : i32
      %dma_wait3A_829 = tpu.memref_slice %arg7[%add3A_816, %dma_wait3A_828] : memref<320000x576xf32, #tpu.memory_space<hbm>> -> memref<80x576xf32, #tpu.memory_space<hbm>>
      %dma_wait3A_830 = arith.constant 0 : i32
      %dma_wait3A_831 = arith.constant 0 : i32
      %dma_wait3A_832 = tpu.memref_slice %dma_wait3A_829[%dma_wait3A_830, %dma_wait3A_831] : memref<80x576xf32, #tpu.memory_space<hbm>> -> memref<80x128xf32, #tpu.memory_space<hbm>>
      %dma_wait3A_833 = arith.constant 0 : i32
      %dma_wait3A_834 = arith.constant 0 : i32
      %dma_wait3A_835 = tpu.memref_slice %arg9[%dma_wait3A_817, %dma_wait3A_818, %dma_wait3A_833, %dma_wait3A_834] : memref<2x3x80x128xf32, #tpu.memory_space<vmem>> -> memref<1x1x80x128xf32, #tpu.memory_space<vmem>>
      %dma_wait3A_836 = tpu.memref_squeeze %dma_wait3A_835 : memref<1x1x80x128xf32, #tpu.memory_space<vmem>> -> memref<80x128xf32, #tpu.memory_space<vmem>>
      tpu.wait_dma2 semaphore(%arg17 : memref<!tpu.dma_semaphore, #tpu.memory_space<semaphore_mem>>) src(%dma_wait3A_836 : memref<80x128xf32, #tpu.memory_space<vmem>>) dst(%dma_wait3A_832 : memref<80x128xf32, #tpu.memory_space<hbm>>)
      %dma_wait3A_837 = arith.constant 0 : i32
      %dma_wait3A_838 = arith.constant 1 : i32
      %dma_wait3A_839 = arith.constant 0 : i32
      %dma_wait3A_840 = arith.constant 0 : i32
      %dma_wait3A_841 = tpu.memref_slice %arg9[%dma_wait3A_837, %dma_wait3A_838, %dma_wait3A_839, %dma_wait3A_840] : memref<2x3x80x128xf32, #tpu.memory_space<vmem>> -> memref<1x1x80x128xf32, #tpu.memory_space<vmem>>
      %dma_wait3A_842 = tpu.memref_squeeze %dma_wait3A_841 : memref<1x1x80x128xf32, #tpu.memory_space<vmem>> -> memref<80x128xf32, #tpu.memory_space<vmem>>
      %dma_wait3A_843 = arith.constant 0 : i32
      %dma_wait3A_844 = tpu.memref_slice %arg7[%add3A_816, %dma_wait3A_843] : memref<320000x576xf32, #tpu.memory_space<hbm>> -> memref<80x576xf32, #tpu.memory_space<hbm>>
      %dma_wait3A_845 = arith.constant 0 : i32
      %dma_wait3A_846 = arith.constant 128 : i32
      %dma_wait3A_847 = tpu.memref_slice %dma_wait3A_844[%dma_wait3A_845, %dma_wait3A_846] : memref<80x576xf32, #tpu.memory_space<hbm>> -> memref<80x128xf32, #tpu.memory_space<hbm>>
      %dma_wait3A_848 = arith.constant 0 : i32
      %dma_wait3A_849 = tpu.memref_slice %arg7[%add3A_816, %dma_wait3A_848] : memref<320000x576xf32, #tpu.memory_space<hbm>> -> memref<80x576xf32, #tpu.memory_space<hbm>>
      %dma_wait3A_850 = arith.constant 0 : i32
      %dma_wait3A_851 = arith.constant 128 : i32
      %dma_wait3A_852 = tpu.memref_slice %dma_wait3A_849[%dma_wait3A_850, %dma_wait3A_851] : memref<80x576xf32, #tpu.memory_space<hbm>> -> memref<80x128xf32, #tpu.memory_space<hbm>>
      %dma_wait3A_853 = arith.constant 0 : i32
      %dma_wait3A_854 = arith.constant 0 : i32
      %dma_wait3A_855 = tpu.memref_slice %arg9[%dma_wait3A_837, %dma_wait3A_838, %dma_wait3A_853, %dma_wait3A_854] : memref<2x3x80x128xf32, #tpu.memory_space<vmem>> -> memref<1x1x80x128xf32, #tpu.memory_space<vmem>>
      %dma_wait3A_856 = tpu.memref_squeeze %dma_wait3A_855 : memref<1x1x80x128xf32, #tpu.memory_space<vmem>> -> memref<80x128xf32, #tpu.memory_space<vmem>>
      tpu.wait_dma2 semaphore(%arg17 : memref<!tpu.dma_semaphore, #tpu.memory_space<semaphore_mem>>) src(%dma_wait3A_856 : memref<80x128xf32, #tpu.memory_space<vmem>>) dst(%dma_wait3A_852 : memref<80x128xf32, #tpu.memory_space<hbm>>)
      %dma_wait3A_857 = arith.constant 0 : i32
      %dma_wait3A_858 = arith.constant 2 : i32
      %dma_wait3A_859 = arith.constant 0 : i32
      %dma_wait3A_860 = arith.constant 0 : i32
      %dma_wait3A_861 = tpu.memref_slice %arg9[%dma_wait3A_857, %dma_wait3A_858, %dma_wait3A_859, %dma_wait3A_860] : memref<2x3x80x128xf32, #tpu.memory_space<vmem>> -> memref<1x1x80x128xf32, #tpu.memory_space<vmem>>
      %dma_wait3A_862 = tpu.memref_squeeze %dma_wait3A_861 : memref<1x1x80x128xf32, #tpu.memory_space<vmem>> -> memref<80x128xf32, #tpu.memory_space<vmem>>
      %dma_wait3A_863 = arith.constant 0 : i32
      %dma_wait3A_864 = tpu.memref_slice %arg7[%add3A_816, %dma_wait3A_863] : memref<320000x576xf32, #tpu.memory_space<hbm>> -> memref<80x576xf32, #tpu.memory_space<hbm>>
      %dma_wait3A_865 = arith.constant 0 : i32
      %dma_wait3A_866 = arith.constant 256 : i32
      %dma_wait3A_867 = tpu.memref_slice %dma_wait3A_864[%dma_wait3A_865, %dma_wait3A_866] : memref<80x576xf32, #tpu.memory_space<hbm>> -> memref<80x128xf32, #tpu.memory_space<hbm>>
      %dma_wait3A_868 = arith.constant 0 : i32
      %dma_wait3A_869 = tpu.memref_slice %arg7[%add3A_816, %dma_wait3A_868] : memref<320000x576xf32, #tpu.memory_space<hbm>> -> memref<80x576xf32, #tpu.memory_space<hbm>>
      %dma_wait3A_870 = arith.constant 0 : i32
      %dma_wait3A_871 = arith.constant 256 : i32
      %dma_wait3A_872 = tpu.memref_slice %dma_wait3A_869[%dma_wait3A_870, %dma_wait3A_871] : memref<80x576xf32, #tpu.memory_space<hbm>> -> memref<80x128xf32, #tpu.memory_space<hbm>>
      %dma_wait3A_873 = arith.constant 0 : i32
      %dma_wait3A_874 = arith.constant 0 : i32
      %dma_wait3A_875 = tpu.memref_slice %arg9[%dma_wait3A_857, %dma_wait3A_858, %dma_wait3A_873, %dma_wait3A_874] : memref<2x3x80x128xf32, #tpu.memory_space<vmem>> -> memref<1x1x80x128xf32, #tpu.memory_space<vmem>>
      %dma_wait3A_876 = tpu.memref_squeeze %dma_wait3A_875 : memref<1x1x80x128xf32, #tpu.memory_space<vmem>> -> memref<80x128xf32, #tpu.memory_space<vmem>>
      tpu.wait_dma2 semaphore(%arg17 : memref<!tpu.dma_semaphore, #tpu.memory_space<semaphore_mem>>) src(%dma_wait3A_876 : memref<80x128xf32, #tpu.memory_space<vmem>>) dst(%dma_wait3A_872 : memref<80x128xf32, #tpu.memory_space<hbm>>)
      %dma_wait3A_877 = arith.constant 0 : i32
      %dma_wait3A_878 = arith.constant 0 : i32
      %dma_wait3A_879 = arith.constant 0 : i32
      %dma_wait3A_880 = tpu.memref_slice %arg10[%dma_wait3A_877, %dma_wait3A_878, %dma_wait3A_879] : memref<2x80x192xf32, #tpu.memory_space<vmem>> -> memref<1x80x128xf32, #tpu.memory_space<vmem>>
      %dma_wait3A_881 = tpu.memref_squeeze %dma_wait3A_880 : memref<1x80x128xf32, #tpu.memory_space<vmem>> -> memref<80x128xf32, #tpu.memory_space<vmem>>
      %dma_wait3A_882 = arith.constant 0 : i32
      %dma_wait3A_883 = tpu.memref_slice %arg7[%add3A_816, %dma_wait3A_882] : memref<320000x576xf32, #tpu.memory_space<hbm>> -> memref<80x576xf32, #tpu.memory_space<hbm>>
      %dma_wait3A_884 = arith.constant 0 : i32
      %dma_wait3A_885 = arith.constant 384 : i32
      %dma_wait3A_886 = tpu.memref_slice %dma_wait3A_883[%dma_wait3A_884, %dma_wait3A_885] : memref<80x576xf32, #tpu.memory_space<hbm>> -> memref<80x128xf32, #tpu.memory_space<hbm>>
      %dma_wait3A_887 = arith.constant 0 : i32
      %dma_wait3A_888 = tpu.memref_slice %arg7[%add3A_816, %dma_wait3A_887] : memref<320000x576xf32, #tpu.memory_space<hbm>> -> memref<80x576xf32, #tpu.memory_space<hbm>>
      %dma_wait3A_889 = arith.constant 0 : i32
      %dma_wait3A_890 = arith.constant 384 : i32
      %dma_wait3A_891 = tpu.memref_slice %dma_wait3A_888[%dma_wait3A_889, %dma_wait3A_890] : memref<80x576xf32, #tpu.memory_space<hbm>> -> memref<80x128xf32, #tpu.memory_space<hbm>>
      %dma_wait3A_892 = arith.constant 0 : i32
      %dma_wait3A_893 = arith.constant 0 : i32
      %dma_wait3A_894 = tpu.memref_slice %arg10[%dma_wait3A_877, %dma_wait3A_892, %dma_wait3A_893] : memref<2x80x192xf32, #tpu.memory_space<vmem>> -> memref<1x80x128xf32, #tpu.memory_space<vmem>>
      %dma_wait3A_895 = tpu.memref_squeeze %dma_wait3A_894 : memref<1x80x128xf32, #tpu.memory_space<vmem>> -> memref<80x128xf32, #tpu.memory_space<vmem>>
      tpu.wait_dma2 semaphore(%arg17 : memref<!tpu.dma_semaphore, #tpu.memory_space<semaphore_mem>>) src(%dma_wait3A_895 : memref<80x128xf32, #tpu.memory_space<vmem>>) dst(%dma_wait3A_891 : memref<80x128xf32, #tpu.memory_space<hbm>>)
      %dma_wait3A_896 = arith.constant 0 : i32
      %dma_wait3A_897 = arith.constant 0 : i32
      %dma_wait3A_898 = arith.constant 128 : i32
      %dma_wait3A_899 = tpu.memref_slice %arg10[%dma_wait3A_896, %dma_wait3A_897, %dma_wait3A_898] : memref<2x80x192xf32, #tpu.memory_space<vmem>> -> memref<1x80x64xf32, #tpu.memory_space<vmem>>
      %dma_wait3A_900 = tpu.memref_squeeze %dma_wait3A_899 : memref<1x80x64xf32, #tpu.memory_space<vmem>> -> memref<80x64xf32, #tpu.memory_space<vmem>>
      %dma_wait3A_901 = arith.constant 0 : i32
      %dma_wait3A_902 = tpu.memref_slice %arg7[%add3A_816, %dma_wait3A_901] : memref<320000x576xf32, #tpu.memory_space<hbm>> -> memref<80x576xf32, #tpu.memory_space<hbm>>
      %dma_wait3A_903 = arith.constant 0 : i32
      %dma_wait3A_904 = arith.constant 512 : i32
      %dma_wait3A_905 = tpu.memref_slice %dma_wait3A_902[%dma_wait3A_903, %dma_wait3A_904] : memref<80x576xf32, #tpu.memory_space<hbm>> -> memref<80x64xf32, #tpu.memory_space<hbm>>
      %dma_wait3A_906 = arith.constant 0 : i32
      %dma_wait3A_907 = tpu.memref_slice %arg7[%add3A_816, %dma_wait3A_906] : memref<320000x576xf32, #tpu.memory_space<hbm>> -> memref<80x576xf32, #tpu.memory_space<hbm>>
      %dma_wait3A_908 = arith.constant 0 : i32
      %dma_wait3A_909 = arith.constant 512 : i32
      %dma_wait3A_910 = tpu.memref_slice %dma_wait3A_907[%dma_wait3A_908, %dma_wait3A_909] : memref<80x576xf32, #tpu.memory_space<hbm>> -> memref<80x64xf32, #tpu.memory_space<hbm>>
      %dma_wait3A_911 = arith.constant 0 : i32
      %dma_wait3A_912 = arith.constant 128 : i32
      %dma_wait3A_913 = tpu.memref_slice %arg10[%dma_wait3A_896, %dma_wait3A_911, %dma_wait3A_912] : memref<2x80x192xf32, #tpu.memory_space<vmem>> -> memref<1x80x64xf32, #tpu.memory_space<vmem>>
      %dma_wait3A_914 = tpu.memref_squeeze %dma_wait3A_913 : memref<1x80x64xf32, #tpu.memory_space<vmem>> -> memref<80x64xf32, #tpu.memory_space<vmem>>
      tpu.wait_dma2 semaphore(%arg17 : memref<!tpu.dma_semaphore, #tpu.memory_space<semaphore_mem>>) src(%dma_wait3A_914 : memref<80x64xf32, #tpu.memory_space<vmem>>) dst(%dma_wait3A_910 : memref<80x64xf32, #tpu.memory_space<hbm>>)
      %add3A_915 = arith.constant 1 : i32
      %add3A_916 = arith.addi %add3A_812, %add3A_915 : i32
      %mul3A_917 = arith.constant 80 : i32
      %mul3A_918 = arith.muli %add3A_916, %mul3A_917 : i32
      %add3A_919 = arith.addi %mul3A_2, %mul3A_918 : i32
      %dma_start3A_920 = arith.constant 0 : i32
      %dma_start3A_921 = arith.constant 0 : i32
      %dma_start3A_922 = arith.constant 0 : i32
      %dma_start3A_923 = tpu.memref_slice %arg10[%dma_start3A_920, %dma_start3A_921, %dma_start3A_922] : memref<2x80x192xf32, #tpu.memory_space<vmem>> -> memref<1x80x192xf32, #tpu.memory_space<vmem>>
      %dma_start3A_924 = tpu.memref_squeeze %dma_start3A_923 : memref<1x80x192xf32, #tpu.memory_space<vmem>> -> memref<80x192xf32, #tpu.memory_space<vmem>>
      %dma_start3A_925 = arith.constant 0 : i32
      %dma_start3A_926 = tpu.memref_slice %arg5[%add3A_919, %dma_start3A_925] : memref<320000x192xf32, #tpu.memory_space<hbm>> -> memref<80x192xf32, #tpu.memory_space<hbm>>
      %dma_start3A_927 = arith.constant 0 : i32
      %dma_start3A_928 = arith.constant 0 : i32
      %dma_start3A_929 = tpu.memref_slice %arg10[%dma_start3A_920, %dma_start3A_927, %dma_start3A_928] : memref<2x80x192xf32, #tpu.memory_space<vmem>> -> memref<1x80x192xf32, #tpu.memory_space<vmem>>
      %dma_start3A_930 = tpu.memref_squeeze %dma_start3A_929 : memref<1x80x192xf32, #tpu.memory_space<vmem>> -> memref<80x192xf32, #tpu.memory_space<vmem>>
      %dma_start3A_931 = arith.constant 0 : i32
      %dma_start3A_932 = tpu.memref_slice %arg5[%add3A_919, %dma_start3A_931] : memref<320000x192xf32, #tpu.memory_space<hbm>> -> memref<80x192xf32, #tpu.memory_space<hbm>>
      tpu.enqueue_dma source(%dma_start3A_932 : memref<80x192xf32, #tpu.memory_space<hbm>>) target(%dma_start3A_930 : memref<80x192xf32, #tpu.memory_space<vmem>>) target_semaphore(%arg13 : memref<!tpu.dma_semaphore, #tpu.memory_space<semaphore_mem>>)
      %add3A_933 = arith.constant 1 : i32
      %add3A_934 = arith.addi %add3A_812, %add3A_933 : i32
      %mul3A_935 = arith.constant 80 : i32
      %mul3A_936 = arith.muli %add3A_934, %mul3A_935 : i32
      %add3A_937 = arith.addi %mul3A_2, %mul3A_936 : i32
      %dma_wait3A_938 = arith.constant 0 : i32
      %dma_wait3A_939 = arith.constant 0 : i32
      %dma_wait3A_940 = arith.constant 0 : i32
      %dma_wait3A_941 = tpu.memref_slice %arg8[%dma_wait3A_938, %dma_wait3A_939, %dma_wait3A_940] : memref<2x3x80xi32, #tpu.memory_space<vmem>> -> memref<1x1x80xi32, #tpu.memory_space<vmem>>
      %dma_wait3A_942 = tpu.memref_squeeze %dma_wait3A_941 : memref<1x1x80xi32, #tpu.memory_space<vmem>> -> memref<80xi32, #tpu.memory_space<vmem>>
      %dma_wait3A_943 = tpu.memref_slice %arg2[%add3A_937] : memref<320000xi32, #tpu.memory_space<hbm>> -> memref<80xi32, #tpu.memory_space<hbm>>
      %dma_wait3A_944 = arith.constant 0 : i32
      %dma_wait3A_945 = tpu.memref_slice %arg8[%dma_wait3A_938, %dma_wait3A_939, %dma_wait3A_944] : memref<2x3x80xi32, #tpu.memory_space<vmem>> -> memref<1x1x80xi32, #tpu.memory_space<vmem>>
      %dma_wait3A_946 = tpu.memref_squeeze %dma_wait3A_945 : memref<1x1x80xi32, #tpu.memory_space<vmem>> -> memref<80xi32, #tpu.memory_space<vmem>>
      %dma_wait3A_947 = tpu.memref_slice %arg2[%add3A_937] : memref<320000xi32, #tpu.memory_space<hbm>> -> memref<80xi32, #tpu.memory_space<hbm>>
      tpu.wait_dma2 semaphore(%arg11 : memref<!tpu.dma_semaphore, #tpu.memory_space<semaphore_mem>>) src(%dma_wait3A_947 : memref<80xi32, #tpu.memory_space<hbm>>) dst(%dma_wait3A_946 : memref<80xi32, #tpu.memory_space<vmem>>)
      %dma_wait3A_948 = arith.constant 0 : i32
      %dma_wait3A_949 = arith.constant 1 : i32
      %dma_wait3A_950 = arith.constant 0 : i32
      %dma_wait3A_951 = tpu.memref_slice %arg8[%dma_wait3A_948, %dma_wait3A_949, %dma_wait3A_950] : memref<2x3x80xi32, #tpu.memory_space<vmem>> -> memref<1x1x80xi32, #tpu.memory_space<vmem>>
      %dma_wait3A_952 = tpu.memref_squeeze %dma_wait3A_951 : memref<1x1x80xi32, #tpu.memory_space<vmem>> -> memref<80xi32, #tpu.memory_space<vmem>>
      %dma_wait3A_953 = tpu.memref_slice %arg3[%add3A_937] : memref<320000xi32, #tpu.memory_space<hbm>> -> memref<80xi32, #tpu.memory_space<hbm>>
      %dma_wait3A_954 = arith.constant 0 : i32
      %dma_wait3A_955 = tpu.memref_slice %arg8[%dma_wait3A_948, %dma_wait3A_949, %dma_wait3A_954] : memref<2x3x80xi32, #tpu.memory_space<vmem>> -> memref<1x1x80xi32, #tpu.memory_space<vmem>>
      %dma_wait3A_956 = tpu.memref_squeeze %dma_wait3A_955 : memref<1x1x80xi32, #tpu.memory_space<vmem>> -> memref<80xi32, #tpu.memory_space<vmem>>
      %dma_wait3A_957 = tpu.memref_slice %arg3[%add3A_937] : memref<320000xi32, #tpu.memory_space<hbm>> -> memref<80xi32, #tpu.memory_space<hbm>>
      tpu.wait_dma2 semaphore(%arg11 : memref<!tpu.dma_semaphore, #tpu.memory_space<semaphore_mem>>) src(%dma_wait3A_957 : memref<80xi32, #tpu.memory_space<hbm>>) dst(%dma_wait3A_956 : memref<80xi32, #tpu.memory_space<vmem>>)
      %dma_wait3A_958 = arith.constant 0 : i32
      %dma_wait3A_959 = arith.constant 2 : i32
      %dma_wait3A_960 = arith.constant 0 : i32
      %dma_wait3A_961 = tpu.memref_slice %arg8[%dma_wait3A_958, %dma_wait3A_959, %dma_wait3A_960] : memref<2x3x80xi32, #tpu.memory_space<vmem>> -> memref<1x1x80xi32, #tpu.memory_space<vmem>>
      %dma_wait3A_962 = tpu.memref_squeeze %dma_wait3A_961 : memref<1x1x80xi32, #tpu.memory_space<vmem>> -> memref<80xi32, #tpu.memory_space<vmem>>
      %dma_wait3A_963 = tpu.memref_slice %arg4[%add3A_937] : memref<320000xi32, #tpu.memory_space<hbm>> -> memref<80xi32, #tpu.memory_space<hbm>>
      %dma_wait3A_964 = arith.constant 0 : i32
      %dma_wait3A_965 = tpu.memref_slice %arg8[%dma_wait3A_958, %dma_wait3A_959, %dma_wait3A_964] : memref<2x3x80xi32, #tpu.memory_space<vmem>> -> memref<1x1x80xi32, #tpu.memory_space<vmem>>
      %dma_wait3A_966 = tpu.memref_squeeze %dma_wait3A_965 : memref<1x1x80xi32, #tpu.memory_space<vmem>> -> memref<80xi32, #tpu.memory_space<vmem>>
      %dma_wait3A_967 = tpu.memref_slice %arg4[%add3A_937] : memref<320000xi32, #tpu.memory_space<hbm>> -> memref<80xi32, #tpu.memory_space<hbm>>
      tpu.wait_dma2 semaphore(%arg11 : memref<!tpu.dma_semaphore, #tpu.memory_space<semaphore_mem>>) src(%dma_wait3A_967 : memref<80xi32, #tpu.memory_space<hbm>>) dst(%dma_wait3A_966 : memref<80xi32, #tpu.memory_space<vmem>>)
      %dma_start3A_968 = arith.constant 0 : i32
      %dma_start3A_969 = arith.constant 0 : i32
      %dma_start3A_970 = arith.constant 0 : i32
      %dma_start3A_971 = arith.constant 0 : i32
      %dma_start3A_972 = arith.constant 0 : i32
      %dma_start3A_973 = arith.constant 0 : i32
      %dma_start3A_974 = tpu.memref_slice %arg9[%dma_start3A_970, %dma_start3A_971, %dma_start3A_972, %dma_start3A_973] : memref<2x3x80x128xf32, #tpu.memory_space<vmem>> -> memref<1x1x80x128xf32, #tpu.memory_space<vmem>>
      %dma_start3A_975 = tpu.memref_squeeze %dma_start3A_974 : memref<1x1x80x128xf32, #tpu.memory_space<vmem>> -> memref<80x128xf32, #tpu.memory_space<vmem>>
      %dma_start3A_976 = arith.constant 0 : i32
      %dma_start3A_977 = tpu.memref_slice %arg8[%dma_start3A_968, %dma_start3A_969, %dma_start3A_976] : memref<2x3x80xi32, #tpu.memory_space<vmem>> -> memref<1x1x80xi32, #tpu.memory_space<vmem>>
      %dma_start3A_978 = tpu.memref_squeeze %dma_start3A_977 : memref<1x1x80xi32, #tpu.memory_space<vmem>> -> memref<80xi32, #tpu.memory_space<vmem>>
      %dma_start3A_979 = arith.constant 0 : i32
      %dma_start3A_980 = arith.constant 0 : i32
      %dma_start3A_981 = tpu.memref_slice %arg6[%dma_start3A_979, %dma_start3A_980] : memref<10000x128xf32, #tpu.memory_space<hbm>> -> memref<10000x128xf32, #tpu.memory_space<hbm>>
      tpu.enqueue_indirect_dma source(%dma_start3A_981 : memref<10000x128xf32, #tpu.memory_space<hbm>>) target(%dma_start3A_975 : memref<80x128xf32, #tpu.memory_space<vmem>>) offsets(%dma_start3A_978 : memref<80xi32, #tpu.memory_space<vmem>>) semaphore(%arg15 : memref<!tpu.dma_semaphore, #tpu.memory_space<semaphore_mem>>)
      %dma_start3A_982 = arith.constant 0 : i32
      %dma_start3A_983 = arith.constant 1 : i32
      %dma_start3A_984 = arith.constant 0 : i32
      %dma_start3A_985 = arith.constant 1 : i32
      %dma_start3A_986 = arith.constant 0 : i32
      %dma_start3A_987 = arith.constant 0 : i32
      %dma_start3A_988 = tpu.memref_slice %arg9[%dma_start3A_984, %dma_start3A_985, %dma_start3A_986, %dma_start3A_987] : memref<2x3x80x128xf32, #tpu.memory_space<vmem>> -> memref<1x1x80x128xf32, #tpu.memory_space<vmem>>
      %dma_start3A_989 = tpu.memref_squeeze %dma_start3A_988 : memref<1x1x80x128xf32, #tpu.memory_space<vmem>> -> memref<80x128xf32, #tpu.memory_space<vmem>>
      %dma_start3A_990 = arith.constant 0 : i32
      %dma_start3A_991 = tpu.memref_slice %arg8[%dma_start3A_982, %dma_start3A_983, %dma_start3A_990] : memref<2x3x80xi32, #tpu.memory_space<vmem>> -> memref<1x1x80xi32, #tpu.memory_space<vmem>>
      %dma_start3A_992 = tpu.memref_squeeze %dma_start3A_991 : memref<1x1x80xi32, #tpu.memory_space<vmem>> -> memref<80xi32, #tpu.memory_space<vmem>>
      %dma_start3A_993 = arith.constant 0 : i32
      %dma_start3A_994 = arith.constant 0 : i32
      %dma_start3A_995 = tpu.memref_slice %arg6[%dma_start3A_993, %dma_start3A_994] : memref<10000x128xf32, #tpu.memory_space<hbm>> -> memref<10000x128xf32, #tpu.memory_space<hbm>>
      tpu.enqueue_indirect_dma source(%dma_start3A_995 : memref<10000x128xf32, #tpu.memory_space<hbm>>) target(%dma_start3A_989 : memref<80x128xf32, #tpu.memory_space<vmem>>) offsets(%dma_start3A_992 : memref<80xi32, #tpu.memory_space<vmem>>) semaphore(%arg15 : memref<!tpu.dma_semaphore, #tpu.memory_space<semaphore_mem>>)
      %dma_start3A_996 = arith.constant 0 : i32
      %dma_start3A_997 = arith.constant 2 : i32
      %dma_start3A_998 = arith.constant 0 : i32
      %dma_start3A_999 = arith.constant 2 : i32
      %dma_start3A_1000 = arith.constant 0 : i32
      %dma_start3A_1001 = arith.constant 0 : i32
      %dma_start3A_1002 = tpu.memref_slice %arg9[%dma_start3A_998, %dma_start3A_999, %dma_start3A_1000, %dma_start3A_1001] : memref<2x3x80x128xf32, #tpu.memory_space<vmem>> -> memref<1x1x80x128xf32, #tpu.memory_space<vmem>>
      %dma_start3A_1003 = tpu.memref_squeeze %dma_start3A_1002 : memref<1x1x80x128xf32, #tpu.memory_space<vmem>> -> memref<80x128xf32, #tpu.memory_space<vmem>>
      %dma_start3A_1004 = arith.constant 0 : i32
      %dma_start3A_1005 = tpu.memref_slice %arg8[%dma_start3A_996, %dma_start3A_997, %dma_start3A_1004] : memref<2x3x80xi32, #tpu.memory_space<vmem>> -> memref<1x1x80xi32, #tpu.memory_space<vmem>>
      %dma_start3A_1006 = tpu.memref_squeeze %dma_start3A_1005 : memref<1x1x80xi32, #tpu.memory_space<vmem>> -> memref<80xi32, #tpu.memory_space<vmem>>
      %dma_start3A_1007 = arith.constant 0 : i32
      %dma_start3A_1008 = arith.constant 0 : i32
      %dma_start3A_1009 = tpu.memref_slice %arg6[%dma_start3A_1007, %dma_start3A_1008] : memref<10000x128xf32, #tpu.memory_space<hbm>> -> memref<10000x128xf32, #tpu.memory_space<hbm>>
      tpu.enqueue_indirect_dma source(%dma_start3A_1009 : memref<10000x128xf32, #tpu.memory_space<hbm>>) target(%dma_start3A_1003 : memref<80x128xf32, #tpu.memory_space<vmem>>) offsets(%dma_start3A_1006 : memref<80xi32, #tpu.memory_space<vmem>>) semaphore(%arg15 : memref<!tpu.dma_semaphore, #tpu.memory_space<semaphore_mem>>)
      %dma_wait3A_1010 = arith.constant 1 : i32
      %dma_wait3A_1011 = arith.constant 0 : i32
      %dma_wait3A_1012 = arith.constant 1 : i32
      %dma_wait3A_1013 = arith.constant 0 : i32
      %dma_wait3A_1014 = arith.constant 0 : i32
      %dma_wait3A_1015 = arith.constant 0 : i32
      %dma_wait3A_1016 = tpu.memref_slice %arg9[%dma_wait3A_1012, %dma_wait3A_1013, %dma_wait3A_1014, %dma_wait3A_1015] : memref<2x3x80x128xf32, #tpu.memory_space<vmem>> -> memref<1x1x80x128xf32, #tpu.memory_space<vmem>>
      %dma_wait3A_1017 = tpu.memref_squeeze %dma_wait3A_1016 : memref<1x1x80x128xf32, #tpu.memory_space<vmem>> -> memref<80x128xf32, #tpu.memory_space<vmem>>
      %dma_wait3A_1018 = arith.constant 0 : i32
      %dma_wait3A_1019 = tpu.memref_slice %arg8[%dma_wait3A_1010, %dma_wait3A_1011, %dma_wait3A_1018] : memref<2x3x80xi32, #tpu.memory_space<vmem>> -> memref<1x1x80xi32, #tpu.memory_space<vmem>>
      %dma_wait3A_1020 = tpu.memref_squeeze %dma_wait3A_1019 : memref<1x1x80xi32, #tpu.memory_space<vmem>> -> memref<80xi32, #tpu.memory_space<vmem>>
      %dma_wait3A_1021 = arith.constant 0 : i32
      %dma_wait3A_1022 = arith.constant 0 : i32
      %dma_wait3A_1023 = tpu.memref_slice %arg6[%dma_wait3A_1021, %dma_wait3A_1022] : memref<10000x128xf32, #tpu.memory_space<hbm>> -> memref<10000x128xf32, #tpu.memory_space<hbm>>
      tpu.wait_indirect_dma semaphore(%arg16 : memref<!tpu.dma_semaphore, #tpu.memory_space<semaphore_mem>>) src(%dma_wait3A_1023 : memref<10000x128xf32, #tpu.memory_space<hbm>>) dst(%dma_wait3A_1017 : memref<80x128xf32, #tpu.memory_space<vmem>>)
      %dma_wait3A_1024 = arith.constant 1 : i32
      %dma_wait3A_1025 = arith.constant 1 : i32
      %dma_wait3A_1026 = arith.constant 1 : i32
      %dma_wait3A_1027 = arith.constant 1 : i32
      %dma_wait3A_1028 = arith.constant 0 : i32
      %dma_wait3A_1029 = arith.constant 0 : i32
      %dma_wait3A_1030 = tpu.memref_slice %arg9[%dma_wait3A_1026, %dma_wait3A_1027, %dma_wait3A_1028, %dma_wait3A_1029] : memref<2x3x80x128xf32, #tpu.memory_space<vmem>> -> memref<1x1x80x128xf32, #tpu.memory_space<vmem>>
      %dma_wait3A_1031 = tpu.memref_squeeze %dma_wait3A_1030 : memref<1x1x80x128xf32, #tpu.memory_space<vmem>> -> memref<80x128xf32, #tpu.memory_space<vmem>>
      %dma_wait3A_1032 = arith.constant 0 : i32
      %dma_wait3A_1033 = tpu.memref_slice %arg8[%dma_wait3A_1024, %dma_wait3A_1025, %dma_wait3A_1032] : memref<2x3x80xi32, #tpu.memory_space<vmem>> -> memref<1x1x80xi32, #tpu.memory_space<vmem>>
      %dma_wait3A_1034 = tpu.memref_squeeze %dma_wait3A_1033 : memref<1x1x80xi32, #tpu.memory_space<vmem>> -> memref<80xi32, #tpu.memory_space<vmem>>
      %dma_wait3A_1035 = arith.constant 0 : i32
      %dma_wait3A_1036 = arith.constant 0 : i32
      %dma_wait3A_1037 = tpu.memref_slice %arg6[%dma_wait3A_1035, %dma_wait3A_1036] : memref<10000x128xf32, #tpu.memory_space<hbm>> -> memref<10000x128xf32, #tpu.memory_space<hbm>>
      tpu.wait_indirect_dma semaphore(%arg16 : memref<!tpu.dma_semaphore, #tpu.memory_space<semaphore_mem>>) src(%dma_wait3A_1037 : memref<10000x128xf32, #tpu.memory_space<hbm>>) dst(%dma_wait3A_1031 : memref<80x128xf32, #tpu.memory_space<vmem>>)
      %dma_wait3A_1038 = arith.constant 1 : i32
      %dma_wait3A_1039 = arith.constant 2 : i32
      %dma_wait3A_1040 = arith.constant 1 : i32
      %dma_wait3A_1041 = arith.constant 2 : i32
      %dma_wait3A_1042 = arith.constant 0 : i32
      %dma_wait3A_1043 = arith.constant 0 : i32
      %dma_wait3A_1044 = tpu.memref_slice %arg9[%dma_wait3A_1040, %dma_wait3A_1041, %dma_wait3A_1042, %dma_wait3A_1043] : memref<2x3x80x128xf32, #tpu.memory_space<vmem>> -> memref<1x1x80x128xf32, #tpu.memory_space<vmem>>
      %dma_wait3A_1045 = tpu.memref_squeeze %dma_wait3A_1044 : memref<1x1x80x128xf32, #tpu.memory_space<vmem>> -> memref<80x128xf32, #tpu.memory_space<vmem>>
      %dma_wait3A_1046 = arith.constant 0 : i32
      %dma_wait3A_1047 = tpu.memref_slice %arg8[%dma_wait3A_1038, %dma_wait3A_1039, %dma_wait3A_1046] : memref<2x3x80xi32, #tpu.memory_space<vmem>> -> memref<1x1x80xi32, #tpu.memory_space<vmem>>
      %dma_wait3A_1048 = tpu.memref_squeeze %dma_wait3A_1047 : memref<1x1x80xi32, #tpu.memory_space<vmem>> -> memref<80xi32, #tpu.memory_space<vmem>>
      %dma_wait3A_1049 = arith.constant 0 : i32
      %dma_wait3A_1050 = arith.constant 0 : i32
      %dma_wait3A_1051 = tpu.memref_slice %arg6[%dma_wait3A_1049, %dma_wait3A_1050] : memref<10000x128xf32, #tpu.memory_space<hbm>> -> memref<10000x128xf32, #tpu.memory_space<hbm>>
      tpu.wait_indirect_dma semaphore(%arg16 : memref<!tpu.dma_semaphore, #tpu.memory_space<semaphore_mem>>) src(%dma_wait3A_1051 : memref<10000x128xf32, #tpu.memory_space<hbm>>) dst(%dma_wait3A_1045 : memref<80x128xf32, #tpu.memory_space<vmem>>)
      %lt3A = arith.constant 61 : i32
      %lt3A_1052 = arith.cmpi slt, %scan3A_531, %lt3A : i32
      %convert_element_type3A_1053 = arith.extui %lt3A_1052 : i1 to i32
      %cond3A_1054 = arith.constant 0 : i32
      %cond3A_1055 = arith.cmpi ne, %convert_element_type3A_1053, %cond3A_1054 : i32
      scf.if %cond3A_1055 {
        %add3A_1173 = arith.constant 2 : i32
        %add3A_1174 = arith.addi %add3A_812, %add3A_1173 : i32
        %mul3A_1175 = arith.constant 80 : i32
        %mul3A_1176 = arith.muli %add3A_1174, %mul3A_1175 : i32
        %add3A_1177 = arith.addi %mul3A_2, %mul3A_1176 : i32
        %dma_start3A_1178 = arith.constant 1 : i32
        %dma_start3A_1179 = arith.constant 0 : i32
        %dma_start3A_1180 = arith.constant 0 : i32
        %dma_start3A_1181 = tpu.memref_slice %arg8[%dma_start3A_1178, %dma_start3A_1179, %dma_start3A_1180] : memref<2x3x80xi32, #tpu.memory_space<vmem>> -> memref<1x1x80xi32, #tpu.memory_space<vmem>>
        %dma_start3A_1182 = tpu.memref_squeeze %dma_start3A_1181 : memref<1x1x80xi32, #tpu.memory_space<vmem>> -> memref<80xi32, #tpu.memory_space<vmem>>
        %dma_start3A_1183 = tpu.memref_slice %arg2[%add3A_1177] : memref<320000xi32, #tpu.memory_space<hbm>> -> memref<80xi32, #tpu.memory_space<hbm>>
        %dma_start3A_1184 = arith.constant 0 : i32
        %dma_start3A_1185 = tpu.memref_slice %arg8[%dma_start3A_1178, %dma_start3A_1179, %dma_start3A_1184] : memref<2x3x80xi32, #tpu.memory_space<vmem>> -> memref<1x1x80xi32, #tpu.memory_space<vmem>>
        %dma_start3A_1186 = tpu.memref_squeeze %dma_start3A_1185 : memref<1x1x80xi32, #tpu.memory_space<vmem>> -> memref<80xi32, #tpu.memory_space<vmem>>
        %dma_start3A_1187 = tpu.memref_slice %arg2[%add3A_1177] : memref<320000xi32, #tpu.memory_space<hbm>> -> memref<80xi32, #tpu.memory_space<hbm>>
        tpu.enqueue_dma source(%dma_start3A_1187 : memref<80xi32, #tpu.memory_space<hbm>>) target(%dma_start3A_1186 : memref<80xi32, #tpu.memory_space<vmem>>) target_semaphore(%arg12 : memref<!tpu.dma_semaphore, #tpu.memory_space<semaphore_mem>>)
        %dma_start3A_1188 = arith.constant 1 : i32
        %dma_start3A_1189 = arith.constant 1 : i32
        %dma_start3A_1190 = arith.constant 0 : i32
        %dma_start3A_1191 = tpu.memref_slice %arg8[%dma_start3A_1188, %dma_start3A_1189, %dma_start3A_1190] : memref<2x3x80xi32, #tpu.memory_space<vmem>> -> memref<1x1x80xi32, #tpu.memory_space<vmem>>
        %dma_start3A_1192 = tpu.memref_squeeze %dma_start3A_1191 : memref<1x1x80xi32, #tpu.memory_space<vmem>> -> memref<80xi32, #tpu.memory_space<vmem>>
        %dma_start3A_1193 = tpu.memref_slice %arg3[%add3A_1177] : memref<320000xi32, #tpu.memory_space<hbm>> -> memref<80xi32, #tpu.memory_space<hbm>>
        %dma_start3A_1194 = arith.constant 0 : i32
        %dma_start3A_1195 = tpu.memref_slice %arg8[%dma_start3A_1188, %dma_start3A_1189, %dma_start3A_1194] : memref<2x3x80xi32, #tpu.memory_space<vmem>> -> memref<1x1x80xi32, #tpu.memory_space<vmem>>
        %dma_start3A_1196 = tpu.memref_squeeze %dma_start3A_1195 : memref<1x1x80xi32, #tpu.memory_space<vmem>> -> memref<80xi32, #tpu.memory_space<vmem>>
        %dma_start3A_1197 = tpu.memref_slice %arg3[%add3A_1177] : memref<320000xi32, #tpu.memory_space<hbm>> -> memref<80xi32, #tpu.memory_space<hbm>>
        tpu.enqueue_dma source(%dma_start3A_1197 : memref<80xi32, #tpu.memory_space<hbm>>) target(%dma_start3A_1196 : memref<80xi32, #tpu.memory_space<vmem>>) target_semaphore(%arg12 : memref<!tpu.dma_semaphore, #tpu.memory_space<semaphore_mem>>)
        %dma_start3A_1198 = arith.constant 1 : i32
        %dma_start3A_1199 = arith.constant 2 : i32
        %dma_start3A_1200 = arith.constant 0 : i32
        %dma_start3A_1201 = tpu.memref_slice %arg8[%dma_start3A_1198, %dma_start3A_1199, %dma_start3A_1200] : memref<2x3x80xi32, #tpu.memory_space<vmem>> -> memref<1x1x80xi32, #tpu.memory_space<vmem>>
        %dma_start3A_1202 = tpu.memref_squeeze %dma_start3A_1201 : memref<1x1x80xi32, #tpu.memory_space<vmem>> -> memref<80xi32, #tpu.memory_space<vmem>>
        %dma_start3A_1203 = tpu.memref_slice %arg4[%add3A_1177] : memref<320000xi32, #tpu.memory_space<hbm>> -> memref<80xi32, #tpu.memory_space<hbm>>
        %dma_start3A_1204 = arith.constant 0 : i32
        %dma_start3A_1205 = tpu.memref_slice %arg8[%dma_start3A_1198, %dma_start3A_1199, %dma_start3A_1204] : memref<2x3x80xi32, #tpu.memory_space<vmem>> -> memref<1x1x80xi32, #tpu.memory_space<vmem>>
        %dma_start3A_1206 = tpu.memref_squeeze %dma_start3A_1205 : memref<1x1x80xi32, #tpu.memory_space<vmem>> -> memref<80xi32, #tpu.memory_space<vmem>>
        %dma_start3A_1207 = tpu.memref_slice %arg4[%add3A_1177] : memref<320000xi32, #tpu.memory_space<hbm>> -> memref<80xi32, #tpu.memory_space<hbm>>
        tpu.enqueue_dma source(%dma_start3A_1207 : memref<80xi32, #tpu.memory_space<hbm>>) target(%dma_start3A_1206 : memref<80xi32, #tpu.memory_space<vmem>>) target_semaphore(%arg12 : memref<!tpu.dma_semaphore, #tpu.memory_space<semaphore_mem>>)
      } else {
      }
      %mul3A_1056 = arith.constant 80 : i32
      %mul3A_1057 = arith.muli %add3A_812, %mul3A_1056 : i32
      %add3A_1058 = arith.addi %mul3A_2, %mul3A_1057 : i32
      %dma_wait3A_1059 = arith.constant 1 : i32
      %dma_wait3A_1060 = arith.constant 0 : i32
      %dma_wait3A_1061 = arith.constant 0 : i32
      %dma_wait3A_1062 = tpu.memref_slice %arg10[%dma_wait3A_1059, %dma_wait3A_1060, %dma_wait3A_1061] : memref<2x80x192xf32, #tpu.memory_space<vmem>> -> memref<1x80x192xf32, #tpu.memory_space<vmem>>
      %dma_wait3A_1063 = tpu.memref_squeeze %dma_wait3A_1062 : memref<1x80x192xf32, #tpu.memory_space<vmem>> -> memref<80x192xf32, #tpu.memory_space<vmem>>
      %dma_wait3A_1064 = arith.constant 0 : i32
      %dma_wait3A_1065 = tpu.memref_slice %arg5[%add3A_1058, %dma_wait3A_1064] : memref<320000x192xf32, #tpu.memory_space<hbm>> -> memref<80x192xf32, #tpu.memory_space<hbm>>
      %dma_wait3A_1066 = arith.constant 0 : i32
      %dma_wait3A_1067 = arith.constant 0 : i32
      %dma_wait3A_1068 = tpu.memref_slice %arg10[%dma_wait3A_1059, %dma_wait3A_1066, %dma_wait3A_1067] : memref<2x80x192xf32, #tpu.memory_space<vmem>> -> memref<1x80x192xf32, #tpu.memory_space<vmem>>
      %dma_wait3A_1069 = tpu.memref_squeeze %dma_wait3A_1068 : memref<1x80x192xf32, #tpu.memory_space<vmem>> -> memref<80x192xf32, #tpu.memory_space<vmem>>
      %dma_wait3A_1070 = arith.constant 0 : i32
      %dma_wait3A_1071 = tpu.memref_slice %arg5[%add3A_1058, %dma_wait3A_1070] : memref<320000x192xf32, #tpu.memory_space<hbm>> -> memref<80x192xf32, #tpu.memory_space<hbm>>
      tpu.wait_dma2 semaphore(%arg14 : memref<!tpu.dma_semaphore, #tpu.memory_space<semaphore_mem>>) src(%dma_wait3A_1071 : memref<80x192xf32, #tpu.memory_space<hbm>>) dst(%dma_wait3A_1069 : memref<80x192xf32, #tpu.memory_space<vmem>>)
      %mul3A_1072 = arith.constant 80 : i32
      %mul3A_1073 = arith.muli %add3A_812, %mul3A_1072 : i32
      %add3A_1074 = arith.addi %mul3A_2, %mul3A_1073 : i32
      %dma_start3A_1075 = arith.constant 1 : i32
      %dma_start3A_1076 = arith.constant 0 : i32
      %dma_start3A_1077 = arith.constant 0 : i32
      %dma_start3A_1078 = arith.constant 0 : i32
      %dma_start3A_1079 = tpu.memref_slice %arg9[%dma_start3A_1075, %dma_start3A_1076, %dma_start3A_1077, %dma_start3A_1078] : memref<2x3x80x128xf32, #tpu.memory_space<vmem>> -> memref<1x1x80x128xf32, #tpu.memory_space<vmem>>
      %dma_start3A_1080 = tpu.memref_squeeze %dma_start3A_1079 : memref<1x1x80x128xf32, #tpu.memory_space<vmem>> -> memref<80x128xf32, #tpu.memory_space<vmem>>
      %dma_start3A_1081 = arith.constant 0 : i32
      %dma_start3A_1082 = tpu.memref_slice %arg7[%add3A_1074, %dma_start3A_1081] : memref<320000x576xf32, #tpu.memory_space<hbm>> -> memref<80x576xf32, #tpu.memory_space<hbm>>
      %dma_start3A_1083 = arith.constant 0 : i32
      %dma_start3A_1084 = arith.constant 0 : i32
      %dma_start3A_1085 = tpu.memref_slice %dma_start3A_1082[%dma_start3A_1083, %dma_start3A_1084] : memref<80x576xf32, #tpu.memory_space<hbm>> -> memref<80x128xf32, #tpu.memory_space<hbm>>
      %dma_start3A_1086 = arith.constant 0 : i32
      %dma_start3A_1087 = tpu.memref_slice %arg7[%add3A_1074, %dma_start3A_1086] : memref<320000x576xf32, #tpu.memory_space<hbm>> -> memref<80x576xf32, #tpu.memory_space<hbm>>
      %dma_start3A_1088 = arith.constant 0 : i32
      %dma_start3A_1089 = arith.constant 0 : i32
      %dma_start3A_1090 = tpu.memref_slice %dma_start3A_1087[%dma_start3A_1088, %dma_start3A_1089] : memref<80x576xf32, #tpu.memory_space<hbm>> -> memref<80x128xf32, #tpu.memory_space<hbm>>
      %dma_start3A_1091 = arith.constant 0 : i32
      %dma_start3A_1092 = arith.constant 0 : i32
      %dma_start3A_1093 = tpu.memref_slice %arg9[%dma_start3A_1075, %dma_start3A_1076, %dma_start3A_1091, %dma_start3A_1092] : memref<2x3x80x128xf32, #tpu.memory_space<vmem>> -> memref<1x1x80x128xf32, #tpu.memory_space<vmem>>
      %dma_start3A_1094 = tpu.memref_squeeze %dma_start3A_1093 : memref<1x1x80x128xf32, #tpu.memory_space<vmem>> -> memref<80x128xf32, #tpu.memory_space<vmem>>
      tpu.enqueue_dma source(%dma_start3A_1094 : memref<80x128xf32, #tpu.memory_space<vmem>>) target(%dma_start3A_1090 : memref<80x128xf32, #tpu.memory_space<hbm>>) target_semaphore(%arg18 : memref<!tpu.dma_semaphore, #tpu.memory_space<semaphore_mem>>)
      %dma_start3A_1095 = arith.constant 1 : i32
      %dma_start3A_1096 = arith.constant 1 : i32
      %dma_start3A_1097 = arith.constant 0 : i32
      %dma_start3A_1098 = arith.constant 0 : i32
      %dma_start3A_1099 = tpu.memref_slice %arg9[%dma_start3A_1095, %dma_start3A_1096, %dma_start3A_1097, %dma_start3A_1098] : memref<2x3x80x128xf32, #tpu.memory_space<vmem>> -> memref<1x1x80x128xf32, #tpu.memory_space<vmem>>
      %dma_start3A_1100 = tpu.memref_squeeze %dma_start3A_1099 : memref<1x1x80x128xf32, #tpu.memory_space<vmem>> -> memref<80x128xf32, #tpu.memory_space<vmem>>
      %dma_start3A_1101 = arith.constant 0 : i32
      %dma_start3A_1102 = tpu.memref_slice %arg7[%add3A_1074, %dma_start3A_1101] : memref<320000x576xf32, #tpu.memory_space<hbm>> -> memref<80x576xf32, #tpu.memory_space<hbm>>
      %dma_start3A_1103 = arith.constant 0 : i32
      %dma_start3A_1104 = arith.constant 128 : i32
      %dma_start3A_1105 = tpu.memref_slice %dma_start3A_1102[%dma_start3A_1103, %dma_start3A_1104] : memref<80x576xf32, #tpu.memory_space<hbm>> -> memref<80x128xf32, #tpu.memory_space<hbm>>
      %dma_start3A_1106 = arith.constant 0 : i32
      %dma_start3A_1107 = tpu.memref_slice %arg7[%add3A_1074, %dma_start3A_1106] : memref<320000x576xf32, #tpu.memory_space<hbm>> -> memref<80x576xf32, #tpu.memory_space<hbm>>
      %dma_start3A_1108 = arith.constant 0 : i32
      %dma_start3A_1109 = arith.constant 128 : i32
      %dma_start3A_1110 = tpu.memref_slice %dma_start3A_1107[%dma_start3A_1108, %dma_start3A_1109] : memref<80x576xf32, #tpu.memory_space<hbm>> -> memref<80x128xf32, #tpu.memory_space<hbm>>
      %dma_start3A_1111 = arith.constant 0 : i32
      %dma_start3A_1112 = arith.constant 0 : i32
      %dma_start3A_1113 = tpu.memref_slice %arg9[%dma_start3A_1095, %dma_start3A_1096, %dma_start3A_1111, %dma_start3A_1112] : memref<2x3x80x128xf32, #tpu.memory_space<vmem>> -> memref<1x1x80x128xf32, #tpu.memory_space<vmem>>
      %dma_start3A_1114 = tpu.memref_squeeze %dma_start3A_1113 : memref<1x1x80x128xf32, #tpu.memory_space<vmem>> -> memref<80x128xf32, #tpu.memory_space<vmem>>
      tpu.enqueue_dma source(%dma_start3A_1114 : memref<80x128xf32, #tpu.memory_space<vmem>>) target(%dma_start3A_1110 : memref<80x128xf32, #tpu.memory_space<hbm>>) target_semaphore(%arg18 : memref<!tpu.dma_semaphore, #tpu.memory_space<semaphore_mem>>)
      %dma_start3A_1115 = arith.constant 1 : i32
      %dma_start3A_1116 = arith.constant 2 : i32
      %dma_start3A_1117 = arith.constant 0 : i32
      %dma_start3A_1118 = arith.constant 0 : i32
      %dma_start3A_1119 = tpu.memref_slice %arg9[%dma_start3A_1115, %dma_start3A_1116, %dma_start3A_1117, %dma_start3A_1118] : memref<2x3x80x128xf32, #tpu.memory_space<vmem>> -> memref<1x1x80x128xf32, #tpu.memory_space<vmem>>
      %dma_start3A_1120 = tpu.memref_squeeze %dma_start3A_1119 : memref<1x1x80x128xf32, #tpu.memory_space<vmem>> -> memref<80x128xf32, #tpu.memory_space<vmem>>
      %dma_start3A_1121 = arith.constant 0 : i32
      %dma_start3A_1122 = tpu.memref_slice %arg7[%add3A_1074, %dma_start3A_1121] : memref<320000x576xf32, #tpu.memory_space<hbm>> -> memref<80x576xf32, #tpu.memory_space<hbm>>
      %dma_start3A_1123 = arith.constant 0 : i32
      %dma_start3A_1124 = arith.constant 256 : i32
      %dma_start3A_1125 = tpu.memref_slice %dma_start3A_1122[%dma_start3A_1123, %dma_start3A_1124] : memref<80x576xf32, #tpu.memory_space<hbm>> -> memref<80x128xf32, #tpu.memory_space<hbm>>
      %dma_start3A_1126 = arith.constant 0 : i32
      %dma_start3A_1127 = tpu.memref_slice %arg7[%add3A_1074, %dma_start3A_1126] : memref<320000x576xf32, #tpu.memory_space<hbm>> -> memref<80x576xf32, #tpu.memory_space<hbm>>
      %dma_start3A_1128 = arith.constant 0 : i32
      %dma_start3A_1129 = arith.constant 256 : i32
      %dma_start3A_1130 = tpu.memref_slice %dma_start3A_1127[%dma_start3A_1128, %dma_start3A_1129] : memref<80x576xf32, #tpu.memory_space<hbm>> -> memref<80x128xf32, #tpu.memory_space<hbm>>
      %dma_start3A_1131 = arith.constant 0 : i32
      %dma_start3A_1132 = arith.constant 0 : i32
      %dma_start3A_1133 = tpu.memref_slice %arg9[%dma_start3A_1115, %dma_start3A_1116, %dma_start3A_1131, %dma_start3A_1132] : memref<2x3x80x128xf32, #tpu.memory_space<vmem>> -> memref<1x1x80x128xf32, #tpu.memory_space<vmem>>
      %dma_start3A_1134 = tpu.memref_squeeze %dma_start3A_1133 : memref<1x1x80x128xf32, #tpu.memory_space<vmem>> -> memref<80x128xf32, #tpu.memory_space<vmem>>
      tpu.enqueue_dma source(%dma_start3A_1134 : memref<80x128xf32, #tpu.memory_space<vmem>>) target(%dma_start3A_1130 : memref<80x128xf32, #tpu.memory_space<hbm>>) target_semaphore(%arg18 : memref<!tpu.dma_semaphore, #tpu.memory_space<semaphore_mem>>)
      %dma_start3A_1135 = arith.constant 1 : i32
      %dma_start3A_1136 = arith.constant 0 : i32
      %dma_start3A_1137 = arith.constant 0 : i32
      %dma_start3A_1138 = tpu.memref_slice %arg10[%dma_start3A_1135, %dma_start3A_1136, %dma_start3A_1137] : memref<2x80x192xf32, #tpu.memory_space<vmem>> -> memref<1x80x128xf32, #tpu.memory_space<vmem>>
      %dma_start3A_1139 = tpu.memref_squeeze %dma_start3A_1138 : memref<1x80x128xf32, #tpu.memory_space<vmem>> -> memref<80x128xf32, #tpu.memory_space<vmem>>
      %dma_start3A_1140 = arith.constant 0 : i32
      %dma_start3A_1141 = tpu.memref_slice %arg7[%add3A_1074, %dma_start3A_1140] : memref<320000x576xf32, #tpu.memory_space<hbm>> -> memref<80x576xf32, #tpu.memory_space<hbm>>
      %dma_start3A_1142 = arith.constant 0 : i32
      %dma_start3A_1143 = arith.constant 384 : i32
      %dma_start3A_1144 = tpu.memref_slice %dma_start3A_1141[%dma_start3A_1142, %dma_start3A_1143] : memref<80x576xf32, #tpu.memory_space<hbm>> -> memref<80x128xf32, #tpu.memory_space<hbm>>
      %dma_start3A_1145 = arith.constant 0 : i32
      %dma_start3A_1146 = tpu.memref_slice %arg7[%add3A_1074, %dma_start3A_1145] : memref<320000x576xf32, #tpu.memory_space<hbm>> -> memref<80x576xf32, #tpu.memory_space<hbm>>
      %dma_start3A_1147 = arith.constant 0 : i32
      %dma_start3A_1148 = arith.constant 384 : i32
      %dma_start3A_1149 = tpu.memref_slice %dma_start3A_1146[%dma_start3A_1147, %dma_start3A_1148] : memref<80x576xf32, #tpu.memory_space<hbm>> -> memref<80x128xf32, #tpu.memory_space<hbm>>
      %dma_start3A_1150 = arith.constant 0 : i32
      %dma_start3A_1151 = arith.constant 0 : i32
      %dma_start3A_1152 = tpu.memref_slice %arg10[%dma_start3A_1135, %dma_start3A_1150, %dma_start3A_1151] : memref<2x80x192xf32, #tpu.memory_space<vmem>> -> memref<1x80x128xf32, #tpu.memory_space<vmem>>
      %dma_start3A_1153 = tpu.memref_squeeze %dma_start3A_1152 : memref<1x80x128xf32, #tpu.memory_space<vmem>> -> memref<80x128xf32, #tpu.memory_space<vmem>>
      tpu.enqueue_dma source(%dma_start3A_1153 : memref<80x128xf32, #tpu.memory_space<vmem>>) target(%dma_start3A_1149 : memref<80x128xf32, #tpu.memory_space<hbm>>) target_semaphore(%arg18 : memref<!tpu.dma_semaphore, #tpu.memory_space<semaphore_mem>>)
      %dma_start3A_1154 = arith.constant 1 : i32
      %dma_start3A_1155 = arith.constant 0 : i32
      %dma_start3A_1156 = arith.constant 128 : i32
      %dma_start3A_1157 = tpu.memref_slice %arg10[%dma_start3A_1154, %dma_start3A_1155, %dma_start3A_1156] : memref<2x80x192xf32, #tpu.memory_space<vmem>> -> memref<1x80x64xf32, #tpu.memory_space<vmem>>
      %dma_start3A_1158 = tpu.memref_squeeze %dma_start3A_1157 : memref<1x80x64xf32, #tpu.memory_space<vmem>> -> memref<80x64xf32, #tpu.memory_space<vmem>>
      %dma_start3A_1159 = arith.constant 0 : i32
      %dma_start3A_1160 = tpu.memref_slice %arg7[%add3A_1074, %dma_start3A_1159] : memref<320000x576xf32, #tpu.memory_space<hbm>> -> memref<80x576xf32, #tpu.memory_space<hbm>>
      %dma_start3A_1161 = arith.constant 0 : i32
      %dma_start3A_1162 = arith.constant 512 : i32
      %dma_start3A_1163 = tpu.memref_slice %dma_start3A_1160[%dma_start3A_1161, %dma_start3A_1162] : memref<80x576xf32, #tpu.memory_space<hbm>> -> memref<80x64xf32, #tpu.memory_space<hbm>>
      %dma_start3A_1164 = arith.constant 0 : i32
      %dma_start3A_1165 = tpu.memref_slice %arg7[%add3A_1074, %dma_start3A_1164] : memref<320000x576xf32, #tpu.memory_space<hbm>> -> memref<80x576xf32, #tpu.memory_space<hbm>>
      %dma_start3A_1166 = arith.constant 0 : i32
      %dma_start3A_1167 = arith.constant 512 : i32
      %dma_start3A_1168 = tpu.memref_slice %dma_start3A_1165[%dma_start3A_1166, %dma_start3A_1167] : memref<80x576xf32, #tpu.memory_space<hbm>> -> memref<80x64xf32, #tpu.memory_space<hbm>>
      %dma_start3A_1169 = arith.constant 0 : i32
      %dma_start3A_1170 = arith.constant 128 : i32
      %dma_start3A_1171 = tpu.memref_slice %arg10[%dma_start3A_1154, %dma_start3A_1169, %dma_start3A_1170] : memref<2x80x192xf32, #tpu.memory_space<vmem>> -> memref<1x80x64xf32, #tpu.memory_space<vmem>>
      %dma_start3A_1172 = tpu.memref_squeeze %dma_start3A_1171 : memref<1x80x64xf32, #tpu.memory_space<vmem>> -> memref<80x64xf32, #tpu.memory_space<vmem>>
      tpu.enqueue_dma source(%dma_start3A_1172 : memref<80x64xf32, #tpu.memory_space<vmem>>) target(%dma_start3A_1168 : memref<80x64xf32, #tpu.memory_space<hbm>>) target_semaphore(%arg18 : memref<!tpu.dma_semaphore, #tpu.memory_space<semaphore_mem>>)
    }
    %scan3A_173 = arith.constant 62 : i32
    %dma_wait3A_174 = arith.constant 0 : i32
    %dma_wait3A_175 = arith.constant 0 : i32
    %dma_wait3A_176 = arith.constant 0 : i32
    %dma_wait3A_177 = arith.constant 0 : i32
    %dma_wait3A_178 = arith.constant 0 : i32
    %dma_wait3A_179 = arith.constant 0 : i32
    %dma_wait3A_180 = tpu.memref_slice %arg9[%dma_wait3A_176, %dma_wait3A_177, %dma_wait3A_178, %dma_wait3A_179] : memref<2x3x80x128xf32, #tpu.memory_space<vmem>> -> memref<1x1x80x128xf32, #tpu.memory_space<vmem>>
    %dma_wait3A_181 = tpu.memref_squeeze %dma_wait3A_180 : memref<1x1x80x128xf32, #tpu.memory_space<vmem>> -> memref<80x128xf32, #tpu.memory_space<vmem>>
    %dma_wait3A_182 = arith.constant 0 : i32
    %dma_wait3A_183 = tpu.memref_slice %arg8[%dma_wait3A_174, %dma_wait3A_175, %dma_wait3A_182] : memref<2x3x80xi32, #tpu.memory_space<vmem>> -> memref<1x1x80xi32, #tpu.memory_space<vmem>>
    %dma_wait3A_184 = tpu.memref_squeeze %dma_wait3A_183 : memref<1x1x80xi32, #tpu.memory_space<vmem>> -> memref<80xi32, #tpu.memory_space<vmem>>
    %dma_wait3A_185 = arith.constant 0 : i32
    %dma_wait3A_186 = arith.constant 0 : i32
    %dma_wait3A_187 = tpu.memref_slice %arg6[%dma_wait3A_185, %dma_wait3A_186] : memref<10000x128xf32, #tpu.memory_space<hbm>> -> memref<10000x128xf32, #tpu.memory_space<hbm>>
    tpu.wait_indirect_dma semaphore(%arg15 : memref<!tpu.dma_semaphore, #tpu.memory_space<semaphore_mem>>) src(%dma_wait3A_187 : memref<10000x128xf32, #tpu.memory_space<hbm>>) dst(%dma_wait3A_181 : memref<80x128xf32, #tpu.memory_space<vmem>>)
    %dma_wait3A_188 = arith.constant 0 : i32
    %dma_wait3A_189 = arith.constant 1 : i32
    %dma_wait3A_190 = arith.constant 0 : i32
    %dma_wait3A_191 = arith.constant 1 : i32
    %dma_wait3A_192 = arith.constant 0 : i32
    %dma_wait3A_193 = arith.constant 0 : i32
    %dma_wait3A_194 = tpu.memref_slice %arg9[%dma_wait3A_190, %dma_wait3A_191, %dma_wait3A_192, %dma_wait3A_193] : memref<2x3x80x128xf32, #tpu.memory_space<vmem>> -> memref<1x1x80x128xf32, #tpu.memory_space<vmem>>
    %dma_wait3A_195 = tpu.memref_squeeze %dma_wait3A_194 : memref<1x1x80x128xf32, #tpu.memory_space<vmem>> -> memref<80x128xf32, #tpu.memory_space<vmem>>
    %dma_wait3A_196 = arith.constant 0 : i32
    %dma_wait3A_197 = tpu.memref_slice %arg8[%dma_wait3A_188, %dma_wait3A_189, %dma_wait3A_196] : memref<2x3x80xi32, #tpu.memory_space<vmem>> -> memref<1x1x80xi32, #tpu.memory_space<vmem>>
    %dma_wait3A_198 = tpu.memref_squeeze %dma_wait3A_197 : memref<1x1x80xi32, #tpu.memory_space<vmem>> -> memref<80xi32, #tpu.memory_space<vmem>>
    %dma_wait3A_199 = arith.constant 0 : i32
    %dma_wait3A_200 = arith.constant 0 : i32
    %dma_wait3A_201 = tpu.memref_slice %arg6[%dma_wait3A_199, %dma_wait3A_200] : memref<10000x128xf32, #tpu.memory_space<hbm>> -> memref<10000x128xf32, #tpu.memory_space<hbm>>
    tpu.wait_indirect_dma semaphore(%arg15 : memref<!tpu.dma_semaphore, #tpu.memory_space<semaphore_mem>>) src(%dma_wait3A_201 : memref<10000x128xf32, #tpu.memory_space<hbm>>) dst(%dma_wait3A_195 : memref<80x128xf32, #tpu.memory_space<vmem>>)
    %dma_wait3A_202 = arith.constant 0 : i32
    %dma_wait3A_203 = arith.constant 2 : i32
    %dma_wait3A_204 = arith.constant 0 : i32
    %dma_wait3A_205 = arith.constant 2 : i32
    %dma_wait3A_206 = arith.constant 0 : i32
    %dma_wait3A_207 = arith.constant 0 : i32
    %dma_wait3A_208 = tpu.memref_slice %arg9[%dma_wait3A_204, %dma_wait3A_205, %dma_wait3A_206, %dma_wait3A_207] : memref<2x3x80x128xf32, #tpu.memory_space<vmem>> -> memref<1x1x80x128xf32, #tpu.memory_space<vmem>>
    %dma_wait3A_209 = tpu.memref_squeeze %dma_wait3A_208 : memref<1x1x80x128xf32, #tpu.memory_space<vmem>> -> memref<80x128xf32, #tpu.memory_space<vmem>>
    %dma_wait3A_210 = arith.constant 0 : i32
    %dma_wait3A_211 = tpu.memref_slice %arg8[%dma_wait3A_202, %dma_wait3A_203, %dma_wait3A_210] : memref<2x3x80xi32, #tpu.memory_space<vmem>> -> memref<1x1x80xi32, #tpu.memory_space<vmem>>
    %dma_wait3A_212 = tpu.memref_squeeze %dma_wait3A_211 : memref<1x1x80xi32, #tpu.memory_space<vmem>> -> memref<80xi32, #tpu.memory_space<vmem>>
    %dma_wait3A_213 = arith.constant 0 : i32
    %dma_wait3A_214 = arith.constant 0 : i32
    %dma_wait3A_215 = tpu.memref_slice %arg6[%dma_wait3A_213, %dma_wait3A_214] : memref<10000x128xf32, #tpu.memory_space<hbm>> -> memref<10000x128xf32, #tpu.memory_space<hbm>>
    tpu.wait_indirect_dma semaphore(%arg15 : memref<!tpu.dma_semaphore, #tpu.memory_space<semaphore_mem>>) src(%dma_wait3A_215 : memref<10000x128xf32, #tpu.memory_space<hbm>>) dst(%dma_wait3A_209 : memref<80x128xf32, #tpu.memory_space<vmem>>)
    %add3A_216 = arith.constant 9920 : i32
    %add3A_217 = arith.addi %mul3A_2, %add3A_216 : i32
    %dma_wait3A_218 = arith.constant 0 : i32
    %dma_wait3A_219 = arith.constant 0 : i32
    %dma_wait3A_220 = arith.constant 0 : i32
    %dma_wait3A_221 = tpu.memref_slice %arg10[%dma_wait3A_218, %dma_wait3A_219, %dma_wait3A_220] : memref<2x80x192xf32, #tpu.memory_space<vmem>> -> memref<1x80x192xf32, #tpu.memory_space<vmem>>
    %dma_wait3A_222 = tpu.memref_squeeze %dma_wait3A_221 : memref<1x80x192xf32, #tpu.memory_space<vmem>> -> memref<80x192xf32, #tpu.memory_space<vmem>>
    %dma_wait3A_223 = arith.constant 0 : i32
    %dma_wait3A_224 = tpu.memref_slice %arg5[%add3A_217, %dma_wait3A_223] : memref<320000x192xf32, #tpu.memory_space<hbm>> -> memref<80x192xf32, #tpu.memory_space<hbm>>
    %dma_wait3A_225 = arith.constant 0 : i32
    %dma_wait3A_226 = arith.constant 0 : i32
    %dma_wait3A_227 = tpu.memref_slice %arg10[%dma_wait3A_218, %dma_wait3A_225, %dma_wait3A_226] : memref<2x80x192xf32, #tpu.memory_space<vmem>> -> memref<1x80x192xf32, #tpu.memory_space<vmem>>
    %dma_wait3A_228 = tpu.memref_squeeze %dma_wait3A_227 : memref<1x80x192xf32, #tpu.memory_space<vmem>> -> memref<80x192xf32, #tpu.memory_space<vmem>>
    %dma_wait3A_229 = arith.constant 0 : i32
    %dma_wait3A_230 = tpu.memref_slice %arg5[%add3A_217, %dma_wait3A_229] : memref<320000x192xf32, #tpu.memory_space<hbm>> -> memref<80x192xf32, #tpu.memory_space<hbm>>
    tpu.wait_dma2 semaphore(%arg13 : memref<!tpu.dma_semaphore, #tpu.memory_space<semaphore_mem>>) src(%dma_wait3A_230 : memref<80x192xf32, #tpu.memory_space<hbm>>) dst(%dma_wait3A_228 : memref<80x192xf32, #tpu.memory_space<vmem>>)
    %add3A_231 = arith.constant 9920 : i32
    %add3A_232 = arith.addi %mul3A_2, %add3A_231 : i32
    %dma_start3A_233 = arith.constant 0 : i32
    %dma_start3A_234 = arith.constant 0 : i32
    %dma_start3A_235 = arith.constant 0 : i32
    %dma_start3A_236 = arith.constant 0 : i32
    %dma_start3A_237 = tpu.memref_slice %arg9[%dma_start3A_233, %dma_start3A_234, %dma_start3A_235, %dma_start3A_236] : memref<2x3x80x128xf32, #tpu.memory_space<vmem>> -> memref<1x1x80x128xf32, #tpu.memory_space<vmem>>
    %dma_start3A_238 = tpu.memref_squeeze %dma_start3A_237 : memref<1x1x80x128xf32, #tpu.memory_space<vmem>> -> memref<80x128xf32, #tpu.memory_space<vmem>>
    %dma_start3A_239 = arith.constant 0 : i32
    %dma_start3A_240 = tpu.memref_slice %arg7[%add3A_232, %dma_start3A_239] : memref<320000x576xf32, #tpu.memory_space<hbm>> -> memref<80x576xf32, #tpu.memory_space<hbm>>
    %dma_start3A_241 = arith.constant 0 : i32
    %dma_start3A_242 = arith.constant 0 : i32
    %dma_start3A_243 = tpu.memref_slice %dma_start3A_240[%dma_start3A_241, %dma_start3A_242] : memref<80x576xf32, #tpu.memory_space<hbm>> -> memref<80x128xf32, #tpu.memory_space<hbm>>
    %dma_start3A_244 = arith.constant 0 : i32
    %dma_start3A_245 = tpu.memref_slice %arg7[%add3A_232, %dma_start3A_244] : memref<320000x576xf32, #tpu.memory_space<hbm>> -> memref<80x576xf32, #tpu.memory_space<hbm>>
    %dma_start3A_246 = arith.constant 0 : i32
    %dma_start3A_247 = arith.constant 0 : i32
    %dma_start3A_248 = tpu.memref_slice %dma_start3A_245[%dma_start3A_246, %dma_start3A_247] : memref<80x576xf32, #tpu.memory_space<hbm>> -> memref<80x128xf32, #tpu.memory_space<hbm>>
    %dma_start3A_249 = arith.constant 0 : i32
    %dma_start3A_250 = arith.constant 0 : i32
    %dma_start3A_251 = tpu.memref_slice %arg9[%dma_start3A_233, %dma_start3A_234, %dma_start3A_249, %dma_start3A_250] : memref<2x3x80x128xf32, #tpu.memory_space<vmem>> -> memref<1x1x80x128xf32, #tpu.memory_space<vmem>>
    %dma_start3A_252 = tpu.memref_squeeze %dma_start3A_251 : memref<1x1x80x128xf32, #tpu.memory_space<vmem>> -> memref<80x128xf32, #tpu.memory_space<vmem>>
    tpu.enqueue_dma source(%dma_start3A_252 : memref<80x128xf32, #tpu.memory_space<vmem>>) target(%dma_start3A_248 : memref<80x128xf32, #tpu.memory_space<hbm>>) target_semaphore(%arg17 : memref<!tpu.dma_semaphore, #tpu.memory_space<semaphore_mem>>)
    %dma_start3A_253 = arith.constant 0 : i32
    %dma_start3A_254 = arith.constant 1 : i32
    %dma_start3A_255 = arith.constant 0 : i32
    %dma_start3A_256 = arith.constant 0 : i32
    %dma_start3A_257 = tpu.memref_slice %arg9[%dma_start3A_253, %dma_start3A_254, %dma_start3A_255, %dma_start3A_256] : memref<2x3x80x128xf32, #tpu.memory_space<vmem>> -> memref<1x1x80x128xf32, #tpu.memory_space<vmem>>
    %dma_start3A_258 = tpu.memref_squeeze %dma_start3A_257 : memref<1x1x80x128xf32, #tpu.memory_space<vmem>> -> memref<80x128xf32, #tpu.memory_space<vmem>>
    %dma_start3A_259 = arith.constant 0 : i32
    %dma_start3A_260 = tpu.memref_slice %arg7[%add3A_232, %dma_start3A_259] : memref<320000x576xf32, #tpu.memory_space<hbm>> -> memref<80x576xf32, #tpu.memory_space<hbm>>
    %dma_start3A_261 = arith.constant 0 : i32
    %dma_start3A_262 = arith.constant 128 : i32
    %dma_start3A_263 = tpu.memref_slice %dma_start3A_260[%dma_start3A_261, %dma_start3A_262] : memref<80x576xf32, #tpu.memory_space<hbm>> -> memref<80x128xf32, #tpu.memory_space<hbm>>
    %dma_start3A_264 = arith.constant 0 : i32
    %dma_start3A_265 = tpu.memref_slice %arg7[%add3A_232, %dma_start3A_264] : memref<320000x576xf32, #tpu.memory_space<hbm>> -> memref<80x576xf32, #tpu.memory_space<hbm>>
    %dma_start3A_266 = arith.constant 0 : i32
    %dma_start3A_267 = arith.constant 128 : i32
    %dma_start3A_268 = tpu.memref_slice %dma_start3A_265[%dma_start3A_266, %dma_start3A_267] : memref<80x576xf32, #tpu.memory_space<hbm>> -> memref<80x128xf32, #tpu.memory_space<hbm>>
    %dma_start3A_269 = arith.constant 0 : i32
    %dma_start3A_270 = arith.constant 0 : i32
    %dma_start3A_271 = tpu.memref_slice %arg9[%dma_start3A_253, %dma_start3A_254, %dma_start3A_269, %dma_start3A_270] : memref<2x3x80x128xf32, #tpu.memory_space<vmem>> -> memref<1x1x80x128xf32, #tpu.memory_space<vmem>>
    %dma_start3A_272 = tpu.memref_squeeze %dma_start3A_271 : memref<1x1x80x128xf32, #tpu.memory_space<vmem>> -> memref<80x128xf32, #tpu.memory_space<vmem>>
    tpu.enqueue_dma source(%dma_start3A_272 : memref<80x128xf32, #tpu.memory_space<vmem>>) target(%dma_start3A_268 : memref<80x128xf32, #tpu.memory_space<hbm>>) target_semaphore(%arg17 : memref<!tpu.dma_semaphore, #tpu.memory_space<semaphore_mem>>)
    %dma_start3A_273 = arith.constant 0 : i32
    %dma_start3A_274 = arith.constant 2 : i32
    %dma_start3A_275 = arith.constant 0 : i32
    %dma_start3A_276 = arith.constant 0 : i32
    %dma_start3A_277 = tpu.memref_slice %arg9[%dma_start3A_273, %dma_start3A_274, %dma_start3A_275, %dma_start3A_276] : memref<2x3x80x128xf32, #tpu.memory_space<vmem>> -> memref<1x1x80x128xf32, #tpu.memory_space<vmem>>
    %dma_start3A_278 = tpu.memref_squeeze %dma_start3A_277 : memref<1x1x80x128xf32, #tpu.memory_space<vmem>> -> memref<80x128xf32, #tpu.memory_space<vmem>>
    %dma_start3A_279 = arith.constant 0 : i32
    %dma_start3A_280 = tpu.memref_slice %arg7[%add3A_232, %dma_start3A_279] : memref<320000x576xf32, #tpu.memory_space<hbm>> -> memref<80x576xf32, #tpu.memory_space<hbm>>
    %dma_start3A_281 = arith.constant 0 : i32
    %dma_start3A_282 = arith.constant 256 : i32
    %dma_start3A_283 = tpu.memref_slice %dma_start3A_280[%dma_start3A_281, %dma_start3A_282] : memref<80x576xf32, #tpu.memory_space<hbm>> -> memref<80x128xf32, #tpu.memory_space<hbm>>
    %dma_start3A_284 = arith.constant 0 : i32
    %dma_start3A_285 = tpu.memref_slice %arg7[%add3A_232, %dma_start3A_284] : memref<320000x576xf32, #tpu.memory_space<hbm>> -> memref<80x576xf32, #tpu.memory_space<hbm>>
    %dma_start3A_286 = arith.constant 0 : i32
    %dma_start3A_287 = arith.constant 256 : i32
    %dma_start3A_288 = tpu.memref_slice %dma_start3A_285[%dma_start3A_286, %dma_start3A_287] : memref<80x576xf32, #tpu.memory_space<hbm>> -> memref<80x128xf32, #tpu.memory_space<hbm>>
    %dma_start3A_289 = arith.constant 0 : i32
    %dma_start3A_290 = arith.constant 0 : i32
    %dma_start3A_291 = tpu.memref_slice %arg9[%dma_start3A_273, %dma_start3A_274, %dma_start3A_289, %dma_start3A_290] : memref<2x3x80x128xf32, #tpu.memory_space<vmem>> -> memref<1x1x80x128xf32, #tpu.memory_space<vmem>>
    %dma_start3A_292 = tpu.memref_squeeze %dma_start3A_291 : memref<1x1x80x128xf32, #tpu.memory_space<vmem>> -> memref<80x128xf32, #tpu.memory_space<vmem>>
    tpu.enqueue_dma source(%dma_start3A_292 : memref<80x128xf32, #tpu.memory_space<vmem>>) target(%dma_start3A_288 : memref<80x128xf32, #tpu.memory_space<hbm>>) target_semaphore(%arg17 : memref<!tpu.dma_semaphore, #tpu.memory_space<semaphore_mem>>)
    %dma_start3A_293 = arith.constant 0 : i32
    %dma_start3A_294 = arith.constant 0 : i32
    %dma_start3A_295 = arith.constant 0 : i32
    %dma_start3A_296 = tpu.memref_slice %arg10[%dma_start3A_293, %dma_start3A_294, %dma_start3A_295] : memref<2x80x192xf32, #tpu.memory_space<vmem>> -> memref<1x80x128xf32, #tpu.memory_space<vmem>>
    %dma_start3A_297 = tpu.memref_squeeze %dma_start3A_296 : memref<1x80x128xf32, #tpu.memory_space<vmem>> -> memref<80x128xf32, #tpu.memory_space<vmem>>
    %dma_start3A_298 = arith.constant 0 : i32
    %dma_start3A_299 = tpu.memref_slice %arg7[%add3A_232, %dma_start3A_298] : memref<320000x576xf32, #tpu.memory_space<hbm>> -> memref<80x576xf32, #tpu.memory_space<hbm>>
    %dma_start3A_300 = arith.constant 0 : i32
    %dma_start3A_301 = arith.constant 384 : i32
    %dma_start3A_302 = tpu.memref_slice %dma_start3A_299[%dma_start3A_300, %dma_start3A_301] : memref<80x576xf32, #tpu.memory_space<hbm>> -> memref<80x128xf32, #tpu.memory_space<hbm>>
    %dma_start3A_303 = arith.constant 0 : i32
    %dma_start3A_304 = tpu.memref_slice %arg7[%add3A_232, %dma_start3A_303] : memref<320000x576xf32, #tpu.memory_space<hbm>> -> memref<80x576xf32, #tpu.memory_space<hbm>>
    %dma_start3A_305 = arith.constant 0 : i32
    %dma_start3A_306 = arith.constant 384 : i32
    %dma_start3A_307 = tpu.memref_slice %dma_start3A_304[%dma_start3A_305, %dma_start3A_306] : memref<80x576xf32, #tpu.memory_space<hbm>> -> memref<80x128xf32, #tpu.memory_space<hbm>>
    %dma_start3A_308 = arith.constant 0 : i32
    %dma_start3A_309 = arith.constant 0 : i32
    %dma_start3A_310 = tpu.memref_slice %arg10[%dma_start3A_293, %dma_start3A_308, %dma_start3A_309] : memref<2x80x192xf32, #tpu.memory_space<vmem>> -> memref<1x80x128xf32, #tpu.memory_space<vmem>>
    %dma_start3A_311 = tpu.memref_squeeze %dma_start3A_310 : memref<1x80x128xf32, #tpu.memory_space<vmem>> -> memref<80x128xf32, #tpu.memory_space<vmem>>
    tpu.enqueue_dma source(%dma_start3A_311 : memref<80x128xf32, #tpu.memory_space<vmem>>) target(%dma_start3A_307 : memref<80x128xf32, #tpu.memory_space<hbm>>) target_semaphore(%arg17 : memref<!tpu.dma_semaphore, #tpu.memory_space<semaphore_mem>>)
    %dma_start3A_312 = arith.constant 0 : i32
    %dma_start3A_313 = arith.constant 0 : i32
    %dma_start3A_314 = arith.constant 128 : i32
    %dma_start3A_315 = tpu.memref_slice %arg10[%dma_start3A_312, %dma_start3A_313, %dma_start3A_314] : memref<2x80x192xf32, #tpu.memory_space<vmem>> -> memref<1x80x64xf32, #tpu.memory_space<vmem>>
    %dma_start3A_316 = tpu.memref_squeeze %dma_start3A_315 : memref<1x80x64xf32, #tpu.memory_space<vmem>> -> memref<80x64xf32, #tpu.memory_space<vmem>>
    %dma_start3A_317 = arith.constant 0 : i32
    %dma_start3A_318 = tpu.memref_slice %arg7[%add3A_232, %dma_start3A_317] : memref<320000x576xf32, #tpu.memory_space<hbm>> -> memref<80x576xf32, #tpu.memory_space<hbm>>
    %dma_start3A_319 = arith.constant 0 : i32
    %dma_start3A_320 = arith.constant 512 : i32
    %dma_start3A_321 = tpu.memref_slice %dma_start3A_318[%dma_start3A_319, %dma_start3A_320] : memref<80x576xf32, #tpu.memory_space<hbm>> -> memref<80x64xf32, #tpu.memory_space<hbm>>
    %dma_start3A_322 = arith.constant 0 : i32
    %dma_start3A_323 = tpu.memref_slice %arg7[%add3A_232, %dma_start3A_322] : memref<320000x576xf32, #tpu.memory_space<hbm>> -> memref<80x576xf32, #tpu.memory_space<hbm>>
    %dma_start3A_324 = arith.constant 0 : i32
    %dma_start3A_325 = arith.constant 512 : i32
    %dma_start3A_326 = tpu.memref_slice %dma_start3A_323[%dma_start3A_324, %dma_start3A_325] : memref<80x576xf32, #tpu.memory_space<hbm>> -> memref<80x64xf32, #tpu.memory_space<hbm>>
    %dma_start3A_327 = arith.constant 0 : i32
    %dma_start3A_328 = arith.constant 128 : i32
    %dma_start3A_329 = tpu.memref_slice %arg10[%dma_start3A_312, %dma_start3A_327, %dma_start3A_328] : memref<2x80x192xf32, #tpu.memory_space<vmem>> -> memref<1x80x64xf32, #tpu.memory_space<vmem>>
    %dma_start3A_330 = tpu.memref_squeeze %dma_start3A_329 : memref<1x80x64xf32, #tpu.memory_space<vmem>> -> memref<80x64xf32, #tpu.memory_space<vmem>>
    tpu.enqueue_dma source(%dma_start3A_330 : memref<80x64xf32, #tpu.memory_space<vmem>>) target(%dma_start3A_326 : memref<80x64xf32, #tpu.memory_space<hbm>>) target_semaphore(%arg17 : memref<!tpu.dma_semaphore, #tpu.memory_space<semaphore_mem>>)
    %add3A_331 = arith.constant 9840 : i32
    %add3A_332 = arith.addi %mul3A_2, %add3A_331 : i32
    %dma_wait3A_333 = arith.constant 1 : i32
    %dma_wait3A_334 = arith.constant 0 : i32
    %dma_wait3A_335 = arith.constant 0 : i32
    %dma_wait3A_336 = arith.constant 0 : i32
    %dma_wait3A_337 = tpu.memref_slice %arg9[%dma_wait3A_333, %dma_wait3A_334, %dma_wait3A_335, %dma_wait3A_336] : memref<2x3x80x128xf32, #tpu.memory_space<vmem>> -> memref<1x1x80x128xf32, #tpu.memory_space<vmem>>
    %dma_wait3A_338 = tpu.memref_squeeze %dma_wait3A_337 : memref<1x1x80x128xf32, #tpu.memory_space<vmem>> -> memref<80x128xf32, #tpu.memory_space<vmem>>
    %dma_wait3A_339 = arith.constant 0 : i32
    %dma_wait3A_340 = tpu.memref_slice %arg7[%add3A_332, %dma_wait3A_339] : memref<320000x576xf32, #tpu.memory_space<hbm>> -> memref<80x576xf32, #tpu.memory_space<hbm>>
    %dma_wait3A_341 = arith.constant 0 : i32
    %dma_wait3A_342 = arith.constant 0 : i32
    %dma_wait3A_343 = tpu.memref_slice %dma_wait3A_340[%dma_wait3A_341, %dma_wait3A_342] : memref<80x576xf32, #tpu.memory_space<hbm>> -> memref<80x128xf32, #tpu.memory_space<hbm>>
    %dma_wait3A_344 = arith.constant 0 : i32
    %dma_wait3A_345 = tpu.memref_slice %arg7[%add3A_332, %dma_wait3A_344] : memref<320000x576xf32, #tpu.memory_space<hbm>> -> memref<80x576xf32, #tpu.memory_space<hbm>>
    %dma_wait3A_346 = arith.constant 0 : i32
    %dma_wait3A_347 = arith.constant 0 : i32
    %dma_wait3A_348 = tpu.memref_slice %dma_wait3A_345[%dma_wait3A_346, %dma_wait3A_347] : memref<80x576xf32, #tpu.memory_space<hbm>> -> memref<80x128xf32, #tpu.memory_space<hbm>>
    %dma_wait3A_349 = arith.constant 0 : i32
    %dma_wait3A_350 = arith.constant 0 : i32
    %dma_wait3A_351 = tpu.memref_slice %arg9[%dma_wait3A_333, %dma_wait3A_334, %dma_wait3A_349, %dma_wait3A_350] : memref<2x3x80x128xf32, #tpu.memory_space<vmem>> -> memref<1x1x80x128xf32, #tpu.memory_space<vmem>>
    %dma_wait3A_352 = tpu.memref_squeeze %dma_wait3A_351 : memref<1x1x80x128xf32, #tpu.memory_space<vmem>> -> memref<80x128xf32, #tpu.memory_space<vmem>>
    tpu.wait_dma2 semaphore(%arg18 : memref<!tpu.dma_semaphore, #tpu.memory_space<semaphore_mem>>) src(%dma_wait3A_352 : memref<80x128xf32, #tpu.memory_space<vmem>>) dst(%dma_wait3A_348 : memref<80x128xf32, #tpu.memory_space<hbm>>)
    %dma_wait3A_353 = arith.constant 1 : i32
    %dma_wait3A_354 = arith.constant 1 : i32
    %dma_wait3A_355 = arith.constant 0 : i32
    %dma_wait3A_356 = arith.constant 0 : i32
    %dma_wait3A_357 = tpu.memref_slice %arg9[%dma_wait3A_353, %dma_wait3A_354, %dma_wait3A_355, %dma_wait3A_356] : memref<2x3x80x128xf32, #tpu.memory_space<vmem>> -> memref<1x1x80x128xf32, #tpu.memory_space<vmem>>
    %dma_wait3A_358 = tpu.memref_squeeze %dma_wait3A_357 : memref<1x1x80x128xf32, #tpu.memory_space<vmem>> -> memref<80x128xf32, #tpu.memory_space<vmem>>
    %dma_wait3A_359 = arith.constant 0 : i32
    %dma_wait3A_360 = tpu.memref_slice %arg7[%add3A_332, %dma_wait3A_359] : memref<320000x576xf32, #tpu.memory_space<hbm>> -> memref<80x576xf32, #tpu.memory_space<hbm>>
    %dma_wait3A_361 = arith.constant 0 : i32
    %dma_wait3A_362 = arith.constant 128 : i32
    %dma_wait3A_363 = tpu.memref_slice %dma_wait3A_360[%dma_wait3A_361, %dma_wait3A_362] : memref<80x576xf32, #tpu.memory_space<hbm>> -> memref<80x128xf32, #tpu.memory_space<hbm>>
    %dma_wait3A_364 = arith.constant 0 : i32
    %dma_wait3A_365 = tpu.memref_slice %arg7[%add3A_332, %dma_wait3A_364] : memref<320000x576xf32, #tpu.memory_space<hbm>> -> memref<80x576xf32, #tpu.memory_space<hbm>>
    %dma_wait3A_366 = arith.constant 0 : i32
    %dma_wait3A_367 = arith.constant 128 : i32
    %dma_wait3A_368 = tpu.memref_slice %dma_wait3A_365[%dma_wait3A_366, %dma_wait3A_367] : memref<80x576xf32, #tpu.memory_space<hbm>> -> memref<80x128xf32, #tpu.memory_space<hbm>>
    %dma_wait3A_369 = arith.constant 0 : i32
    %dma_wait3A_370 = arith.constant 0 : i32
    %dma_wait3A_371 = tpu.memref_slice %arg9[%dma_wait3A_353, %dma_wait3A_354, %dma_wait3A_369, %dma_wait3A_370] : memref<2x3x80x128xf32, #tpu.memory_space<vmem>> -> memref<1x1x80x128xf32, #tpu.memory_space<vmem>>
    %dma_wait3A_372 = tpu.memref_squeeze %dma_wait3A_371 : memref<1x1x80x128xf32, #tpu.memory_space<vmem>> -> memref<80x128xf32, #tpu.memory_space<vmem>>
    tpu.wait_dma2 semaphore(%arg18 : memref<!tpu.dma_semaphore, #tpu.memory_space<semaphore_mem>>) src(%dma_wait3A_372 : memref<80x128xf32, #tpu.memory_space<vmem>>) dst(%dma_wait3A_368 : memref<80x128xf32, #tpu.memory_space<hbm>>)
    %dma_wait3A_373 = arith.constant 1 : i32
    %dma_wait3A_374 = arith.constant 2 : i32
    %dma_wait3A_375 = arith.constant 0 : i32
    %dma_wait3A_376 = arith.constant 0 : i32
    %dma_wait3A_377 = tpu.memref_slice %arg9[%dma_wait3A_373, %dma_wait3A_374, %dma_wait3A_375, %dma_wait3A_376] : memref<2x3x80x128xf32, #tpu.memory_space<vmem>> -> memref<1x1x80x128xf32, #tpu.memory_space<vmem>>
    %dma_wait3A_378 = tpu.memref_squeeze %dma_wait3A_377 : memref<1x1x80x128xf32, #tpu.memory_space<vmem>> -> memref<80x128xf32, #tpu.memory_space<vmem>>
    %dma_wait3A_379 = arith.constant 0 : i32
    %dma_wait3A_380 = tpu.memref_slice %arg7[%add3A_332, %dma_wait3A_379] : memref<320000x576xf32, #tpu.memory_space<hbm>> -> memref<80x576xf32, #tpu.memory_space<hbm>>
    %dma_wait3A_381 = arith.constant 0 : i32
    %dma_wait3A_382 = arith.constant 256 : i32
    %dma_wait3A_383 = tpu.memref_slice %dma_wait3A_380[%dma_wait3A_381, %dma_wait3A_382] : memref<80x576xf32, #tpu.memory_space<hbm>> -> memref<80x128xf32, #tpu.memory_space<hbm>>
    %dma_wait3A_384 = arith.constant 0 : i32
    %dma_wait3A_385 = tpu.memref_slice %arg7[%add3A_332, %dma_wait3A_384] : memref<320000x576xf32, #tpu.memory_space<hbm>> -> memref<80x576xf32, #tpu.memory_space<hbm>>
    %dma_wait3A_386 = arith.constant 0 : i32
    %dma_wait3A_387 = arith.constant 256 : i32
    %dma_wait3A_388 = tpu.memref_slice %dma_wait3A_385[%dma_wait3A_386, %dma_wait3A_387] : memref<80x576xf32, #tpu.memory_space<hbm>> -> memref<80x128xf32, #tpu.memory_space<hbm>>
    %dma_wait3A_389 = arith.constant 0 : i32
    %dma_wait3A_390 = arith.constant 0 : i32
    %dma_wait3A_391 = tpu.memref_slice %arg9[%dma_wait3A_373, %dma_wait3A_374, %dma_wait3A_389, %dma_wait3A_390] : memref<2x3x80x128xf32, #tpu.memory_space<vmem>> -> memref<1x1x80x128xf32, #tpu.memory_space<vmem>>
    %dma_wait3A_392 = tpu.memref_squeeze %dma_wait3A_391 : memref<1x1x80x128xf32, #tpu.memory_space<vmem>> -> memref<80x128xf32, #tpu.memory_space<vmem>>
    tpu.wait_dma2 semaphore(%arg18 : memref<!tpu.dma_semaphore, #tpu.memory_space<semaphore_mem>>) src(%dma_wait3A_392 : memref<80x128xf32, #tpu.memory_space<vmem>>) dst(%dma_wait3A_388 : memref<80x128xf32, #tpu.memory_space<hbm>>)
    %dma_wait3A_393 = arith.constant 1 : i32
    %dma_wait3A_394 = arith.constant 0 : i32
    %dma_wait3A_395 = arith.constant 0 : i32
    %dma_wait3A_396 = tpu.memref_slice %arg10[%dma_wait3A_393, %dma_wait3A_394, %dma_wait3A_395] : memref<2x80x192xf32, #tpu.memory_space<vmem>> -> memref<1x80x128xf32, #tpu.memory_space<vmem>>
    %dma_wait3A_397 = tpu.memref_squeeze %dma_wait3A_396 : memref<1x80x128xf32, #tpu.memory_space<vmem>> -> memref<80x128xf32, #tpu.memory_space<vmem>>
    %dma_wait3A_398 = arith.constant 0 : i32
    %dma_wait3A_399 = tpu.memref_slice %arg7[%add3A_332, %dma_wait3A_398] : memref<320000x576xf32, #tpu.memory_space<hbm>> -> memref<80x576xf32, #tpu.memory_space<hbm>>
    %dma_wait3A_400 = arith.constant 0 : i32
    %dma_wait3A_401 = arith.constant 384 : i32
    %dma_wait3A_402 = tpu.memref_slice %dma_wait3A_399[%dma_wait3A_400, %dma_wait3A_401] : memref<80x576xf32, #tpu.memory_space<hbm>> -> memref<80x128xf32, #tpu.memory_space<hbm>>
    %dma_wait3A_403 = arith.constant 0 : i32
    %dma_wait3A_404 = tpu.memref_slice %arg7[%add3A_332, %dma_wait3A_403] : memref<320000x576xf32, #tpu.memory_space<hbm>> -> memref<80x576xf32, #tpu.memory_space<hbm>>
    %dma_wait3A_405 = arith.constant 0 : i32
    %dma_wait3A_406 = arith.constant 384 : i32
    %dma_wait3A_407 = tpu.memref_slice %dma_wait3A_404[%dma_wait3A_405, %dma_wait3A_406] : memref<80x576xf32, #tpu.memory_space<hbm>> -> memref<80x128xf32, #tpu.memory_space<hbm>>
    %dma_wait3A_408 = arith.constant 0 : i32
    %dma_wait3A_409 = arith.constant 0 : i32
    %dma_wait3A_410 = tpu.memref_slice %arg10[%dma_wait3A_393, %dma_wait3A_408, %dma_wait3A_409] : memref<2x80x192xf32, #tpu.memory_space<vmem>> -> memref<1x80x128xf32, #tpu.memory_space<vmem>>
    %dma_wait3A_411 = tpu.memref_squeeze %dma_wait3A_410 : memref<1x80x128xf32, #tpu.memory_space<vmem>> -> memref<80x128xf32, #tpu.memory_space<vmem>>
    tpu.wait_dma2 semaphore(%arg18 : memref<!tpu.dma_semaphore, #tpu.memory_space<semaphore_mem>>) src(%dma_wait3A_411 : memref<80x128xf32, #tpu.memory_space<vmem>>) dst(%dma_wait3A_407 : memref<80x128xf32, #tpu.memory_space<hbm>>)
    %dma_wait3A_412 = arith.constant 1 : i32
    %dma_wait3A_413 = arith.constant 0 : i32
    %dma_wait3A_414 = arith.constant 128 : i32
    %dma_wait3A_415 = tpu.memref_slice %arg10[%dma_wait3A_412, %dma_wait3A_413, %dma_wait3A_414] : memref<2x80x192xf32, #tpu.memory_space<vmem>> -> memref<1x80x64xf32, #tpu.memory_space<vmem>>
    %dma_wait3A_416 = tpu.memref_squeeze %dma_wait3A_415 : memref<1x80x64xf32, #tpu.memory_space<vmem>> -> memref<80x64xf32, #tpu.memory_space<vmem>>
    %dma_wait3A_417 = arith.constant 0 : i32
    %dma_wait3A_418 = tpu.memref_slice %arg7[%add3A_332, %dma_wait3A_417] : memref<320000x576xf32, #tpu.memory_space<hbm>> -> memref<80x576xf32, #tpu.memory_space<hbm>>
    %dma_wait3A_419 = arith.constant 0 : i32
    %dma_wait3A_420 = arith.constant 512 : i32
    %dma_wait3A_421 = tpu.memref_slice %dma_wait3A_418[%dma_wait3A_419, %dma_wait3A_420] : memref<80x576xf32, #tpu.memory_space<hbm>> -> memref<80x64xf32, #tpu.memory_space<hbm>>
    %dma_wait3A_422 = arith.constant 0 : i32
    %dma_wait3A_423 = tpu.memref_slice %arg7[%add3A_332, %dma_wait3A_422] : memref<320000x576xf32, #tpu.memory_space<hbm>> -> memref<80x576xf32, #tpu.memory_space<hbm>>
    %dma_wait3A_424 = arith.constant 0 : i32
    %dma_wait3A_425 = arith.constant 512 : i32
    %dma_wait3A_426 = tpu.memref_slice %dma_wait3A_423[%dma_wait3A_424, %dma_wait3A_425] : memref<80x576xf32, #tpu.memory_space<hbm>> -> memref<80x64xf32, #tpu.memory_space<hbm>>
    %dma_wait3A_427 = arith.constant 0 : i32
    %dma_wait3A_428 = arith.constant 128 : i32
    %dma_wait3A_429 = tpu.memref_slice %arg10[%dma_wait3A_412, %dma_wait3A_427, %dma_wait3A_428] : memref<2x80x192xf32, #tpu.memory_space<vmem>> -> memref<1x80x64xf32, #tpu.memory_space<vmem>>
    %dma_wait3A_430 = tpu.memref_squeeze %dma_wait3A_429 : memref<1x80x64xf32, #tpu.memory_space<vmem>> -> memref<80x64xf32, #tpu.memory_space<vmem>>
    tpu.wait_dma2 semaphore(%arg18 : memref<!tpu.dma_semaphore, #tpu.memory_space<semaphore_mem>>) src(%dma_wait3A_430 : memref<80x64xf32, #tpu.memory_space<vmem>>) dst(%dma_wait3A_426 : memref<80x64xf32, #tpu.memory_space<hbm>>)
    %add3A_431 = arith.constant 9920 : i32
    %add3A_432 = arith.addi %mul3A_2, %add3A_431 : i32
    %dma_wait3A_433 = arith.constant 0 : i32
    %dma_wait3A_434 = arith.constant 0 : i32
    %dma_wait3A_435 = arith.constant 0 : i32
    %dma_wait3A_436 = arith.constant 0 : i32
    %dma_wait3A_437 = tpu.memref_slice %arg9[%dma_wait3A_433, %dma_wait3A_434, %dma_wait3A_435, %dma_wait3A_436] : memref<2x3x80x128xf32, #tpu.memory_space<vmem>> -> memref<1x1x80x128xf32, #tpu.memory_space<vmem>>
    %dma_wait3A_438 = tpu.memref_squeeze %dma_wait3A_437 : memref<1x1x80x128xf32, #tpu.memory_space<vmem>> -> memref<80x128xf32, #tpu.memory_space<vmem>>
    %dma_wait3A_439 = arith.constant 0 : i32
    %dma_wait3A_440 = tpu.memref_slice %arg7[%add3A_432, %dma_wait3A_439] : memref<320000x576xf32, #tpu.memory_space<hbm>> -> memref<80x576xf32, #tpu.memory_space<hbm>>
    %dma_wait3A_441 = arith.constant 0 : i32
    %dma_wait3A_442 = arith.constant 0 : i32
    %dma_wait3A_443 = tpu.memref_slice %dma_wait3A_440[%dma_wait3A_441, %dma_wait3A_442] : memref<80x576xf32, #tpu.memory_space<hbm>> -> memref<80x128xf32, #tpu.memory_space<hbm>>
    %dma_wait3A_444 = arith.constant 0 : i32
    %dma_wait3A_445 = tpu.memref_slice %arg7[%add3A_432, %dma_wait3A_444] : memref<320000x576xf32, #tpu.memory_space<hbm>> -> memref<80x576xf32, #tpu.memory_space<hbm>>
    %dma_wait3A_446 = arith.constant 0 : i32
    %dma_wait3A_447 = arith.constant 0 : i32
    %dma_wait3A_448 = tpu.memref_slice %dma_wait3A_445[%dma_wait3A_446, %dma_wait3A_447] : memref<80x576xf32, #tpu.memory_space<hbm>> -> memref<80x128xf32, #tpu.memory_space<hbm>>
    %dma_wait3A_449 = arith.constant 0 : i32
    %dma_wait3A_450 = arith.constant 0 : i32
    %dma_wait3A_451 = tpu.memref_slice %arg9[%dma_wait3A_433, %dma_wait3A_434, %dma_wait3A_449, %dma_wait3A_450] : memref<2x3x80x128xf32, #tpu.memory_space<vmem>> -> memref<1x1x80x128xf32, #tpu.memory_space<vmem>>
    %dma_wait3A_452 = tpu.memref_squeeze %dma_wait3A_451 : memref<1x1x80x128xf32, #tpu.memory_space<vmem>> -> memref<80x128xf32, #tpu.memory_space<vmem>>
    tpu.wait_dma2 semaphore(%arg17 : memref<!tpu.dma_semaphore, #tpu.memory_space<semaphore_mem>>) src(%dma_wait3A_452 : memref<80x128xf32, #tpu.memory_space<vmem>>) dst(%dma_wait3A_448 : memref<80x128xf32, #tpu.memory_space<hbm>>)
    %dma_wait3A_453 = arith.constant 0 : i32
    %dma_wait3A_454 = arith.constant 1 : i32
    %dma_wait3A_455 = arith.constant 0 : i32
    %dma_wait3A_456 = arith.constant 0 : i32
    %dma_wait3A_457 = tpu.memref_slice %arg9[%dma_wait3A_453, %dma_wait3A_454, %dma_wait3A_455, %dma_wait3A_456] : memref<2x3x80x128xf32, #tpu.memory_space<vmem>> -> memref<1x1x80x128xf32, #tpu.memory_space<vmem>>
    %dma_wait3A_458 = tpu.memref_squeeze %dma_wait3A_457 : memref<1x1x80x128xf32, #tpu.memory_space<vmem>> -> memref<80x128xf32, #tpu.memory_space<vmem>>
    %dma_wait3A_459 = arith.constant 0 : i32
    %dma_wait3A_460 = tpu.memref_slice %arg7[%add3A_432, %dma_wait3A_459] : memref<320000x576xf32, #tpu.memory_space<hbm>> -> memref<80x576xf32, #tpu.memory_space<hbm>>
    %dma_wait3A_461 = arith.constant 0 : i32
    %dma_wait3A_462 = arith.constant 128 : i32
    %dma_wait3A_463 = tpu.memref_slice %dma_wait3A_460[%dma_wait3A_461, %dma_wait3A_462] : memref<80x576xf32, #tpu.memory_space<hbm>> -> memref<80x128xf32, #tpu.memory_space<hbm>>
    %dma_wait3A_464 = arith.constant 0 : i32
    %dma_wait3A_465 = tpu.memref_slice %arg7[%add3A_432, %dma_wait3A_464] : memref<320000x576xf32, #tpu.memory_space<hbm>> -> memref<80x576xf32, #tpu.memory_space<hbm>>
    %dma_wait3A_466 = arith.constant 0 : i32
    %dma_wait3A_467 = arith.constant 128 : i32
    %dma_wait3A_468 = tpu.memref_slice %dma_wait3A_465[%dma_wait3A_466, %dma_wait3A_467] : memref<80x576xf32, #tpu.memory_space<hbm>> -> memref<80x128xf32, #tpu.memory_space<hbm>>
    %dma_wait3A_469 = arith.constant 0 : i32
    %dma_wait3A_470 = arith.constant 0 : i32
    %dma_wait3A_471 = tpu.memref_slice %arg9[%dma_wait3A_453, %dma_wait3A_454, %dma_wait3A_469, %dma_wait3A_470] : memref<2x3x80x128xf32, #tpu.memory_space<vmem>> -> memref<1x1x80x128xf32, #tpu.memory_space<vmem>>
    %dma_wait3A_472 = tpu.memref_squeeze %dma_wait3A_471 : memref<1x1x80x128xf32, #tpu.memory_space<vmem>> -> memref<80x128xf32, #tpu.memory_space<vmem>>
    tpu.wait_dma2 semaphore(%arg17 : memref<!tpu.dma_semaphore, #tpu.memory_space<semaphore_mem>>) src(%dma_wait3A_472 : memref<80x128xf32, #tpu.memory_space<vmem>>) dst(%dma_wait3A_468 : memref<80x128xf32, #tpu.memory_space<hbm>>)
    %dma_wait3A_473 = arith.constant 0 : i32
    %dma_wait3A_474 = arith.constant 2 : i32
    %dma_wait3A_475 = arith.constant 0 : i32
    %dma_wait3A_476 = arith.constant 0 : i32
    %dma_wait3A_477 = tpu.memref_slice %arg9[%dma_wait3A_473, %dma_wait3A_474, %dma_wait3A_475, %dma_wait3A_476] : memref<2x3x80x128xf32, #tpu.memory_space<vmem>> -> memref<1x1x80x128xf32, #tpu.memory_space<vmem>>
    %dma_wait3A_478 = tpu.memref_squeeze %dma_wait3A_477 : memref<1x1x80x128xf32, #tpu.memory_space<vmem>> -> memref<80x128xf32, #tpu.memory_space<vmem>>
    %dma_wait3A_479 = arith.constant 0 : i32
    %dma_wait3A_480 = tpu.memref_slice %arg7[%add3A_432, %dma_wait3A_479] : memref<320000x576xf32, #tpu.memory_space<hbm>> -> memref<80x576xf32, #tpu.memory_space<hbm>>
    %dma_wait3A_481 = arith.constant 0 : i32
    %dma_wait3A_482 = arith.constant 256 : i32
    %dma_wait3A_483 = tpu.memref_slice %dma_wait3A_480[%dma_wait3A_481, %dma_wait3A_482] : memref<80x576xf32, #tpu.memory_space<hbm>> -> memref<80x128xf32, #tpu.memory_space<hbm>>
    %dma_wait3A_484 = arith.constant 0 : i32
    %dma_wait3A_485 = tpu.memref_slice %arg7[%add3A_432, %dma_wait3A_484] : memref<320000x576xf32, #tpu.memory_space<hbm>> -> memref<80x576xf32, #tpu.memory_space<hbm>>
    %dma_wait3A_486 = arith.constant 0 : i32
    %dma_wait3A_487 = arith.constant 256 : i32
    %dma_wait3A_488 = tpu.memref_slice %dma_wait3A_485[%dma_wait3A_486, %dma_wait3A_487] : memref<80x576xf32, #tpu.memory_space<hbm>> -> memref<80x128xf32, #tpu.memory_space<hbm>>
    %dma_wait3A_489 = arith.constant 0 : i32
    %dma_wait3A_490 = arith.constant 0 : i32
    %dma_wait3A_491 = tpu.memref_slice %arg9[%dma_wait3A_473, %dma_wait3A_474, %dma_wait3A_489, %dma_wait3A_490] : memref<2x3x80x128xf32, #tpu.memory_space<vmem>> -> memref<1x1x80x128xf32, #tpu.memory_space<vmem>>
    %dma_wait3A_492 = tpu.memref_squeeze %dma_wait3A_491 : memref<1x1x80x128xf32, #tpu.memory_space<vmem>> -> memref<80x128xf32, #tpu.memory_space<vmem>>
    tpu.wait_dma2 semaphore(%arg17 : memref<!tpu.dma_semaphore, #tpu.memory_space<semaphore_mem>>) src(%dma_wait3A_492 : memref<80x128xf32, #tpu.memory_space<vmem>>) dst(%dma_wait3A_488 : memref<80x128xf32, #tpu.memory_space<hbm>>)
    %dma_wait3A_493 = arith.constant 0 : i32
    %dma_wait3A_494 = arith.constant 0 : i32
    %dma_wait3A_495 = arith.constant 0 : i32
    %dma_wait3A_496 = tpu.memref_slice %arg10[%dma_wait3A_493, %dma_wait3A_494, %dma_wait3A_495] : memref<2x80x192xf32, #tpu.memory_space<vmem>> -> memref<1x80x128xf32, #tpu.memory_space<vmem>>
    %dma_wait3A_497 = tpu.memref_squeeze %dma_wait3A_496 : memref<1x80x128xf32, #tpu.memory_space<vmem>> -> memref<80x128xf32, #tpu.memory_space<vmem>>
    %dma_wait3A_498 = arith.constant 0 : i32
    %dma_wait3A_499 = tpu.memref_slice %arg7[%add3A_432, %dma_wait3A_498] : memref<320000x576xf32, #tpu.memory_space<hbm>> -> memref<80x576xf32, #tpu.memory_space<hbm>>
    %dma_wait3A_500 = arith.constant 0 : i32
    %dma_wait3A_501 = arith.constant 384 : i32
    %dma_wait3A_502 = tpu.memref_slice %dma_wait3A_499[%dma_wait3A_500, %dma_wait3A_501] : memref<80x576xf32, #tpu.memory_space<hbm>> -> memref<80x128xf32, #tpu.memory_space<hbm>>
    %dma_wait3A_503 = arith.constant 0 : i32
    %dma_wait3A_504 = tpu.memref_slice %arg7[%add3A_432, %dma_wait3A_503] : memref<320000x576xf32, #tpu.memory_space<hbm>> -> memref<80x576xf32, #tpu.memory_space<hbm>>
    %dma_wait3A_505 = arith.constant 0 : i32
    %dma_wait3A_506 = arith.constant 384 : i32
    %dma_wait3A_507 = tpu.memref_slice %dma_wait3A_504[%dma_wait3A_505, %dma_wait3A_506] : memref<80x576xf32, #tpu.memory_space<hbm>> -> memref<80x128xf32, #tpu.memory_space<hbm>>
    %dma_wait3A_508 = arith.constant 0 : i32
    %dma_wait3A_509 = arith.constant 0 : i32
    %dma_wait3A_510 = tpu.memref_slice %arg10[%dma_wait3A_493, %dma_wait3A_508, %dma_wait3A_509] : memref<2x80x192xf32, #tpu.memory_space<vmem>> -> memref<1x80x128xf32, #tpu.memory_space<vmem>>
    %dma_wait3A_511 = tpu.memref_squeeze %dma_wait3A_510 : memref<1x80x128xf32, #tpu.memory_space<vmem>> -> memref<80x128xf32, #tpu.memory_space<vmem>>
    tpu.wait_dma2 semaphore(%arg17 : memref<!tpu.dma_semaphore, #tpu.memory_space<semaphore_mem>>) src(%dma_wait3A_511 : memref<80x128xf32, #tpu.memory_space<vmem>>) dst(%dma_wait3A_507 : memref<80x128xf32, #tpu.memory_space<hbm>>)
    %dma_wait3A_512 = arith.constant 0 : i32
    %dma_wait3A_513 = arith.constant 0 : i32
    %dma_wait3A_514 = arith.constant 128 : i32
    %dma_wait3A_515 = tpu.memref_slice %arg10[%dma_wait3A_512, %dma_wait3A_513, %dma_wait3A_514] : memref<2x80x192xf32, #tpu.memory_space<vmem>> -> memref<1x80x64xf32, #tpu.memory_space<vmem>>
    %dma_wait3A_516 = tpu.memref_squeeze %dma_wait3A_515 : memref<1x80x64xf32, #tpu.memory_space<vmem>> -> memref<80x64xf32, #tpu.memory_space<vmem>>
    %dma_wait3A_517 = arith.constant 0 : i32
    %dma_wait3A_518 = tpu.memref_slice %arg7[%add3A_432, %dma_wait3A_517] : memref<320000x576xf32, #tpu.memory_space<hbm>> -> memref<80x576xf32, #tpu.memory_space<hbm>>
    %dma_wait3A_519 = arith.constant 0 : i32
    %dma_wait3A_520 = arith.constant 512 : i32
    %dma_wait3A_521 = tpu.memref_slice %dma_wait3A_518[%dma_wait3A_519, %dma_wait3A_520] : memref<80x576xf32, #tpu.memory_space<hbm>> -> memref<80x64xf32, #tpu.memory_space<hbm>>
    %dma_wait3A_522 = arith.constant 0 : i32
    %dma_wait3A_523 = tpu.memref_slice %arg7[%add3A_432, %dma_wait3A_522] : memref<320000x576xf32, #tpu.memory_space<hbm>> -> memref<80x576xf32, #tpu.memory_space<hbm>>
    %dma_wait3A_524 = arith.constant 0 : i32
    %dma_wait3A_525 = arith.constant 512 : i32
    %dma_wait3A_526 = tpu.memref_slice %dma_wait3A_523[%dma_wait3A_524, %dma_wait3A_525] : memref<80x576xf32, #tpu.memory_space<hbm>> -> memref<80x64xf32, #tpu.memory_space<hbm>>
    %dma_wait3A_527 = arith.constant 0 : i32
    %dma_wait3A_528 = arith.constant 128 : i32
    %dma_wait3A_529 = tpu.memref_slice %arg10[%dma_wait3A_512, %dma_wait3A_527, %dma_wait3A_528] : memref<2x80x192xf32, #tpu.memory_space<vmem>> -> memref<1x80x64xf32, #tpu.memory_space<vmem>>
    %dma_wait3A_530 = tpu.memref_squeeze %dma_wait3A_529 : memref<1x80x64xf32, #tpu.memory_space<vmem>> -> memref<80x64xf32, #tpu.memory_space<vmem>>
    tpu.wait_dma2 semaphore(%arg17 : memref<!tpu.dma_semaphore, #tpu.memory_space<semaphore_mem>>) src(%dma_wait3A_530 : memref<80x64xf32, #tpu.memory_space<vmem>>) dst(%dma_wait3A_526 : memref<80x64xf32, #tpu.memory_space<hbm>>)
    return
  }
}

module attributes {stable_mosaic.version = 14 : i64} {
  func.func @_tc_rbf_kernel(%arg0: i32, %arg1: memref<320000xf32, #tpu.memory_space<vmem>>, %arg2: memref<2560x192xf32, #tpu.memory_space<vmem>>) attributes {dimension_semantics = [#tpu.dimension_semantics<arbitrary>], iteration_bounds = array<i64: 125>, scalar_prefetch = 0 : i64, scratch_operands = 0 : i64, tpu.core_type = #tpu.core_type<tc>, window_params = [{pipeline_mode = #tpu.pipeline_mode<synchronous>, transform_indices = @transform_0, window_bounds = array<i64: 320000>}, {transform_indices = @transform_1, window_bounds = array<i64: 2560, 192>}]} {
    %iota3A = tpu.iota {dimensions = array<i32: 1>} : vector<1x192xi32>
    %jit3A = arith.constant 64 : i32
    %eq3A = arith.constant 0 : i32
    %eq3A_0 = arith.cmpi eq, %jit3A, %eq3A : i32
    %jit3A_1 = arith.constant 1 : i32
    %select_n3A = arith.select %eq3A_0, %jit3A_1, %jit3A : i32
    %rem3A = vector.broadcast %select_n3A : i32 to vector<1x192xi32>
    %rem3A_2 = arith.remsi %iota3A, %rem3A : vector<1x192xi32>
    %ne3A = arith.constant 0 : i32
    %ne3A_3 = vector.broadcast %ne3A : i32 to vector<1x192xi32>
    %ne3A_4 = arith.cmpi ne, %rem3A_2, %ne3A_3 : vector<1x192xi32>
    %lt3A = arith.constant 0 : i32
    %lt3A_5 = vector.broadcast %lt3A : i32 to vector<1x192xi32>
    %lt3A_6 = arith.cmpi slt, %rem3A_2, %lt3A_5 : vector<1x192xi32>
    %lt3A_7 = arith.constant 0 : i32
    %lt3A_8 = arith.cmpi slt, %select_n3A, %lt3A_7 : i32
    %ne3A_9 = vector.broadcast %lt3A_8 : i1 to vector<1x192xi1>
    %ne3A_10 = vector.broadcast %ne3A_9 : vector<1x192xi1> to vector<1x192xi1>
    %ne3A_11 = arith.xori %lt3A_6, %ne3A_10 : vector<1x192xi1>
    %and3A = arith.andi %ne3A_11, %ne3A_4 : vector<1x192xi1>
    %add3A = vector.broadcast %select_n3A : i32 to vector<1x192xi32>
    %add3A_12 = arith.addi %rem3A_2, %add3A : vector<1x192xi32>
    %select_n3A_13 = arith.select %and3A, %add3A_12, %rem3A_2 : vector<1x192xi1>, vector<1x192xi32>
    %convert_element_type3A = arith.sitofp %select_n3A_13 : vector<1x192xi32> to vector<1x192xf32>
    %mul3A = arith.constant 0.126984134 : f32
    %mul3A_14 = vector.broadcast %mul3A : f32 to vector<1x192xf32>
    %mul3A_15 = arith.mulf %convert_element_type3A, %mul3A_14 : vector<1x192xf32>
    %jit3A_16 = arith.constant 64 : i32
    %div3A = vector.broadcast %jit3A_16 : i32 to vector<1x192xi32>
    %div3A_17 = arith.divsi %iota3A, %div3A : vector<1x192xi32>
    %sign3A = arith.constant 0 : i32
    %sign3A_18 = vector.broadcast %sign3A : i32 to vector<1x192xi32>
    %sign3A_19 = arith.cmpi sgt, %iota3A, %sign3A_18 : vector<1x192xi32>
    %sign3A_20 = arith.extui %sign3A_19 : vector<1x192xi1> to vector<1x192xi32>
    %sign3A_21 = arith.constant 0 : i32
    %sign3A_22 = vector.broadcast %sign3A_21 : i32 to vector<1x192xi32>
    %sign3A_23 = arith.cmpi slt, %iota3A, %sign3A_22 : vector<1x192xi32>
    %sign3A_24 = arith.extui %sign3A_23 : vector<1x192xi1> to vector<1x192xi32>
    %sign3A_25 = arith.subi %sign3A_20, %sign3A_24 : vector<1x192xi32>
    %sign3A_26 = arith.constant 0 : i32
    %sign3A_27 = arith.cmpi sgt, %jit3A_16, %sign3A_26 : i32
    %sign3A_28 = arith.extui %sign3A_27 : i1 to i32
    %sign3A_29 = arith.constant 0 : i32
    %sign3A_30 = arith.cmpi slt, %jit3A_16, %sign3A_29 : i32
    %sign3A_31 = arith.extui %sign3A_30 : i1 to i32
    %sign3A_32 = arith.subi %sign3A_28, %sign3A_31 : i32
    %ne3A_33 = vector.broadcast %sign3A_32 : i32 to vector<1x192xi32>
    %ne3A_34 = arith.cmpi ne, %sign3A_25, %ne3A_33 : vector<1x192xi32>
    %rem3A_35 = vector.broadcast %jit3A_16 : i32 to vector<1x192xi32>
    %rem3A_36 = arith.remsi %iota3A, %rem3A_35 : vector<1x192xi32>
    %ne3A_37 = arith.constant 0 : i32
    %ne3A_38 = vector.broadcast %ne3A_37 : i32 to vector<1x192xi32>
    %ne3A_39 = arith.cmpi ne, %rem3A_36, %ne3A_38 : vector<1x192xi32>
    %and3A_40 = arith.andi %ne3A_34, %ne3A_39 : vector<1x192xi1>
    %sub3A = arith.constant 1 : i32
    %sub3A_41 = vector.broadcast %sub3A : i32 to vector<1x192xi32>
    %sub3A_42 = arith.subi %div3A_17, %sub3A_41 : vector<1x192xi32>
    %select_n3A_43 = arith.select %and3A_40, %sub3A_42, %div3A_17 : vector<1x192xi1>, vector<1x192xi32>
    %eq3A_44 = arith.constant 0 : i32
    %eq3A_45 = vector.broadcast %eq3A_44 : i32 to vector<1x192xi32>
    %eq3A_46 = arith.cmpi eq, %select_n3A_43, %eq3A_45 : vector<1x192xi32>
    %eq3A_47 = arith.constant 1 : i32
    %eq3A_48 = vector.broadcast %eq3A_47 : i32 to vector<1x192xi32>
    %eq3A_49 = arith.cmpi eq, %select_n3A_43, %eq3A_48 : vector<1x192xi32>
    %jit3A_50 = arith.constant 1.000000e+01 : f32
    %jit3A_51 = arith.constant 1.000000e+00 : f32
    %broadcast_in_dim3A = vector.broadcast %jit3A_50 : f32 to vector<1x192xf32>
    %broadcast_in_dim3A_52 = vector.broadcast %jit3A_51 : f32 to vector<1x192xf32>
    %select_n3A_53 = arith.select %eq3A_49, %broadcast_in_dim3A, %broadcast_in_dim3A_52 : vector<1x192xi1>, vector<1x192xf32>
    %jit3A_54 = arith.constant 1.000000e+02 : f32
    %broadcast_in_dim3A_55 = vector.broadcast %jit3A_54 : f32 to vector<1x192xf32>
    %select_n3A_56 = arith.select %eq3A_46, %broadcast_in_dim3A_55, %select_n3A_53 : vector<1x192xi1>, vector<1x192xf32>
    %mul3A_57 = arith.constant 2560 : i32
    %mul3A_58 = arith.muli %arg0, %mul3A_57 : i32
    %get3A = arith.index_cast %mul3A_58 : i32 to index
    %get3A_59 = vector.load %arg1[%get3A] : memref<320000xf32, #tpu.memory_space<vmem>>, vector<2560xf32>
    %reshape3A = vector.shape_cast %get3A_59 : vector<2560xf32> to vector<2560x1xf32>
    %sub3A_60 = vector.broadcast %reshape3A : vector<2560x1xf32> to vector<2560x192xf32>
    %sub3A_61 = vector.broadcast %mul3A_15 : vector<1x192xf32> to vector<2560x192xf32>
    %sub3A_62 = arith.subf %sub3A_60, %sub3A_61 : vector<2560x192xf32>
    %mul3A_63 = arith.mulf %sub3A_62, %sub3A_62 : vector<2560x192xf32>
    %neg3A = arith.constant 0.000000e+00 : f32
    %neg3A_64 = vector.broadcast %neg3A : f32 to vector<1x192xf32>
    %neg3A_65 = arith.subf %neg3A_64, %select_n3A_56 : vector<1x192xf32>
    %mul3A_66 = vector.broadcast %neg3A_65 : vector<1x192xf32> to vector<2560x192xf32>
    %mul3A_67 = arith.mulf %mul3A_63, %mul3A_66 : vector<2560x192xf32>
    %exp3A = math.exp %mul3A_67 : vector<2560x192xf32>
    %swap3A = arith.constant 0 : index
    %swap3A_68 = arith.constant 0 : index
    %swap3A_69 = vector.load %arg2[%swap3A, %swap3A_68] : memref<2560x192xf32, #tpu.memory_space<vmem>>, vector<2560x192xf32>
    tpu.vector_store %arg2[%swap3A, %swap3A_68], %exp3A {strides = array<i32>} : memref<2560x192xf32, #tpu.memory_space<vmem>>, vector<2560x192xf32>,
    return
  }
  func.func @transform_0(%arg0: i32) -> i32 {
    %c0_i32 = arith.constant 0 : i32
    %c0_i32_0 = arith.constant 0 : i32
    return %c0_i32 : i32
  }
  func.func @transform_1(%arg0: i32) -> (i32, i32) {
    %c0_i32 = arith.constant 0 : i32
    %c0_i32_0 = arith.constant 0 : i32
    return %arg0, %c0_i32 : i32, i32
  }
}

</mosaic_0001>

<sc_bundles>
// kernel: _rbf_triangle.4.cloned.1.call-start
scs
__scs_entry_jumppad:
0x0: {  	(pc) =	sbr.rel $0x88, $3  }
0x1: {  	(tag) =	ssettag $0x0;
	lr =	simm.s32 $0x1  }
0x2: {  	[smem:$0x3F9F] =	sst lr;
	_ =	strace $0xD0000000  }
0x3: {  	_ = 	snop  }
0x4: {  	_ = 	snop  }
0x5: {  	_ = 	snop  }
0x6: {  	_ = 	snop  }
0x7: {  	_ = 	snop  }
__scs_overlays_trampoline_lowered:
0x8: {  	[smem:$0x3FAE] =	sst s0  }
0x9: {  	[smem:$0x3FAF] =	sst s1  }
0xa: {  	[smem:$0x3FB0] =	sst s2  }
0xb: {  	[smem:$0x3FB1] =	sst s3  }
0xc: {  	[smem:$0x3FB2] =	sst s4  }
0xd: {  	[smem:$0x3FB3] =	sst s5  }
0xe: {  	[smem:$0x3FB4] =	sst s6  }
0xf: {  	[smem:$0x3FB5] =	sst s7  }
0x10: {  	[smem:$0x3FB6] =	sst s8  }
0x11: {  	[smem:$0x3FB7] =	sst s9;
	s0 =	simm.s32 @!p0 $0x0  }
0x12: {  	s1 =	sld [smem:$0x3F9D];
	s0 =	simm.s32 @p0 $0x1  }
0x13: {  	[smem:$0x3FB8] =	sst s0;
	s0 =	simm.s32 @!p1 $0x0  }
0x14: {  	s2 =	sld [smem:$0x3F9C];
	s0 =	simm.s32 @p1 $0x1  }
0x15: {  	[smem:$0x3FB9] =	sst s0;
	s0 =	simm.s32 @!p2 $0x0  }
0x16: {  	s3 =	sld [smem:$0x3FDB];
	s0 =	simm.s32 @p2 $0x1  }
0x17: {  	s4 =	simm.s32 $0x1BF5;
	[smem:$0x3FBB] =	sst s0  }
0x18: {  	s0 =	sld [smem:$0x3F9E];
	_ =	swait.ge [sflag:s4], $0x0  }
0x19: {  	s7 =	sld [smem:$0x3F9F]  }
0x1a: {  	s8 =	sadd.s32 $0xFFFFE003, lr  }
0x1b: {  	s9 =	sadd.s32 $0xFFFFFEF7, lr;
	s5 =	simm.s32 $0xFFFFFFFF;
	p2 =	slt.u32 s8, $0xFFFFF086  }
0x1c: {  	p1 =	slt.u32 s9, $0xF7A;
	s5 =	simm.s32 @!p2 $0x0  }
0x1d: {  	s5 =	simm.s32 @p1 $0x1;
	p0 =	seq.s32 s7, s2  }
0x1e: {  	s7 =	smul.u32 @!p0 $0xF7A, s2;
	p2 =	seq.s32 @!p0 s5, $0x0  }
0x1f: {  	s9 =	smul.u32 $0xF7A, s1;
	s8 =	simm.s32 @!p0 $0x1BF5;
	p2 =	por !p2, p0  }
0x20: {  	[sflag:s8] =	ssyncset.s32 @!p0 $0xFFFFF086;
	s6 =	sadd.s32 @!p0 s3, s7;
	s7 =	simm.s32 @!p0 $0x108  }
0x21: {  	s3 =	sadd.s32 s3, s9;
	s6 =	sadd.s32 @!p0 $0x88, s6;
	s7 =	simm.s32 @p2 $0x1082  }
0x22: {  	[simem:s7], [sflag:s8] =	dma.local @!p0 [hbm:s6], $0xF7A  }
0x23: {  	s9 =	sor.u32 $0xD0000000, s2;
	s6 =	simm.s32 $0x108;
	_ =	swait.ge @!p0 [sflag:s8], $0x0  }
0x24: {  	s3 =	sadd.s32 $0x88, s3;
	s6 =	simm.s32 @!p1 $0x1082;
	[sflag:s4] =	ssyncset.s32 $0xFFFFF086  }
0x25: {  	[simem:s6], [sflag:s4] =	dma.local [hbm:s3], $0xF7A  }
0x26: {  	[smem:$0x3F9F] =	sst s1;
	(tag) =	ssettag s2;
	_ =	strace s9  }
0x27: {  	s1 =	sld [smem:$0x3FAF]  }
0x28: {  	s2 =	sld [smem:$0x3FB0]  }
0x29: {  	s4 =	sld [smem:$0x3FB2]  }
0x2a: {  	p0 =	seq.s32 s5, $0x0;
	s5 =	sld [smem:$0x3FB3]  }
0x2b: {  	s6 =	sld [smem:$0x3FB4]  }
0x2c: {  	s7 =	sld [smem:$0x3FB5]  }
0x2d: {  	s3 =	simm.s32 $0x108;
	s8 =	sld [smem:$0x3FB6]  }
0x2e: {  	s3 =	simm.s32 @!p0 $0x1082;
	s9 =	sld [smem:$0x3FB7]  }
0x2f: {  	lr =	sadd.s32 s0, s3;
	s0 =	sld [smem:$0x3FAE]  }
0x30: {  	s3 =	sld [smem:$0x3FB1]  }
0x31: {  	[smem:$0x3FBA] =	sst s10  }
0x32: {  	s10 =	sld [smem:$0x3FB8];
	_ =	sdelay $0x3  }
0x33: {  	p0 =	seq.s32 s10, $0x1;
	s10 =	sld [smem:$0x3FBA];
	_ =	sdelay $0x3  }
0x34: {  	[smem:$0x3FBA] =	sst s10  }
0x35: {  	s10 =	sld [smem:$0x3FB9];
	_ =	sdelay $0x3  }
0x36: {  	p1 =	seq.s32 s10, $0x1;
	s10 =	sld [smem:$0x3FBA];
	_ =	sdelay $0x3  }
0x37: {  	[smem:$0x3FBA] =	sst s10  }
0x38: {  	s10 =	sld [smem:$0x3FBB]  }
0x39: {  	_ = 	snop;
	(pc) =	sbr.ind lr, $3  }
0x3a: {  	_ = 	snop  }
0x3b: {  	_ = 	snop  }
0x3c: {  	p2 =	seq.s32 s10, $0x1;
	s10 =	sld [smem:$0x3FBA]  }
0x3d: {  	_ =	shalt  }
0x3e: {  	_ =	shalt  }
0x3f: {  	_ =	shalt  }
0x40: {  	_ =	shalt  }
0x41: {  	_ =	shalt  }
0x42: {  	_ =	shalt  }
0x43: {  	_ =	shalt  }
0x44: {  	_ =	shalt  }
0x45: {  	_ =	shalt  }
0x46: {  	_ =	shalt  }
0x47: {  	_ =	shalt  }
0x48: {  	_ =	shalt  }
0x49: {  	_ =	shalt  }
0x4a: {  	_ =	shalt  }
0x4b: {  	_ =	shalt  }
0x4c: {  	_ =	shalt  }
0x4d: {  	_ =	shalt  }
0x4e: {  	_ =	shalt  }
0x4f: {  	_ =	shalt  }
0x50: {  	_ =	shalt  }
0x51: {  	_ =	shalt  }
0x52: {  	_ =	shalt  }
0x53: {  	_ =	shalt  }
0x54: {  	_ =	shalt  }
0x55: {  	_ =	shalt  }
0x56: {  	_ =	shalt  }
0x57: {  	_ =	shalt  }
0x58: {  	_ =	shalt  }
0x59: {  	_ =	shalt  }
0x5a: {  	_ =	shalt  }
0x5b: {  	_ =	shalt  }
0x5c: {  	_ =	shalt  }
0x5d: {  	_ =	shalt  }
0x5e: {  	_ =	shalt  }
0x5f: {  	_ =	shalt  }
0x60: {  	_ =	shalt  }
0x61: {  	_ =	shalt  }
0x62: {  	_ =	shalt  }
0x63: {  	_ =	shalt  }
0x64: {  	_ =	shalt  }
0x65: {  	_ =	shalt  }
0x66: {  	_ =	shalt  }
0x67: {  	_ =	shalt  }
0x68: {  	_ =	shalt  }
0x69: {  	_ =	shalt  }
0x6a: {  	_ =	shalt  }
0x6b: {  	_ =	shalt  }
0x6c: {  	_ =	shalt  }
0x6d: {  	_ =	shalt  }
0x6e: {  	_ =	shalt  }
0x6f: {  	_ =	shalt  }
0x70: {  	_ =	shalt  }
0x71: {  	_ =	shalt  }
0x72: {  	_ =	shalt  }
0x73: {  	_ =	shalt  }
0x74: {  	_ =	shalt  }
0x75: {  	_ =	shalt  }
0x76: {  	_ =	shalt  }
0x77: {  	_ =	shalt  }
0x78: {  	_ =	shalt  }
0x79: {  	_ =	shalt  }
0x7a: {  	_ =	shalt  }
0x7b: {  	_ =	shalt  }
0x7c: {  	_ =	shalt  }
0x7d: {  	_ =	shalt  }
0x7e: {  	_ =	shalt  }
0x7f: {  	_ =	shalt  }
0x80: {  	_ =	shalt  }
0x81: {  	_ =	shalt  }
0x82: {  	_ =	shalt  }
0x83: {  	_ =	shalt  }
0x84: {  	_ =	shalt  }
0x85: {  	_ =	shalt  }
0x86: {  	_ =	shalt  }
0x87: {  	_ =	shalt  }
.Lfunc_end0:
.L_simem_size_0:
called_computation_lowered:
.L_overlay_start_0:
0x88: {  	s2 =	sld [smem:$0x3FD9]  }
0x89: {  	s3 =	sld [smem:$0x3FFE];
	_ =	sdelay $0x1  }
0x8a: {  	s1 =	srdreg.scid  }
0x8b: {  	s0 =	sand.u32 $0x1, s1  }
0x8c: {  	s17 =	sshll.u32 s0, $0xA;
	s2 =	sadd.s32 s3, s2  }
0x8d: {  	s2 =	sadd.s32 s2, s17  }
0x8e: {  	[smem:$0x3FC6] =	sst s2  }
0x8f: {  	_ = 	snop  }
0x90: {  	s2 =	sld [smem:$0x3FC8]  }
0x91: {  	s18 =	sld [smem:$0x3FD0];
	(tm) =	ssettm $0x1  }
0x92: {  	s4 =	sld [smem:$0x3FFB];
	_ =	sdelay $0x3  }
0x93: {  	_ =	strace s4  }
0x94: {  	s4 =	sld [smem:$0x3FFC];
	_ =	sdelay $0x3  }
0x95: {  	_ =	strace s4  }
0x96: {  	s4 =	sld [smem:$0x3FFD];
	_ =	sdelay $0x3  }
0x97: {  	_ =	strace s4  }
0x98: {  	_ =	strace $0x8FFFFFFF  }
0x99: {  	s19 =	sld [smem:$0x3FDB];
	_ =	sdelay $0x1  }
0x9a: {  	s5 =	simm.s32 $_scs_section_size  }
0x9b: {  	s6 =	simm.s32 $_size__tile_overlayer_lowered;
	s7 =	simm.s32 $_tile_overlayer_lowered  }
0x9c: {  	s22 =	simm.s32 $0x1BFF;
	s21 =	sshll.u32 s7, $0x1;
	s4 =	sadd.s32 s5, s19  }
0x9d: {  	s8 =	simm.s32 $0x0;
	s20 =	sshll.u32 s6, $0x1;
	s6 =	sadd.s32 s21, s4  }
0x9e: {  	[timem:s8], [sflag:s22] =	dma.local [hbm:s6], s20  }
0x9f: {  	_ =	swait.ge [sflag:s22], s20  }
0xa0: {  	s5 =	ssub.s32 $0x0, s20;
	[sflag:s22] =	ssyncset.done $0x0  }
0xa1: {  	[sflag:s22] =	ssyncadd.s32 s5;
	_ =	sdelay $0x1  }
0xa2: {  	s23 =	simm.s32 $0x1B8B  }
0xa3: {  	_ =	swait.ge [sflag:s23], $0x1  }
0xa4: {  	[sflag:s23] =	ssyncset.done $0x0  }
0xa5: {  	s25 =	simm.s32 $0x1B8E;
	s24 =	sld [smem:$0x3FFE];
	[sflag:s23] =	ssyncadd.s32 $0xFFFFFFFF  }
0xa6: {  	s26 =	simm.s32 $execute0_lowered;
	[smem:$0x3FD2] =	sst s25  }
0xa7: {  	s6 =	sshll.u32 s26, $0x1;
	_ =	strace $0x80000046;
	[dreg:$0x1] =	wrdreg $0xFFFFFFFF  }
0xa8: {  	s28 =	simm.s32 $_size_execute0_lowered;
	s4 =	sadd.s32 s4, s6;
	[dreg:$0x0] =	wrdreg $0x0  }
0xa9: {  	s6 =	sshll.u32 s28, $0x1;
	[dreg:$0x2] =	wrdreg s4  }
0xaa: {  	[dreg:$0x3] =	wrdreg s6  }
0xab: {  	[dreg:$0x4] =	wrdreg $0xC0  }
0xac: {  	_ =	task [dreg:s8], $0x5FFFF  }
0xad: {  	[dreg:$0x1] =	wrdreg $0xFFFFFFFF  }
0xae: {  	[dreg:$0x0] =	wrdreg $0x60  }
0xaf: {  	[dreg:$0x2] =	wrdreg s24  }
0xb0: {  	[dreg:$0x3] =	wrdreg s18  }
0xb1: {  	[dreg:$0x4] =	wrdreg s2  }
0xb2: {  	[dreg:$0x5] =	wrdreg $0x9  }
0xb3: {  	_ =	task.clear_ibuf [dreg:s8], $0x6FFFF;
	_ =	strace $0x90000046  }
0xb4: {  	s29 =	simm.s32 $0x9;
	_ =	strace $0x80000048  }
0xb5: {  	_ =	swait.ge [sflag:s29], $0x1  }
0xb6: {  	[sflag:s29] =	ssyncadd.s32 $0xFFFFFFFF  }
0xb7: {  	_ =	strace $0x90000048  }
0xb8: {  	_ =	sfence  }
0xb9: {  	s30 =	sld [smem:$0x0];
	_ =	sdelay $0x2  }
0xba: {  	s31 =	sshll.u32 s1, $0xD;
	s1 =	sshrl.u32 s1, $0x2  }
0xbb: {  	s3 =	sand.u32 $0x4000, s31;
	s1 =	sadd.s32 s1, s30  }
0xbc: {  	s0 =	sor.u32 s3, s0;
	s1 =	sshll.u32 s1, $0x11  }
0xbd: {  	s0 =	sor.u32 s1, s0  }
0xbe: {  	s0 =	sadd.s32 $0x8F2B, s0  }
0xbf: {  	[sflag:s0] =	ssyncadd.remote.s32 $0x1  }
0xc0: {  	_ =	sfence.sel $0xFFFF  }
0xc1: {  	[dreg:$0x0] =	wrdreg $0xFFFFFFFF;
	(pc) =	sbr.abs _section_cstart, $3  }
0xc2: {  	[dreg:$0x1] =	wrdreg $0xFFFFFFFF  }
0xc3: {  	_ =	task.clear_ibuf [dreg:s8], $0x2FFFF;
	_ =	strace $0x9FFFFFFF  }
0xc4: {  	(tm) =	ssettm $0x7FFFFFFF  }
0xc5: {  	_ =	shalt  }
tec
execute0_lowered:
.L_overlay_start_1:
0x0: {  	(tag) =	ssettag $0x1  }
0x1: {  	s12 =	rddreg [dreg:$0x0]  }
0x2: {  	s14 =	rddreg [dreg:$0x1];
	s5 =	simm.s32 $0x0  }
0x3: {  	s24 =	simm.s32 $0x14C00;
	[smem:$0x7FF] =	sst s5  }
0x4: {  	s26 =	simm.s32 $0x15400;
	_ =	strace $0x80000047;
	[dreg:$0x7] =	wrdreg s24  }
0x5: {  	s0 =	srdreg.scid;
	s6 =	sadd.s32 $0x13C00, s12;
	[dreg:$0x8] =	wrdreg s26  }
0x6: {  	s13 =	stileid.u32;
	s29 =	simm.s32 $0x15C00;
	[dreg:$0x1c] =	wrdreg s6  }
0x7: {  	s9 =	simm.s32 $0x16C00;
	s8 =	sadd.s32 $0x9E00, s12;
	[dreg:$0x9] =	wrdreg s29  }
0x8: {  	s16 =	simm.s32 $0x18400;
	s17 =	simm.s32 $0x18C00;
	[dreg:$0x1d] =	wrdreg s8  }
0x9: {  	s0 =	sand.u32 $0x1, s0;
	s1 =	sshll.u32 s13, $0x1;
	[dreg:$0xb] =	wrdreg s9  }
0xa: {  	s4 =	sadd.s32 $0x1DA00, s12;
	s10 =	smul.u32 $0x4E20, s13;
	[dreg:$0xe] =	wrdreg s16  }
0xb: {  	s1 =	sor.u32 s0, s1;
	s2 =	ssub.s32 $0x2, s0;
	[dreg:$0x1e] =	wrdreg s4  }
0xc: {  	s20 =	smul.u32 $0x2710, s0;
	[dreg:$0xf] =	wrdreg s17;
	s24 =	simm.s32 $0x16800  }
0xd: {  	s26 =	simm.s32 $0x17800;
	s29 =	simm.s32 $0x18800;
	[dreg:$0x14] =	wrdreg s24  }
0xe: {  	s15 =	smul.u32 $0x2710, s1;
	s3 =	sshrl.u32 s2, $0x1;
	[dreg:$0x16] =	wrdreg s26  }
0xf: {  	[dreg:$0x18] =	wrdreg s29;
	s2 =	ssub.s32 s2, s3  }
0x10: {  	s3 =	sadd.s32 s20, s10;
	s20 =	simm.s32 $0x15000;
	[dreg:$0x1a] =	wrdreg s15  }
0x11: {  	s1 =	smul.u32 $0x4E200, s1;
	s21 =	sadd.s32 $0xA0, s15;
	[dreg:$0x11] =	wrdreg s20  }
0x12: {  	s22 =	sadd.s32 $0xF0, s15;
	[dreg:$0x4] =	wrdreg s21  }
0x13: {  	s1 =	sadd.s32 s14, s1;
	[dreg:$0x5] =	wrdreg s22  }
0x14: {  	s3 =	sadd.s32 $0x50, s3;
	[smem:$0x7F6] =	sst s1  }
0x15: {  	s25 =	sadd.s32 $0x50, s15;
	[dreg:$0x6] =	wrdreg s3  }
0x16: {  	s7 =	sshrl.u32 s15, $0x3;
	s15 =	simm.s32 $0x17C00;
	[dreg:$0x1b] =	wrdreg s25  }
0x17: {  	s2 =	smax.u32 s2, $0x1;
	[dreg:$0xd] =	wrdreg s15  }
0x18: {  	s19 =	sadd.s32 s6, s7;
	[smem:$0x7FC] =	sst s2  }
0x19: {  	s11 =	sadd.s32 s8, s7;
	[dreg:$0x1f] =	wrdreg s19  }
0x1a: {  	s23 =	sadd.s32 s12, s7;
	[smem:$0x7F4] =	sst s11  }
0x1b: {  	s28 =	sshrl.u32 s25, $0x3;
	s21 =	simm.s32 $0x15800;
	[smem:$0x7F5] =	sst s23  }
0x1c: {  	s30 =	sadd.s32 s6, s28;
	[dreg:$0x12] =	wrdreg s21  }
0x1d: {  	s8 =	sadd.s32 s8, s28;
	[smem:$0x7F7] =	sst s30  }
0x1e: {  	s6 =	simm.s32 $0x16400;
	[smem:$0x7F8] =	sst s8  }
0x1f: {  	s31 =	simm.s32 $0x6;
	s3 =	sadd.s32 s12, s28;
	[dreg:$0xa] =	wrdreg s6  }
0x20: {  	s0 =	smul.u32 $0x4E200, s0;
	s11 =	simm.s32 $0x17400;
	[smem:$0x7F9] =	sst s3  }
0x21: {  	s16 =	simm.s32 $0x5;
	s19 =	simm.s32 $0x14800;
	[dreg:$0xc] =	wrdreg s11  }
0x22: {  	s7 =	smul.u32 $0x280, s7;
	s23 =	simm.s32 $0x16000;
	[dreg:$0x10] =	wrdreg s19  }
0x23: {  	s12 =	sshll.u32 s25, $0x5;
	s25 =	simm.s32 $0x17000;
	[dreg:$0x13] =	wrdreg s23  }
0x24: {  	s22 =	smul.u32 $0x9C400, s13;
	s28 =	simm.s32 $0x18000;
	[dreg:$0x15] =	wrdreg s25  }
0x25: {  	s3 =	sadd.s32 s14, s12;
	s18 =	sadd.s32 s4, s7;
	[dreg:$0x17] =	wrdreg s28  }
0x26: {  	s2 =	sadd.s32 s22, s14;
	s30 =	simm.s32 $0x19000;
	[smem:$0x7FA] =	sst s3  }
0x27: {  	s3 =	sadd.s32 $0xC1C00, s18;
	s0 =	sadd.s32 s0, s2;
	[dreg:$0x19] =	wrdreg s30  }
0x28: {  	s11 =	simm.s32 $0x2;
	[smem:$0x7FB] =	sst s3;
	s0 =	sadd.s32 $0xA00, s0  }
0x29: {  	s3 =	simm.s32 $0x7;
	[smem:$0x7FD] =	sst s0;
	s0 =	simm.s32 $0x0  }
.LBB2_1:
0x2a: {  	s1 =	rddreg [dreg:$0x1f]  }
0x2b: {  	s25 =	sld [smem:$0x7F4]  }
0x2c: {  	[tilespmem:s5], [sflag:$0x1] =	stream.linear.gather [hbm4b:s1+s5], $0x50, $0x38;
	[tilespmem:$0x19400] =	vst v63  }
0x2d: {  	s20 =	simm.s32 $0x80;
	s26 =	sld [smem:$0x7F5]  }
0x2e: {  	[tilespmem:s20], [sflag:$0x1] =	stream.linear.gather [hbm4b:s25+s5], $0x50, $0x38;
	[tilespmem:$0x19400] =	vst v63  }
0x2f: {  	s22 =	simm.s32 $0x100;
	s28 =	sld [smem:$0x7F6]  }
0x30: {  	[tilespmem:s22], [sflag:$0x1] =	stream.linear.gather [hbm4b:s26+s5], $0x50, $0x38;
	[tilespmem:$0x19400] =	vst v63  }
0x31: {  	s23 =	simm.s32 $0xF400  }
0x32: {  	[tilespmem:s23], [sflag:$0x3] =	stream.linear.gather [hbm4b:s28+s5], $0x5000, $0x38;
	[tilespmem:$0x19400] =	vst v63  }
0x33: {  	[smem:$0x7F3] =	sst s0;
	s28 =	simm.s32 $0x1  }
0x34: {  	_ =	swait.ge [sflag:s28], $0x50  }
0x35: {  	[sflag:s28] =	ssyncset.done $0x0  }
0x36: {  	[sflag:s28] =	ssyncadd.s32 $0xFFFFFFB0  }
0x37: {  	_ =	swait.ge [sflag:s28], $0x50  }
0x38: {  	[sflag:s28] =	ssyncset.done $0x0  }
0x39: {  	[sflag:s28] =	ssyncadd.s32 $0xFFFFFFB0  }
0x3a: {  	_ =	swait.ge [sflag:s28], $0x50  }
0x3b: {  	[sflag:s28] =	ssyncset.done $0x0  }
0x3c: {  	[sflag:s28] =	ssyncadd.s32 $0xFFFFFFB0  }
0x3d: {  	s18 =	simm.s32 $0x50;
	s25 =	simm.s32 $0x400;
	s26 =	rddreg [dreg:$0x2]  }
0x3e: {  	[tilespmem:s25], [sflag:$0x5] =	stream.indirect.gather [hbm4b:s26+s18], $0x80, s5, s18, $0xb8;
	[tilespmem:$0x19400] =	vst v63  }
0x3f: {  	s24 =	simm.s32 $0x2C00  }
0x40: {  	[tilespmem:s24], [sflag:$0x5] =	stream.indirect.gather [hbm4b:s26+s18], $0x80, s20, s18, $0xb8;
	[tilespmem:$0x19400] =	vst v63  }
0x41: {  	s12 =	simm.s32 $0x5400;
	s29 =	sld [smem:$0x7F7]  }
0x42: {  	[tilespmem:s12], [sflag:$0x5] =	stream.indirect.gather [hbm4b:s26+s18], $0x80, s22, s18, $0xb8;
	[tilespmem:$0x19400] =	vst v63  }
0x43: {  	s10 =	simm.s32 $0x200;
	s30 =	sld [smem:$0x7F8]  }
0x44: {  	[tilespmem:s10], [sflag:$0x2] =	stream.linear.gather [hbm4b:s29+s5], $0x50, $0x38;
	[tilespmem:$0x19400] =	vst v63  }
0x45: {  	s13 =	simm.s32 $0x280;
	p0 =	por $0x1, $0x1;
	s0 =	sld [smem:$0x7F9]  }
0x46: {  	[tilespmem:s13], [sflag:$0x2] =	stream.linear.gather [hbm4b:s30+s5], $0x50, $0x38;
	[tilespmem:$0x19400] =	vst v63  }
0x47: {  	s14 =	simm.s32 $0x300;
	p0 =	por p0, p0;
	s2 =	sld [smem:$0x7FA]  }
0x48: {  	[tilespmem:s14], [sflag:$0x2] =	stream.linear.gather [hbm4b:s0+s5], $0x50, $0x38;
	[tilespmem:$0x19400] =	vst v63  }
0x49: {  	s1 =	simm.s32 @!p0 $0x8;
	s29 =	simm.s32 $0x14400  }
0x4a: {  	[tilespmem:s29], [sflag:$0x4] =	stream.linear.gather [hbm4b:s2+s5], $0x5000, $0x38;
	[tilespmem:$0x19400] =	vst v63  }
0x4b: {  	_ =	swait.ge @!p0 [sflag:s1], $0x2800  }
0x4c: {  	[sflag:s1] =	ssyncset.done @!p0 $0x0  }
0x4d: {  	[sflag:s1] =	ssyncadd.s32 @!p0 $0xFFFFD800  }
0x4e: {  	_ =	swait.ge @!p0 [sflag:s1], $0x2800  }
0x4f: {  	[sflag:s1] =	ssyncset.done @!p0 $0x0  }
0x50: {  	[sflag:s1] =	ssyncadd.s32 @!p0 $0xFFFFD800  }
0x51: {  	_ =	swait.ge @!p0 [sflag:s1], $0x2800  }
0x52: {  	[sflag:s1] =	ssyncset.done @!p0 $0x0  }
0x53: {  	[sflag:s1] =	ssyncadd.s32 @!p0 $0xFFFFD800  }
0x54: {  	_ =	swait.ge @!p0 [sflag:s1], $0x2800  }
0x55: {  	[sflag:s1] =	ssyncset.done @!p0 $0x0  }
0x56: {  	[sflag:s1] =	ssyncadd.s32 @!p0 $0xFFFFD800  }
0x57: {  	_ =	swait.ge @!p0 [sflag:s1], $0x2800  }
0x58: {  	s21 =	sld [smem:$0x7FD]  }
0x59: {  	[sflag:s1] =	ssyncset.done @!p0 $0x0  }
0x5a: {  	s7 =	simm.s32 @!p0 $0x0;
	s2 =	simm.s32 @!p0 $0x14400;
	[sflag:s1] =	ssyncadd.s32 @!p0 $0xFFFFD800  }
0x5b: {  	[tilespmem:s2], [sflag:$0x4] =	stream.linear.gather @!p0 [hbm4b:s21+s7], $0x5000, $0x38;
	[tilespmem:$0x19400] =	vst v63  }
0x5c: {  	s1 =	rddreg [dreg:$0x6];
	_ =	swait.ge [sflag:s11], $0x50  }
0x5d: {  	[sflag:s11] =	ssyncset.done $0x0  }
0x5e: {  	[sflag:s11] =	ssyncadd.s32 $0xFFFFFFB0  }
0x5f: {  	_ =	swait.ge [sflag:s11], $0x50  }
0x60: {  	[sflag:s11] =	ssyncset.done $0x0  }
0x61: {  	[sflag:s11] =	ssyncadd.s32 $0xFFFFFFB0  }
0x62: {  	_ =	swait.ge [sflag:s11], $0x50  }
0x63: {  	[sflag:s11] =	ssyncset.done $0x0  }
0x64: {  	s15 =	simm.s32 $0x7C00;
	[sflag:s11] =	ssyncadd.s32 $0xFFFFFFB0  }
0x65: {  	[tilespmem:s15], [sflag:$0x6] =	stream.indirect.gather [hbm4b:s26+s18], $0x80, s10, s18, $0xb8;
	[tilespmem:$0x19400] =	vst v63  }
0x66: {  	s17 =	simm.s32 $0xA400  }
0x67: {  	[tilespmem:s17], [sflag:$0x6] =	stream.indirect.gather [hbm4b:s26+s18], $0x80, s13, s18, $0xb8;
	[tilespmem:$0x19400] =	vst v63  }
0x68: {  	s0 =	simm.s32 $0xCC00  }
0x69: {  	[tilespmem:s0], [sflag:$0x6] =	stream.indirect.gather [hbm4b:s26+s18], $0x80, s14, s18, $0xb8;
	[tilespmem:$0x19400] =	vst v63  }
0x6a: {  	_ =	swait.ge [sflag:s16], $0x2800  }
0x6b: {  	[sflag:s16] =	ssyncset.done $0x0  }
0x6c: {  	[sflag:s16] =	ssyncadd.s32 $0xFFFFD800  }
0x6d: {  	_ =	swait.ge [sflag:s16], $0x2800  }
0x6e: {  	[sflag:s16] =	ssyncset.done $0x0  }
0x6f: {  	[sflag:s16] =	ssyncadd.s32 $0xFFFFD800  }
0x70: {  	s2 =	simm.s32 $0x0;
	_ =	swait.ge [sflag:s16], $0x2800  }
0x71: {  	s2 =	simm.s32 @p0 $0x0;
	s4 =	rddreg [dreg:$0x4]  }
0x72: {  	s7 =	sadd.s32 s2, s4  }
0x73: {  	[sflag:s16] =	ssyncset.done $0x0;
	s8 =	rddreg [dreg:$0x1c];
	s6 =	sshrl.u32 s7, $0x3  }
0x74: {  	s19 =	rddreg [dreg:$0x1a];
	[sflag:s16] =	ssyncadd.s32 $0xFFFFD800;
	s9 =	sadd.s32 s8, s6  }
0x75: {  	[tilespmem:s5], [sflag:$0x1] =	stream.linear.gather [hbm4b:s9+s5], $0x50, $0x38;
	[tilespmem:$0x19400] =	vst v63  }
0x76: {  	s9 =	rddreg [dreg:$0x1d]  }
0x77: {  	s14 =	sadd.s32 s19, s2;
	s19 =	rddreg [dreg:$0x0];
	s13 =	sadd.s32 s9, s6  }
0x78: {  	[tilespmem:s20], [sflag:$0x1] =	stream.linear.gather [hbm4b:s13+s5], $0x50, $0x38;
	[tilespmem:$0x19400] =	vst v63  }
0x79: {  	s4 =	simm.s32 $0x3;
	s10 =	sadd.s32 s19, s6  }
0x7a: {  	[tilespmem:s22], [sflag:$0x1] =	stream.linear.gather [hbm4b:s10+s5], $0x50, $0x38;
	[tilespmem:$0x19400] =	vst v63  }
0x7b: {  	s14 =	sshrl.u32 s14, $0x3;
	_ =	swait.ge [sflag:s4], $0x5000  }
0x7c: {  	s30 =	smul.u32 $0x280, s14;
	[sflag:s4] =	ssyncset.done $0x0  }
0x7d: {  	[sflag:s4] =	ssyncadd.s32 $0xFFFFB000;
	s4 =	rddreg [dreg:$0x1e]  }
0x7e: {  	s13 =	simm.s32 $0x1400;
	s10 =	sadd.s32 s4, s30  }
0x7f: {  	[hbm4b:s10+s25] =	stream.strided.scatter [tilespmem:s25], [sflag:$0x7], $0x2800, s13, s25, $0x38;
	[tilespmem:$0x19400] =	vst v63  }
0x80: {  	s6 =	sadd.s32 $0x80, s10  }
0x81: {  	[hbm4b:s6+s25] =	stream.strided.scatter [tilespmem:s24], [sflag:$0x7], $0x2800, s13, s25, $0x38;
	[tilespmem:$0x19400] =	vst v63  }
0x82: {  	s30 =	sadd.s32 $0x100, s10  }
0x83: {  	[hbm4b:s30+s25] =	stream.strided.scatter [tilespmem:s12], [sflag:$0x7], $0x2800, s13, s25, $0x38;
	[tilespmem:$0x19400] =	vst v63  }
0x84: {  	s6 =	sadd.s32 $0x180, s10  }
0x85: {  	[hbm4b:s6+s5] =	stream.linear.scatter [tilespmem:s23], [sflag:$0x7], $0x400, $0x38;
	[tilespmem:$0x19400] =	vst v63  }
0x86: {  	s30 =	sadd.s32 $0x400, s10;
	s6 =	simm.s32 $0xFC00  }
0x87: {  	[hbm4b:s30+s5] =	stream.linear.scatter [tilespmem:s6], [sflag:$0x7], $0x400, $0x38;
	[tilespmem:$0x19400] =	vst v63  }
0x88: {  	s6 =	sadd.s32 $0x680, s10;
	s30 =	simm.s32 $0x10400  }
0x89: {  	[hbm4b:s6+s5] =	stream.linear.scatter [tilespmem:s30], [sflag:$0x7], $0x400, $0x38;
	[tilespmem:$0x19400] =	vst v63  }
0x8a: {  	s6 =	sadd.s32 $0x900, s10;
	s30 =	simm.s32 $0x10C00  }
0x8b: {  	[hbm4b:s6+s5] =	stream.linear.scatter [tilespmem:s30], [sflag:$0x7], $0x400, $0x38;
	[tilespmem:$0x19400] =	vst v63  }
0x8c: {  	s6 =	sadd.s32 $0xB80, s10;
	s30 =	simm.s32 $0x11400  }
0x8d: {  	[hbm4b:s6+s5] =	stream.linear.scatter [tilespmem:s30], [sflag:$0x7], $0x400, $0x38;
	[tilespmem:$0x19400] =	vst v63  }
0x8e: {  	s6 =	sadd.s32 $0xE00, s10;
	s30 =	simm.s32 $0x11C00  }
0x8f: {  	[hbm4b:s6+s5] =	stream.linear.scatter [tilespmem:s30], [sflag:$0x7], $0x400, $0x38;
	[tilespmem:$0x19400] =	vst v63  }
0x90: {  	s6 =	sadd.s32 $0x1080, s10;
	s30 =	simm.s32 $0x12400  }
0x91: {  	[hbm4b:s6+s5] =	stream.linear.scatter [tilespmem:s30], [sflag:$0x7], $0x400, $0x38;
	[tilespmem:$0x19400] =	vst v63  }
0x92: {  	s6 =	sadd.s32 $0x1300, s10;
	s30 =	simm.s32 $0x12C00  }
0x93: {  	[hbm4b:s6+s5] =	stream.linear.scatter [tilespmem:s30], [sflag:$0x7], $0x400, $0x38;
	[tilespmem:$0x19400] =	vst v63  }
0x94: {  	s6 =	sadd.s32 $0x1580, s10;
	s30 =	simm.s32 $0x13400  }
0x95: {  	[hbm4b:s6+s5] =	stream.linear.scatter [tilespmem:s30], [sflag:$0x7], $0x400, $0x38;
	[tilespmem:$0x19400] =	vst v63  }
0x96: {  	s6 =	sadd.s32 $0x1800, s10;
	s30 =	simm.s32 $0x13C00  }
0x97: {  	[hbm4b:s6+s5] =	stream.linear.scatter [tilespmem:s30], [sflag:$0x7], $0x400, $0x38;
	[tilespmem:$0x19400] =	vst v63  }
0x98: {  	s6 =	sadd.s32 $0x200, s10;
	s30 =	simm.s32 $0xF800  }
0x99: {  	[hbm4b:s6+s5] =	stream.linear.scatter [tilespmem:s30], [sflag:$0x7], $0x400, $0x38;
	[tilespmem:$0x19400] =	vst v63  }
0x9a: {  	s6 =	sadd.s32 $0x480, s10;
	s30 =	simm.s32 $0x10000  }
0x9b: {  	[hbm4b:s6+s5] =	stream.linear.scatter [tilespmem:s30], [sflag:$0x7], $0x400, $0x38;
	[tilespmem:$0x19400] =	vst v63  }
0x9c: {  	s6 =	sadd.s32 $0x700, s10;
	s30 =	simm.s32 $0x10800  }
0x9d: {  	[hbm4b:s6+s5] =	stream.linear.scatter [tilespmem:s30], [sflag:$0x7], $0x400, $0x38;
	[tilespmem:$0x19400] =	vst v63  }
0x9e: {  	s6 =	sadd.s32 $0x980, s10;
	s30 =	simm.s32 $0x11000  }
0x9f: {  	[hbm4b:s6+s5] =	stream.linear.scatter [tilespmem:s30], [sflag:$0x7], $0x400, $0x38;
	[tilespmem:$0x19400] =	vst v63  }
0xa0: {  	s6 =	sadd.s32 $0xC00, s10;
	s30 =	simm.s32 $0x11800  }
0xa1: {  	[hbm4b:s6+s5] =	stream.linear.scatter [tilespmem:s30], [sflag:$0x7], $0x400, $0x38;
	[tilespmem:$0x19400] =	vst v63  }
0xa2: {  	s6 =	sadd.s32 $0xE80, s10;
	s30 =	simm.s32 $0x12000  }
0xa3: {  	[hbm4b:s6+s5] =	stream.linear.scatter [tilespmem:s30], [sflag:$0x7], $0x400, $0x38;
	[tilespmem:$0x19400] =	vst v63  }
0xa4: {  	s6 =	sadd.s32 $0x1100, s10;
	s30 =	simm.s32 $0x12800  }
0xa5: {  	[hbm4b:s6+s5] =	stream.linear.scatter [tilespmem:s30], [sflag:$0x7], $0x400, $0x38;
	[tilespmem:$0x19400] =	vst v63  }
0xa6: {  	s6 =	sadd.s32 $0x1380, s10;
	s30 =	simm.s32 $0x13000  }
0xa7: {  	[hbm4b:s6+s5] =	stream.linear.scatter [tilespmem:s30], [sflag:$0x7], $0x400, $0x38;
	[tilespmem:$0x19400] =	vst v63  }
0xa8: {  	s6 =	sadd.s32 $0x1600, s10;
	s30 =	simm.s32 $0x13800  }
0xa9: {  	[hbm4b:s6+s5] =	stream.linear.scatter [tilespmem:s30], [sflag:$0x7], $0x400, $0x38;
	[tilespmem:$0x19400] =	vst v63  }
0xaa: {  	s10 =	sadd.s32 $0x1880, s10;
	s30 =	simm.s32 $0x14000  }
0xab: {  	[hbm4b:s10+s5] =	stream.linear.scatter [tilespmem:s30], [sflag:$0x7], $0x400, $0x38;
	[tilespmem:$0x19400] =	vst v63  }
0xac: {  	_ =	swait.ge [sflag:s3], $0x2800  }
0xad: {  	[sflag:s3] =	ssyncset.done $0x0  }
0xae: {  	[sflag:s3] =	ssyncadd.s32 $0xFFFFD800  }
0xaf: {  	_ =	swait.ge [sflag:s3], $0x2800  }
0xb0: {  	[sflag:s3] =	ssyncset.done $0x0  }
0xb1: {  	[sflag:s3] =	ssyncadd.s32 $0xFFFFD800  }
0xb2: {  	_ =	swait.ge [sflag:s3], $0x2800  }
0xb3: {  	[sflag:s3] =	ssyncset.done $0x0  }
0xb4: {  	[sflag:s3] =	ssyncadd.s32 $0xFFFFD800  }
0xb5: {  	_ =	swait.ge [sflag:s3], $0x2800  }
0xb6: {  	[sflag:s3] =	ssyncset.done $0x0  }
0xb7: {  	[sflag:s3] =	ssyncadd.s32 $0xFFFFD800  }
0xb8: {  	_ =	swait.ge [sflag:s3], $0x2800  }
0xb9: {  	[sflag:s3] =	ssyncset.done $0x0  }
0xba: {  	[sflag:s3] =	ssyncadd.s32 $0xFFFFD800  }
0xbb: {  	s7 =	sshll.u32 s7, $0x5;
	s6 =	rddreg [dreg:$0x1]  }
0xbc: {  	s7 =	sadd.s32 s6, s7  }
0xbd: {  	[tilespmem:s23], [sflag:$0x3] =	stream.linear.gather [hbm4b:s7+s5], $0x5000, $0x38;
	[tilespmem:$0x19400] =	vst v63  }
0xbe: {  	_ =	swait.ge [sflag:s28], $0x50  }
0xbf: {  	[sflag:s28] =	ssyncset.done $0x0  }
0xc0: {  	[sflag:s28] =	ssyncadd.s32 $0xFFFFFFB0  }
0xc1: {  	_ =	swait.ge [sflag:s28], $0x50  }
0xc2: {  	[sflag:s28] =	ssyncset.done $0x0  }
0xc3: {  	[sflag:s28] =	ssyncadd.s32 $0xFFFFFFB0  }
0xc4: {  	_ =	swait.ge [sflag:s28], $0x50  }
0xc5: {  	[sflag:s28] =	ssyncset.done $0x0  }
0xc6: {  	[sflag:s28] =	ssyncadd.s32 $0xFFFFFFB0  }
0xc7: {  	[tilespmem:s25], [sflag:$0x5] =	stream.indirect.gather [hbm4b:s26+s18], $0x80, s5, s18, $0xb8;
	[tilespmem:$0x19400] =	vst v63  }
0xc8: {  	_ = 	snop  }
0xc9: {  	[tilespmem:s24], [sflag:$0x5] =	stream.indirect.gather [hbm4b:s26+s18], $0x80, s20, s18, $0xb8;
	[tilespmem:$0x19400] =	vst v63  }
0xca: {  	_ = 	snop  }
0xcb: {  	[tilespmem:s12], [sflag:$0x5] =	stream.indirect.gather [hbm4b:s26+s18], $0x80, s22, s18, $0xb8;
	[tilespmem:$0x19400] =	vst v63  }
0xcc: {  	_ =	swait.ge [sflag:s31], $0x2800  }
0xcd: {  	[sflag:s31] =	ssyncset.done $0x0  }
0xce: {  	[sflag:s31] =	ssyncadd.s32 $0xFFFFD800  }
0xcf: {  	_ =	swait.ge [sflag:s31], $0x2800  }
0xd0: {  	[sflag:s31] =	ssyncset.done $0x0  }
0xd1: {  	[sflag:s31] =	ssyncadd.s32 $0xFFFFD800  }
0xd2: {  	_ =	swait.ge [sflag:s31], $0x2800  }
0xd3: {  	p1 =	por $0x0, $0x0;
	s7 =	rddreg [dreg:$0x5]  }
0xd4: {  	s2 =	sadd.s32 @!p1 s2, s7  }
0xd5: {  	s14 =	simm.s32 @!p1 $0x0;
	[sflag:s31] =	ssyncset.done $0x0;
	s2 =	sshrl.u32 @!p1 s2, $0x3  }
0xd6: {  	s7 =	simm.s32 @!p1 $0x200;
	[sflag:s31] =	ssyncadd.s32 $0xFFFFD800;
	s10 =	sadd.s32 @!p1 s8, s2  }
0xd7: {  	[tilespmem:s7], [sflag:$0x2] =	stream.linear.gather @!p1 [hbm4b:s10+s14], $0x50, $0x38;
	[tilespmem:$0x19400] =	vst v63  }
0xd8: {  	s1 =	sadd.s32 @!p0 $0x0, s1;
	s7 =	rddreg [dreg:$0x1b];
	s10 =	simm.s32 @!p1 $0x280  }
0xd9: {  	s1 =	smov.u32 @p0 s7;
	s7 =	sadd.s32 @!p1 s9, s2;
	s2 =	sadd.s32 @!p1 s19, s2  }
0xda: {  	[tilespmem:s10], [sflag:$0x2] =	stream.linear.gather @!p1 [hbm4b:s7+s14], $0x50, $0x38;
	[tilespmem:$0x19400] =	vst v63  }
0xdb: {  	s9 =	simm.s32 $0x4;
	s1 =	sshrl.u32 s1, $0x3;
	s7 =	simm.s32 @!p1 $0x300  }
0xdc: {  	[tilespmem:s7], [sflag:$0x2] =	stream.linear.gather @!p1 [hbm4b:s2+s14], $0x50, $0x38;
	[tilespmem:$0x19400] =	vst v63  }
0xdd: {  	s1 =	smul.u32 $0x280, s1;
	_ =	swait.ge [sflag:s9], $0x5000  }
0xde: {  	[sflag:s9] =	ssyncset.done $0x0  }
0xdf: {  	s2 =	sadd.s32 s4, s1;
	[sflag:s9] =	ssyncadd.s32 $0xFFFFB000  }
0xe0: {  	[hbm4b:s2+s25] =	stream.strided.scatter [tilespmem:s15], [sflag:$0x8], $0x2800, s13, s25, $0x38;
	[tilespmem:$0x19400] =	vst v63  }
0xe1: {  	s1 =	sadd.s32 $0x80, s2  }
0xe2: {  	[hbm4b:s1+s25] =	stream.strided.scatter [tilespmem:s17], [sflag:$0x8], $0x2800, s13, s25, $0x38;
	[tilespmem:$0x19400] =	vst v63  }
0xe3: {  	s10 =	sadd.s32 $0x100, s2;
	s18 =	rddreg [dreg:$0x9]  }
0xe4: {  	[hbm4b:s10+s25] =	stream.strided.scatter [tilespmem:s0], [sflag:$0x8], $0x2800, s13, s25, $0x38;
	[tilespmem:$0x19400] =	vst v63  }
0xe5: {  	s12 =	sadd.s32 $0x180, s2;
	s20 =	rddreg [dreg:$0xa]  }
0xe6: {  	[hbm4b:s12+s5] =	stream.linear.scatter [tilespmem:s29], [sflag:$0x8], $0x400, $0x38;
	[tilespmem:$0x19400] =	vst v63  }
0xe7: {  	s14 =	sadd.s32 $0x400, s2;
	s13 =	rddreg [dreg:$0x7]  }
0xe8: {  	[hbm4b:s14+s5] =	stream.linear.scatter [tilespmem:s13], [sflag:$0x8], $0x400, $0x38;
	[tilespmem:$0x19400] =	vst v63  }
0xe9: {  	s15 =	rddreg [dreg:$0x8];
	s17 =	sadd.s32 $0x680, s2  }
0xea: {  	[hbm4b:s17+s5] =	stream.linear.scatter [tilespmem:s15], [sflag:$0x8], $0x400, $0x38;
	[tilespmem:$0x19400] =	vst v63  }
0xeb: {  	s19 =	sadd.s32 $0x900, s2;
	s23 =	rddreg [dreg:$0xb]  }
0xec: {  	[hbm4b:s19+s5] =	stream.linear.scatter [tilespmem:s18], [sflag:$0x8], $0x400, $0x38;
	[tilespmem:$0x19400] =	vst v63  }
0xed: {  	s22 =	sadd.s32 $0xB80, s2;
	s28 =	rddreg [dreg:$0xd]  }
0xee: {  	[hbm4b:s22+s5] =	stream.linear.scatter [tilespmem:s20], [sflag:$0x8], $0x400, $0x38;
	[tilespmem:$0x19400] =	vst v63  }
0xef: {  	s24 =	sadd.s32 $0xE00, s2;
	s30 =	rddreg [dreg:$0xe]  }
0xf0: {  	[hbm4b:s24+s5] =	stream.linear.scatter [tilespmem:s23], [sflag:$0x8], $0x400, $0x38;
	[tilespmem:$0x19400] =	vst v63  }
0xf1: {  	s26 =	sadd.s32 $0x1080, s2;
	s25 =	rddreg [dreg:$0xc]  }
0xf2: {  	[hbm4b:s26+s5] =	stream.linear.scatter [tilespmem:s25], [sflag:$0x8], $0x400, $0x38;
	[tilespmem:$0x19400] =	vst v63  }
0xf3: {  	s4 =	rddreg [dreg:$0xf];
	s29 =	sadd.s32 $0x1300, s2  }
0xf4: {  	[hbm4b:s29+s5] =	stream.linear.scatter [tilespmem:s28], [sflag:$0x8], $0x400, $0x38;
	[tilespmem:$0x19400] =	vst v63  }
0xf5: {  	s8 =	rddreg [dreg:$0x10];
	s0 =	sadd.s32 $0x1580, s2  }
0xf6: {  	[hbm4b:s0+s5] =	stream.linear.scatter [tilespmem:s30], [sflag:$0x8], $0x400, $0x38;
	[tilespmem:$0x19400] =	vst v63  }
0xf7: {  	s6 =	sadd.s32 $0x1800, s2;
	s7 =	rddreg [dreg:$0x19]  }
0xf8: {  	[hbm4b:s6+s5] =	stream.linear.scatter [tilespmem:s4], [sflag:$0x8], $0x400, $0x38;
	[tilespmem:$0x19400] =	vst v63  }
0xf9: {  	s9 =	sadd.s32 $0x200, s2;
	s12 =	rddreg [dreg:$0x11]  }
0xfa: {  	[hbm4b:s9+s5] =	stream.linear.scatter [tilespmem:s8], [sflag:$0x8], $0x400, $0x38;
	[tilespmem:$0x19400] =	vst v63  }
0xfb: {  	s13 =	sadd.s32 $0x480, s2;
	s14 =	rddreg [dreg:$0x12]  }
0xfc: {  	[hbm4b:s13+s5] =	stream.linear.scatter [tilespmem:s12], [sflag:$0x8], $0x400, $0x38;
	[tilespmem:$0x19400] =	vst v63  }
0xfd: {  	s15 =	sadd.s32 $0x700, s2;
	s17 =	rddreg [dreg:$0x13]  }
0xfe: {  	[hbm4b:s15+s5] =	stream.linear.scatter [tilespmem:s14], [sflag:$0x8], $0x400, $0x38;
	[tilespmem:$0x19400] =	vst v63  }
0xff: {  	s18 =	sadd.s32 $0x980, s2;
	s19 =	rddreg [dreg:$0x14]  }
0x100: {  	[hbm4b:s18+s5] =	stream.linear.scatter [tilespmem:s17], [sflag:$0x8], $0x400, $0x38;
	[tilespmem:$0x19400] =	vst v63  }
0x101: {  	p6 =	por $0x0, $0x0;
	s20 =	sadd.s32 $0xC00, s2;
	s22 =	rddreg [dreg:$0x15]  }
0x102: {  	[hbm4b:s20+s5] =	stream.linear.scatter [tilespmem:s19], [sflag:$0x8], $0x400, $0x38;
	[tilespmem:$0x19400] =	vst v63  }
0x103: {  	p0 =	por p6, p6;
	s23 =	sadd.s32 $0xE80, s2;
	s24 =	rddreg [dreg:$0x16]  }
0x104: {  	[hbm4b:s23+s5] =	stream.linear.scatter [tilespmem:s22], [sflag:$0x8], $0x400, $0x38;
	[tilespmem:$0x19400] =	vst v63  }
0x105: {  	s1 =	simm.s32 $0xA0;
	s25 =	sadd.s32 $0x1100, s2;
	s26 =	rddreg [dreg:$0x17]  }
0x106: {  	[hbm4b:s25+s5] =	stream.linear.scatter [tilespmem:s24], [sflag:$0x8], $0x400, $0x38;
	[tilespmem:$0x19400] =	vst v63  }
0x107: {  	s10 =	sadd.s32 $0x1400, s21;
	s28 =	sadd.s32 $0x1380, s2;
	s29 =	rddreg [dreg:$0x18]  }
0x108: {  	[hbm4b:s28+s5] =	stream.linear.scatter [tilespmem:s26], [sflag:$0x8], $0x400, $0x38;
	[tilespmem:$0x19400] =	vst v63  }
0x109: {  	s30 =	sadd.s32 $0x1600, s2;
	s2 =	sadd.s32 $0x1880, s2;
	s20 =	simm.s32 $0x140  }
0x10a: {  	[hbm4b:s30+s5] =	stream.linear.scatter [tilespmem:s29], [sflag:$0x8], $0x400, $0x38;
	[tilespmem:$0x19400] =	vst v63  }
.LBB2_2:
0x10b: {  	[hbm4b:s2+s5] =	stream.linear.scatter [tilespmem:s7], [sflag:$0x8], $0x400, $0x38;
	[tilespmem:$0x19400] =	vst v63  }
0x10c: {  	s2 =	simm.s32 @!p0 $0x8  }
0x10d: {  	_ =	swait.ge @!p0 [sflag:s2], $0x2800  }
0x10e: {  	[sflag:s2] =	ssyncset.done @!p0 $0x0  }
0x10f: {  	[sflag:s2] =	ssyncadd.s32 @!p0 $0xFFFFD800  }
0x110: {  	_ =	swait.ge @!p0 [sflag:s2], $0x2800  }
0x111: {  	[sflag:s2] =	ssyncset.done @!p0 $0x0  }
0x112: {  	[sflag:s2] =	ssyncadd.s32 @!p0 $0xFFFFD800  }
0x113: {  	_ =	swait.ge @!p0 [sflag:s2], $0x2800  }
0x114: {  	[sflag:s2] =	ssyncset.done @!p0 $0x0  }
0x115: {  	[sflag:s2] =	ssyncadd.s32 @!p0 $0xFFFFD800  }
0x116: {  	_ =	swait.ge @!p0 [sflag:s2], $0x2800  }
0x117: {  	[sflag:s2] =	ssyncset.done @!p0 $0x0  }
0x118: {  	[sflag:s2] =	ssyncadd.s32 @!p0 $0xFFFFD800  }
0x119: {  	_ =	swait.ge @!p0 [sflag:s2], $0x2800  }
0x11a: {  	[sflag:s2] =	ssyncset.done @!p0 $0x0  }
0x11b: {  	s7 =	simm.s32 @!p0 $0x14400;
	s14 =	simm.s32 @!p0 $0x0;
	[sflag:s2] =	ssyncadd.s32 @!p0 $0xFFFFD800  }
0x11c: {  	[tilespmem:s7], [sflag:$0x4] =	stream.linear.gather @!p0 [hbm4b:s10+s14], $0x5000, $0x38;
	[tilespmem:$0x19400] =	vst v63  }
0x11d: {  	s2 =	rddreg [dreg:$0x6];
	_ =	swait.ge [sflag:s11], $0x50  }
0x11e: {  	[sflag:s11] =	ssyncset.done $0x0  }
0x11f: {  	[sflag:s11] =	ssyncadd.s32 $0xFFFFFFB0  }
0x120: {  	s7 =	rddreg [dreg:$0x1b];
	_ =	swait.ge [sflag:s11], $0x50  }
0x121: {  	[sflag:s11] =	ssyncset.done $0x0  }
0x122: {  	[sflag:s11] =	ssyncadd.s32 $0xFFFFFFB0  }
0x123: {  	_ =	swait.ge [sflag:s11], $0x50  }
0x124: {  	[sflag:s11] =	ssyncset.done $0x0  }
0x125: {  	s4 =	simm.s32 $0x200;
	[sflag:s11] =	ssyncadd.s32 $0xFFFFFFB0  }
0x126: {  	s15 =	simm.s32 $0x7C00;
	s18 =	simm.s32 $0x50;
	s26 =	rddreg [dreg:$0x2]  }
0x127: {  	[tilespmem:s15], [sflag:$0x6] =	stream.indirect.gather [hbm4b:s26+s18], $0x80, s4, s18, $0xb8;
	[tilespmem:$0x19400] =	vst v63  }
0x128: {  	s6 =	simm.s32 $0x280;
	s17 =	simm.s32 $0xA400;
	s2 =	sadd.s32 @!p0 s1, s2  }
0x129: {  	[tilespmem:s17], [sflag:$0x6] =	stream.indirect.gather [hbm4b:s26+s18], $0x80, s6, s18, $0xb8;
	[tilespmem:$0x19400] =	vst v63  }
0x12a: {  	s0 =	simm.s32 $0xCC00;
	s2 =	smov.u32 @p0 s7;
	s7 =	simm.s32 $0x300  }
0x12b: {  	[tilespmem:s0], [sflag:$0x6] =	stream.indirect.gather [hbm4b:s26+s18], $0x80, s7, s18, $0xb8;
	[tilespmem:$0x19400] =	vst v63  }
0x12c: {  	_ =	swait.ge [sflag:s16], $0x2800  }
0x12d: {  	[sflag:s16] =	ssyncset.done $0x0  }
0x12e: {  	[sflag:s16] =	ssyncadd.s32 $0xFFFFD800  }
0x12f: {  	_ =	swait.ge [sflag:s16], $0x2800  }
0x130: {  	[sflag:s16] =	ssyncset.done $0x0  }
0x131: {  	s2 =	sshrl.u32 s2, $0x3;
	[sflag:s16] =	ssyncadd.s32 $0xFFFFD800  }
0x132: {  	s19 =	smul.u32 $0x280, s2;
	s2 =	smov.u32 s1;
	_ =	swait.ge [sflag:s16], $0x2800  }
0x133: {  	s24 =	simm.s32 $0x80;
	s2 =	simm.s32 @p0 $0x0;
	s8 =	rddreg [dreg:$0x4]  }
0x134: {  	s9 =	rddreg [dreg:$0x1a];
	[sflag:s16] =	ssyncset.done $0x0;
	s7 =	sadd.s32 s2, s8  }
0x135: {  	s14 =	sadd.s32 s9, s2;
	s8 =	rddreg [dreg:$0x1c];
	s22 =	sshrl.u32 s7, $0x3  }
0x136: {  	[sflag:s16] =	ssyncadd.s32 $0xFFFFD800;
	s9 =	rddreg [dreg:$0x1d];
	s23 =	sadd.s32 s8, s22  }
0x137: {  	[tilespmem:s5], [sflag:$0x1] =	stream.linear.gather [hbm4b:s23+s5], $0x50, $0x38;
	[tilespmem:$0x19400] =	vst v63  }
0x138: {  	s29 =	simm.s32 $0x100;
	s12 =	sadd.s32 s9, s22;
	s23 =	rddreg [dreg:$0x0]  }
0x139: {  	[tilespmem:s24], [sflag:$0x1] =	stream.linear.gather [hbm4b:s12+s5], $0x50, $0x38;
	[tilespmem:$0x19400] =	vst v63  }
0x13a: {  	s14 =	sshrl.u32 s14, $0x3;
	s22 =	sadd.s32 s23, s22;
	s12 =	simm.s32 $0x3  }
0x13b: {  	[tilespmem:s29], [sflag:$0x1] =	stream.linear.gather [hbm4b:s22+s5], $0x50, $0x38;
	[tilespmem:$0x19400] =	vst v63  }
0x13c: {  	s14 =	smul.u32 $0x280, s14;
	_ =	swait.ge [sflag:s12], $0x5000  }
0x13d: {  	s28 =	simm.s32 $0x1400;
	[sflag:s12] =	ssyncset.done $0x0;
	s4 =	rddreg [dreg:$0x1e]  }
0x13e: {  	s25 =	simm.s32 $0x400;
	[sflag:s12] =	ssyncadd.s32 $0xFFFFB000;
	s14 =	sadd.s32 s4, s14  }
0x13f: {  	[hbm4b:s14+s25] =	stream.strided.scatter [tilespmem:s25], [sflag:$0x7], $0x2800, s28, s25, $0x38;
	[tilespmem:$0x19400] =	vst v63  }
0x140: {  	s12 =	simm.s32 $0x2C00;
	s13 =	sadd.s32 $0x80, s14  }
0x141: {  	[hbm4b:s13+s25] =	stream.strided.scatter [tilespmem:s12], [sflag:$0x7], $0x2800, s28, s25, $0x38;
	[tilespmem:$0x19400] =	vst v63  }
0x142: {  	s30 =	sadd.s32 $0x100, s14;
	s13 =	simm.s32 $0x5400  }
0x143: {  	[hbm4b:s30+s25] =	stream.strided.scatter [tilespmem:s13], [sflag:$0x7], $0x2800, s28, s25, $0x38;
	[tilespmem:$0x19400] =	vst v63  }
0x144: {  	s6 =	sadd.s32 $0x180, s14;
	s30 =	simm.s32 $0xF400  }
0x145: {  	[hbm4b:s6+s5] =	stream.linear.scatter [tilespmem:s30], [sflag:$0x7], $0x400, $0x38;
	[tilespmem:$0x19400] =	vst v63  }
0x146: {  	s22 =	sadd.s32 $0x400, s14;
	s6 =	simm.s32 $0xFC00  }
0x147: {  	[hbm4b:s22+s5] =	stream.linear.scatter [tilespmem:s6], [sflag:$0x7], $0x400, $0x38;
	[tilespmem:$0x19400] =	vst v63  }
0x148: {  	s22 =	sadd.s32 $0x680, s14;
	s6 =	simm.s32 $0x10400  }
0x149: {  	[hbm4b:s22+s5] =	stream.linear.scatter [tilespmem:s6], [sflag:$0x7], $0x400, $0x38;
	[tilespmem:$0x19400] =	vst v63  }
0x14a: {  	s22 =	sadd.s32 $0x900, s14;
	s6 =	simm.s32 $0x10C00  }
0x14b: {  	[hbm4b:s22+s5] =	stream.linear.scatter [tilespmem:s6], [sflag:$0x7], $0x400, $0x38;
	[tilespmem:$0x19400] =	vst v63  }
0x14c: {  	s22 =	sadd.s32 $0xB80, s14;
	s6 =	simm.s32 $0x11400  }
0x14d: {  	[hbm4b:s22+s5] =	stream.linear.scatter [tilespmem:s6], [sflag:$0x7], $0x400, $0x38;
	[tilespmem:$0x19400] =	vst v63  }
0x14e: {  	s22 =	sadd.s32 $0xE00, s14;
	s6 =	simm.s32 $0x11C00  }
0x14f: {  	[hbm4b:s22+s5] =	stream.linear.scatter [tilespmem:s6], [sflag:$0x7], $0x400, $0x38;
	[tilespmem:$0x19400] =	vst v63  }
0x150: {  	s22 =	sadd.s32 $0x1080, s14;
	s6 =	simm.s32 $0x12400  }
0x151: {  	[hbm4b:s22+s5] =	stream.linear.scatter [tilespmem:s6], [sflag:$0x7], $0x400, $0x38;
	[tilespmem:$0x19400] =	vst v63  }
0x152: {  	s22 =	sadd.s32 $0x1300, s14;
	s6 =	simm.s32 $0x12C00  }
0x153: {  	[hbm4b:s22+s5] =	stream.linear.scatter [tilespmem:s6], [sflag:$0x7], $0x400, $0x38;
	[tilespmem:$0x19400] =	vst v63  }
0x154: {  	s22 =	sadd.s32 $0x1580, s14;
	s6 =	simm.s32 $0x13400  }
0x155: {  	[hbm4b:s22+s5] =	stream.linear.scatter [tilespmem:s6], [sflag:$0x7], $0x400, $0x38;
	[tilespmem:$0x19400] =	vst v63  }
0x156: {  	s22 =	sadd.s32 $0x1800, s14;
	s6 =	simm.s32 $0x13C00  }
0x157: {  	[hbm4b:s22+s5] =	stream.linear.scatter [tilespmem:s6], [sflag:$0x7], $0x400, $0x38;
	[tilespmem:$0x19400] =	vst v63  }
0x158: {  	s22 =	sadd.s32 $0x200, s14;
	s6 =	simm.s32 $0xF800  }
0x159: {  	[hbm4b:s22+s5] =	stream.linear.scatter [tilespmem:s6], [sflag:$0x7], $0x400, $0x38;
	[tilespmem:$0x19400] =	vst v63  }
0x15a: {  	s22 =	sadd.s32 $0x480, s14;
	s6 =	simm.s32 $0x10000  }
0x15b: {  	[hbm4b:s22+s5] =	stream.linear.scatter [tilespmem:s6], [sflag:$0x7], $0x400, $0x38;
	[tilespmem:$0x19400] =	vst v63  }
0x15c: {  	s22 =	sadd.s32 $0x700, s14;
	s6 =	simm.s32 $0x10800  }
0x15d: {  	[hbm4b:s22+s5] =	stream.linear.scatter [tilespmem:s6], [sflag:$0x7], $0x400, $0x38;
	[tilespmem:$0x19400] =	vst v63  }
0x15e: {  	s22 =	sadd.s32 $0x980, s14;
	s6 =	simm.s32 $0x11000  }
0x15f: {  	[hbm4b:s22+s5] =	stream.linear.scatter [tilespmem:s6], [sflag:$0x7], $0x400, $0x38;
	[tilespmem:$0x19400] =	vst v63  }
0x160: {  	s22 =	sadd.s32 $0xC00, s14;
	s6 =	simm.s32 $0x11800  }
0x161: {  	[hbm4b:s22+s5] =	stream.linear.scatter [tilespmem:s6], [sflag:$0x7], $0x400, $0x38;
	[tilespmem:$0x19400] =	vst v63  }
0x162: {  	s22 =	sadd.s32 $0xE80, s14;
	s6 =	simm.s32 $0x12000  }
0x163: {  	[hbm4b:s22+s5] =	stream.linear.scatter [tilespmem:s6], [sflag:$0x7], $0x400, $0x38;
	[tilespmem:$0x19400] =	vst v63  }
0x164: {  	s22 =	sadd.s32 $0x1100, s14;
	s6 =	simm.s32 $0x12800  }
0x165: {  	[hbm4b:s22+s5] =	stream.linear.scatter [tilespmem:s6], [sflag:$0x7], $0x400, $0x38;
	[tilespmem:$0x19400] =	vst v63  }
0x166: {  	s22 =	sadd.s32 $0x1380, s14;
	s6 =	simm.s32 $0x13000  }
0x167: {  	[hbm4b:s22+s5] =	stream.linear.scatter [tilespmem:s6], [sflag:$0x7], $0x400, $0x38;
	[tilespmem:$0x19400] =	vst v63  }
0x168: {  	s22 =	sadd.s32 $0x1600, s14;
	s6 =	simm.s32 $0x13800  }
0x169: {  	[hbm4b:s22+s5] =	stream.linear.scatter [tilespmem:s6], [sflag:$0x7], $0x400, $0x38;
	[tilespmem:$0x19400] =	vst v63  }
0x16a: {  	s14 =	sadd.s32 $0x1880, s14;
	s22 =	simm.s32 $0x14000  }
0x16b: {  	[hbm4b:s14+s5] =	stream.linear.scatter [tilespmem:s22], [sflag:$0x7], $0x400, $0x38;
	[tilespmem:$0x19400] =	vst v63  }
0x16c: {  	_ =	swait.ge [sflag:s3], $0x2800  }
0x16d: {  	[sflag:s3] =	ssyncset.done $0x0  }
0x16e: {  	[sflag:s3] =	ssyncadd.s32 $0xFFFFD800  }
0x16f: {  	_ =	swait.ge [sflag:s3], $0x2800  }
0x170: {  	[sflag:s3] =	ssyncset.done $0x0  }
0x171: {  	[sflag:s3] =	ssyncadd.s32 $0xFFFFD800  }
0x172: {  	_ =	swait.ge [sflag:s3], $0x2800  }
0x173: {  	[sflag:s3] =	ssyncset.done $0x0  }
0x174: {  	[sflag:s3] =	ssyncadd.s32 $0xFFFFD800  }
0x175: {  	_ =	swait.ge [sflag:s3], $0x2800  }
0x176: {  	[sflag:s3] =	ssyncset.done $0x0  }
0x177: {  	[sflag:s3] =	ssyncadd.s32 $0xFFFFD800  }
0x178: {  	_ =	swait.ge [sflag:s3], $0x2800  }
0x179: {  	[sflag:s3] =	ssyncset.done $0x0  }
0x17a: {  	[sflag:s3] =	ssyncadd.s32 $0xFFFFD800  }
0x17b: {  	s7 =	sshll.u32 s7, $0x5;
	s6 =	rddreg [dreg:$0x1]  }
0x17c: {  	s22 =	simm.s32 $0x1;
	s7 =	sadd.s32 s6, s7  }
0x17d: {  	[tilespmem:s30], [sflag:$0x3] =	stream.linear.gather [hbm4b:s7+s5], $0x5000, $0x38;
	[tilespmem:$0x19400] =	vst v63  }
0x17e: {  	_ =	swait.ge [sflag:s22], $0x50  }
0x17f: {  	[sflag:s22] =	ssyncset.done $0x0  }
0x180: {  	[sflag:s22] =	ssyncadd.s32 $0xFFFFFFB0  }
0x181: {  	_ =	swait.ge [sflag:s22], $0x50  }
0x182: {  	[sflag:s22] =	ssyncset.done $0x0  }
0x183: {  	[sflag:s22] =	ssyncadd.s32 $0xFFFFFFB0  }
0x184: {  	_ =	swait.ge [sflag:s22], $0x50  }
0x185: {  	[sflag:s22] =	ssyncset.done $0x0  }
0x186: {  	[sflag:s22] =	ssyncadd.s32 $0xFFFFFFB0  }
0x187: {  	[tilespmem:s25], [sflag:$0x5] =	stream.indirect.gather [hbm4b:s26+s18], $0x80, s5, s18, $0xb8;
	[tilespmem:$0x19400] =	vst v63  }
0x188: {  	_ = 	snop  }
0x189: {  	[tilespmem:s12], [sflag:$0x5] =	stream.indirect.gather [hbm4b:s26+s18], $0x80, s24, s18, $0xb8;
	[tilespmem:$0x19400] =	vst v63  }
0x18a: {  	_ = 	snop  }
0x18b: {  	[tilespmem:s13], [sflag:$0x5] =	stream.indirect.gather [hbm4b:s26+s18], $0x80, s29, s18, $0xb8;
	[tilespmem:$0x19400] =	vst v63  }
0x18c: {  	_ =	swait.ge [sflag:s31], $0x2800  }
0x18d: {  	[sflag:s31] =	ssyncset.done $0x0  }
0x18e: {  	[sflag:s31] =	ssyncadd.s32 $0xFFFFD800  }
0x18f: {  	_ =	swait.ge [sflag:s31], $0x2800  }
0x190: {  	[sflag:s31] =	ssyncset.done $0x0  }
0x191: {  	s21 =	smov.u32 s20;
	[sflag:s31] =	ssyncadd.s32 $0xFFFFD800  }
0x192: {  	p2 =	seq.s32 s21, $0x0;
	_ =	swait.ge [sflag:s31], $0x2800  }
0x193: {  	p0 =	por p2, p2;
	p2 =	seq.s32 s1, $0x2620;
	s7 =	rddreg [dreg:$0x5]  }
0x194: {  	s1 =	smov.u32 s21;
	s2 =	sadd.s32 @!p2 s2, s7  }
0x195: {  	s21 =	simm.s32 @!p2 $0x0;
	[sflag:s31] =	ssyncset.done $0x0;
	s2 =	sshrl.u32 @!p2 s2, $0x3  }
0x196: {  	s7 =	simm.s32 @!p2 $0x200;
	[sflag:s31] =	ssyncadd.s32 $0xFFFFD800;
	s14 =	sadd.s32 @!p2 s8, s2  }
0x197: {  	[tilespmem:s7], [sflag:$0x2] =	stream.linear.gather @!p2 [hbm4b:s14+s21], $0x50, $0x38;
	[tilespmem:$0x19400] =	vst v63  }
0x198: {  	s7 =	sadd.s32 @!p2 s9, s2;
	s14 =	simm.s32 @!p2 $0x280  }
0x199: {  	[tilespmem:s14], [sflag:$0x2] =	stream.linear.gather @!p2 [hbm4b:s7+s21], $0x50, $0x38;
	[tilespmem:$0x19400] =	vst v63  }
0x19a: {  	s29 =	simm.s32 $0x4;
	s2 =	sadd.s32 @!p2 s23, s2;
	s7 =	simm.s32 @!p2 $0x300  }
0x19b: {  	[tilespmem:s7], [sflag:$0x2] =	stream.linear.gather @!p2 [hbm4b:s2+s21], $0x50, $0x38;
	[tilespmem:$0x19400] =	vst v63  }
0x19c: {  	_ =	swait.ge [sflag:s29], $0x5000  }
0x19d: {  	[sflag:s29] =	ssyncset.done $0x0  }
0x19e: {  	s2 =	sadd.s32 s4, s19;
	[sflag:s29] =	ssyncadd.s32 $0xFFFFB000  }
0x19f: {  	[hbm4b:s2+s25] =	stream.strided.scatter [tilespmem:s15], [sflag:$0x8], $0x2800, s28, s25, $0x38;
	[tilespmem:$0x19400] =	vst v63  }
0x1a0: {  	s30 =	sadd.s32 $0x80, s2  }
0x1a1: {  	[hbm4b:s30+s25] =	stream.strided.scatter [tilespmem:s17], [sflag:$0x8], $0x2800, s28, s25, $0x38;
	[tilespmem:$0x19400] =	vst v63  }
0x1a2: {  	s4 =	sadd.s32 $0x100, s2  }
0x1a3: {  	[hbm4b:s4+s25] =	stream.strided.scatter [tilespmem:s0], [sflag:$0x8], $0x2800, s28, s25, $0x38;
	[tilespmem:$0x19400] =	vst v63  }
0x1a4: {  	s9 =	simm.s32 $0x14400;
	s6 =	sadd.s32 $0x180, s2  }
0x1a5: {  	[hbm4b:s6+s5] =	stream.linear.scatter [tilespmem:s9], [sflag:$0x8], $0x400, $0x38;
	[tilespmem:$0x19400] =	vst v63  }
0x1a6: {  	s12 =	sadd.s32 $0x400, s2;
	s8 =	rddreg [dreg:$0x7]  }
0x1a7: {  	[hbm4b:s12+s5] =	stream.linear.scatter [tilespmem:s8], [sflag:$0x8], $0x400, $0x38;
	[tilespmem:$0x19400] =	vst v63  }
0x1a8: {  	s14 =	sadd.s32 $0x680, s2;
	s13 =	rddreg [dreg:$0x8]  }
0x1a9: {  	[hbm4b:s14+s5] =	stream.linear.scatter [tilespmem:s13], [sflag:$0x8], $0x400, $0x38;
	[tilespmem:$0x19400] =	vst v63  }
0x1aa: {  	s15 =	rddreg [dreg:$0x9];
	s17 =	sadd.s32 $0x900, s2  }
0x1ab: {  	[hbm4b:s17+s5] =	stream.linear.scatter [tilespmem:s15], [sflag:$0x8], $0x400, $0x38;
	[tilespmem:$0x19400] =	vst v63  }
0x1ac: {  	s21 =	sadd.s32 $0xB80, s2;
	s18 =	rddreg [dreg:$0xa]  }
0x1ad: {  	[hbm4b:s21+s5] =	stream.linear.scatter [tilespmem:s18], [sflag:$0x8], $0x400, $0x38;
	[tilespmem:$0x19400] =	vst v63  }
0x1ae: {  	s23 =	sadd.s32 $0xE00, s2;
	s22 =	rddreg [dreg:$0xb]  }
0x1af: {  	[hbm4b:s23+s5] =	stream.linear.scatter [tilespmem:s22], [sflag:$0x8], $0x400, $0x38;
	[tilespmem:$0x19400] =	vst v63  }
0x1b0: {  	s24 =	rddreg [dreg:$0xc];
	s25 =	sadd.s32 $0x1080, s2  }
0x1b1: {  	[hbm4b:s25+s5] =	stream.linear.scatter [tilespmem:s24], [sflag:$0x8], $0x400, $0x38;
	[tilespmem:$0x19400] =	vst v63  }
0x1b2: {  	s26 =	rddreg [dreg:$0xd];
	s28 =	sadd.s32 $0x1300, s2  }
0x1b3: {  	[hbm4b:s28+s5] =	stream.linear.scatter [tilespmem:s26], [sflag:$0x8], $0x400, $0x38;
	[tilespmem:$0x19400] =	vst v63  }
0x1b4: {  	s29 =	rddreg [dreg:$0xe];
	s30 =	sadd.s32 $0x1580, s2  }
0x1b5: {  	[hbm4b:s30+s5] =	stream.linear.scatter [tilespmem:s29], [sflag:$0x8], $0x400, $0x38;
	[tilespmem:$0x19400] =	vst v63  }
0x1b6: {  	s0 =	rddreg [dreg:$0xf];
	s4 =	sadd.s32 $0x1800, s2  }
0x1b7: {  	[hbm4b:s4+s5] =	stream.linear.scatter [tilespmem:s0], [sflag:$0x8], $0x400, $0x38;
	[tilespmem:$0x19400] =	vst v63  }
0x1b8: {  	s6 =	rddreg [dreg:$0x10];
	s8 =	sadd.s32 $0x200, s2  }
0x1b9: {  	[hbm4b:s8+s5] =	stream.linear.scatter [tilespmem:s6], [sflag:$0x8], $0x400, $0x38;
	[tilespmem:$0x19400] =	vst v63  }
0x1ba: {  	s9 =	rddreg [dreg:$0x11];
	s12 =	sadd.s32 $0x480, s2  }
0x1bb: {  	[hbm4b:s12+s5] =	stream.linear.scatter [tilespmem:s9], [sflag:$0x8], $0x400, $0x38;
	[tilespmem:$0x19400] =	vst v63  }
0x1bc: {  	s13 =	rddreg [dreg:$0x12];
	s14 =	sadd.s32 $0x700, s2  }
0x1bd: {  	[hbm4b:s14+s5] =	stream.linear.scatter [tilespmem:s13], [sflag:$0x8], $0x400, $0x38;
	[tilespmem:$0x19400] =	vst v63  }
0x1be: {  	s15 =	rddreg [dreg:$0x13];
	s17 =	sadd.s32 $0x980, s2  }
0x1bf: {  	[hbm4b:s17+s5] =	stream.linear.scatter [tilespmem:s15], [sflag:$0x8], $0x400, $0x38;
	[tilespmem:$0x19400] =	vst v63  }
0x1c0: {  	s18 =	rddreg [dreg:$0x14];
	s21 =	sadd.s32 $0xC00, s2  }
0x1c1: {  	[hbm4b:s21+s5] =	stream.linear.scatter [tilespmem:s18], [sflag:$0x8], $0x400, $0x38;
	[tilespmem:$0x19400] =	vst v63  }
0x1c2: {  	s20 =	sadd.s32 $0xA0, s20;
	s22 =	rddreg [dreg:$0x15];
	s23 =	sadd.s32 $0xE80, s2  }
0x1c3: {  	[hbm4b:s23+s5] =	stream.linear.scatter [tilespmem:s22], [sflag:$0x8], $0x400, $0x38;
	[tilespmem:$0x19400] =	vst v63  }
0x1c4: {  	p1 =	sne.s32 s20, $0x26C0;
	s24 =	rddreg [dreg:$0x16];
	s25 =	sadd.s32 $0x1100, s2  }
0x1c5: {  	[hbm4b:s25+s5] =	stream.linear.scatter [tilespmem:s24], [sflag:$0x8], $0x400, $0x38;
	[tilespmem:$0x19400] =	vst v63  }
.Ltmp0:
0x1c6: {  	s7 =	rddreg [dreg:$0x19];
	(pc) =	sbr.rel @p1 .LBB2_2-.Ltmp0, $4  }
0x1c7: {  	s10 =	sadd.s32 $0x1400, s10;
	s26 =	rddreg [dreg:$0x17];
	s28 =	sadd.s32 $0x1380, s2  }
0x1c8: {  	[hbm4b:s28+s5] =	stream.linear.scatter [tilespmem:s26], [sflag:$0x8], $0x400, $0x38;
	[tilespmem:$0x19400] =	vst v63  }
0x1c9: {  	s29 =	rddreg [dreg:$0x18];
	s30 =	sadd.s32 $0x1600, s2;
	s2 =	sadd.s32 $0x1880, s2  }
0x1ca: {  	[hbm4b:s30+s5] =	stream.linear.scatter [tilespmem:s29], [sflag:$0x8], $0x400, $0x38;
	[tilespmem:$0x19400] =	vst v63  }
0x1cb: {  	[hbm4b:s2+s5] =	stream.linear.scatter [tilespmem:s7], [sflag:$0x8], $0x400, $0x38;
	[tilespmem:$0x19400] =	vst v63  }
0x1cc: {  	s2 =	simm.s32 @!p0 $0x8  }
0x1cd: {  	_ =	swait.ge @!p0 [sflag:s2], $0x2800  }
0x1ce: {  	[sflag:s2] =	ssyncset.done @!p0 $0x0  }
0x1cf: {  	[sflag:s2] =	ssyncadd.s32 @!p0 $0xFFFFD800  }
0x1d0: {  	_ =	swait.ge @!p0 [sflag:s2], $0x2800  }
0x1d1: {  	[sflag:s2] =	ssyncset.done @!p0 $0x0  }
0x1d2: {  	[sflag:s2] =	ssyncadd.s32 @!p0 $0xFFFFD800  }
0x1d3: {  	_ =	swait.ge @!p0 [sflag:s2], $0x2800  }
0x1d4: {  	[sflag:s2] =	ssyncset.done @!p0 $0x0  }
0x1d5: {  	[sflag:s2] =	ssyncadd.s32 @!p0 $0xFFFFD800  }
0x1d6: {  	_ =	swait.ge @!p0 [sflag:s2], $0x2800  }
0x1d7: {  	[sflag:s2] =	ssyncset.done @!p0 $0x0  }
0x1d8: {  	[sflag:s2] =	ssyncadd.s32 @!p0 $0xFFFFD800  }
0x1d9: {  	_ =	swait.ge @!p0 [sflag:s2], $0x2800  }
0x1da: {  	[sflag:s2] =	ssyncset.done @!p0 $0x0  }
0x1db: {  	s7 =	simm.s32 @!p0 $0x14400;
	s14 =	simm.s32 @!p0 $0x0;
	[sflag:s2] =	ssyncadd.s32 @!p0 $0xFFFFD800  }
0x1dc: {  	[tilespmem:s7], [sflag:$0x4] =	stream.linear.gather @!p0 [hbm4b:s10+s14], $0x5000, $0x38;
	[tilespmem:$0x19400] =	vst v63  }
0x1dd: {  	s2 =	rddreg [dreg:$0x6];
	_ =	swait.ge [sflag:s11], $0x50  }
0x1de: {  	[sflag:s11] =	ssyncset.done $0x0  }
0x1df: {  	[sflag:s11] =	ssyncadd.s32 $0xFFFFFFB0  }
0x1e0: {  	_ =	swait.ge [sflag:s11], $0x50  }
0x1e1: {  	[sflag:s11] =	ssyncset.done $0x0  }
0x1e2: {  	[sflag:s11] =	ssyncadd.s32 $0xFFFFFFB0  }
0x1e3: {  	_ =	swait.ge [sflag:s11], $0x50  }
0x1e4: {  	[sflag:s11] =	ssyncset.done $0x0  }
0x1e5: {  	s19 =	simm.s32 $0x200;
	[sflag:s11] =	ssyncadd.s32 $0xFFFFFFB0  }
0x1e6: {  	s13 =	simm.s32 $0x7C00;
	s18 =	simm.s32 $0x50;
	s9 =	rddreg [dreg:$0x2]  }
0x1e7: {  	[tilespmem:s13], [sflag:$0x6] =	stream.indirect.gather [hbm4b:s9+s18], $0x80, s19, s18, $0xb8;
	[tilespmem:$0x19400] =	vst v63  }
0x1e8: {  	s20 =	simm.s32 $0x280;
	s15 =	simm.s32 $0xA400  }
0x1e9: {  	[tilespmem:s15], [sflag:$0x6] =	stream.indirect.gather [hbm4b:s9+s18], $0x80, s20, s18, $0xb8;
	[tilespmem:$0x19400] =	vst v63  }
0x1ea: {  	s21 =	simm.s32 $0x300;
	s0 =	simm.s32 $0xCC00  }
0x1eb: {  	[tilespmem:s0], [sflag:$0x6] =	stream.indirect.gather [hbm4b:s9+s18], $0x80, s21, s18, $0xb8;
	[tilespmem:$0x19400] =	vst v63  }
0x1ec: {  	_ =	swait.ge [sflag:s16], $0x2800  }
0x1ed: {  	[sflag:s16] =	ssyncset.done $0x0  }
0x1ee: {  	[sflag:s16] =	ssyncadd.s32 $0xFFFFD800  }
0x1ef: {  	_ =	swait.ge [sflag:s16], $0x2800  }
0x1f0: {  	[sflag:s16] =	ssyncset.done $0x0  }
0x1f1: {  	[sflag:s16] =	ssyncadd.s32 $0xFFFFD800  }
0x1f2: {  	s7 =	smov.u32 s1;
	_ =	swait.ge [sflag:s16], $0x2800  }
0x1f3: {  	s17 =	simm.s32 $0x3;
	s7 =	simm.s32 @p0 $0x0;
	s22 =	rddreg [dreg:$0x4]  }
0x1f4: {  	s21 =	simm.s32 $0x80;
	s6 =	rddreg [dreg:$0x1c];
	s10 =	sadd.s32 s7, s22  }
0x1f5: {  	[sflag:s16] =	ssyncset.done $0x0;
	s8 =	rddreg [dreg:$0x1d];
	s23 =	sshrl.u32 s10, $0x3  }
0x1f6: {  	s25 =	rddreg [dreg:$0x1a];
	[sflag:s16] =	ssyncadd.s32 $0xFFFFD800;
	s19 =	sadd.s32 s6, s23  }
0x1f7: {  	[tilespmem:s5], [sflag:$0x1] =	stream.linear.gather [hbm4b:s19+s5], $0x50, $0x38;
	[tilespmem:$0x19400] =	vst v63  }
0x1f8: {  	s20 =	rddreg [dreg:$0x0];
	s24 =	sadd.s32 s8, s23;
	s19 =	sadd.s32 s25, s7  }
0x1f9: {  	[tilespmem:s21], [sflag:$0x1] =	stream.linear.gather [hbm4b:s24+s5], $0x50, $0x38;
	[tilespmem:$0x19400] =	vst v63  }
0x1fa: {  	s22 =	simm.s32 $0x100;
	s14 =	sadd.s32 s20, s23;
	s19 =	sshrl.u32 s19, $0x3  }
0x1fb: {  	[tilespmem:s22], [sflag:$0x1] =	stream.linear.gather [hbm4b:s14+s5], $0x50, $0x38;
	[tilespmem:$0x19400] =	vst v63  }
0x1fc: {  	s26 =	smul.u32 $0x280, s19;
	_ =	swait.ge [sflag:s17], $0x5000  }
0x1fd: {  	s25 =	simm.s32 $0x400;
	[sflag:s17] =	ssyncset.done $0x0;
	s4 =	rddreg [dreg:$0x1e]  }
0x1fe: {  	[sflag:s17] =	ssyncadd.s32 $0xFFFFB000;
	s14 =	sadd.s32 s4, s26;
	s26 =	simm.s32 $0x1400  }
0x1ff: {  	[hbm4b:s14+s25] =	stream.strided.scatter [tilespmem:s25], [sflag:$0x7], $0x2800, s26, s25, $0x38;
	[tilespmem:$0x19400] =	vst v63  }
0x200: {  	s24 =	simm.s32 $0x2C00;
	s28 =	sadd.s32 $0x80, s14  }
0x201: {  	[hbm4b:s28+s25] =	stream.strided.scatter [tilespmem:s24], [sflag:$0x7], $0x2800, s26, s25, $0x38;
	[tilespmem:$0x19400] =	vst v63  }
0x202: {  	s12 =	simm.s32 $0x5400;
	s29 =	sadd.s32 $0x100, s14  }
0x203: {  	[hbm4b:s29+s25] =	stream.strided.scatter [tilespmem:s12], [sflag:$0x7], $0x2800, s26, s25, $0x38;
	[tilespmem:$0x19400] =	vst v63  }
0x204: {  	s23 =	simm.s32 $0xF400;
	s30 =	sadd.s32 $0x180, s14  }
0x205: {  	[hbm4b:s30+s5] =	stream.linear.scatter [tilespmem:s23], [sflag:$0x7], $0x400, $0x38;
	[tilespmem:$0x19400] =	vst v63  }
0x206: {  	s28 =	sadd.s32 $0x400, s14;
	s29 =	simm.s32 $0xFC00  }
0x207: {  	[hbm4b:s28+s5] =	stream.linear.scatter [tilespmem:s29], [sflag:$0x7], $0x400, $0x38;
	[tilespmem:$0x19400] =	vst v63  }
0x208: {  	s30 =	sadd.s32 $0x680, s14;
	s28 =	simm.s32 $0x10400  }
0x209: {  	[hbm4b:s30+s5] =	stream.linear.scatter [tilespmem:s28], [sflag:$0x7], $0x400, $0x38;
	[tilespmem:$0x19400] =	vst v63  }
0x20a: {  	s28 =	sadd.s32 $0x900, s14;
	s30 =	simm.s32 $0x10C00  }
0x20b: {  	[hbm4b:s28+s5] =	stream.linear.scatter [tilespmem:s30], [sflag:$0x7], $0x400, $0x38;
	[tilespmem:$0x19400] =	vst v63  }
0x20c: {  	s19 =	sadd.s32 $0xB80, s14;
	s28 =	simm.s32 $0x11400  }
0x20d: {  	[hbm4b:s19+s5] =	stream.linear.scatter [tilespmem:s28], [sflag:$0x7], $0x400, $0x38;
	[tilespmem:$0x19400] =	vst v63  }
0x20e: {  	s19 =	sadd.s32 $0xE00, s14;
	s28 =	simm.s32 $0x11C00  }
0x20f: {  	[hbm4b:s19+s5] =	stream.linear.scatter [tilespmem:s28], [sflag:$0x7], $0x400, $0x38;
	[tilespmem:$0x19400] =	vst v63  }
0x210: {  	s19 =	sadd.s32 $0x1080, s14;
	s28 =	simm.s32 $0x12400  }
0x211: {  	[hbm4b:s19+s5] =	stream.linear.scatter [tilespmem:s28], [sflag:$0x7], $0x400, $0x38;
	[tilespmem:$0x19400] =	vst v63  }
0x212: {  	s19 =	sadd.s32 $0x1300, s14;
	s28 =	simm.s32 $0x12C00  }
0x213: {  	[hbm4b:s19+s5] =	stream.linear.scatter [tilespmem:s28], [sflag:$0x7], $0x400, $0x38;
	[tilespmem:$0x19400] =	vst v63  }
0x214: {  	s19 =	sadd.s32 $0x1580, s14;
	s28 =	simm.s32 $0x13400  }
0x215: {  	[hbm4b:s19+s5] =	stream.linear.scatter [tilespmem:s28], [sflag:$0x7], $0x400, $0x38;
	[tilespmem:$0x19400] =	vst v63  }
0x216: {  	s19 =	sadd.s32 $0x1800, s14;
	s28 =	simm.s32 $0x13C00  }
0x217: {  	[hbm4b:s19+s5] =	stream.linear.scatter [tilespmem:s28], [sflag:$0x7], $0x400, $0x38;
	[tilespmem:$0x19400] =	vst v63  }
0x218: {  	s19 =	sadd.s32 $0x200, s14;
	s28 =	simm.s32 $0xF800  }
0x219: {  	[hbm4b:s19+s5] =	stream.linear.scatter [tilespmem:s28], [sflag:$0x7], $0x400, $0x38;
	[tilespmem:$0x19400] =	vst v63  }
0x21a: {  	s19 =	sadd.s32 $0x480, s14;
	s28 =	simm.s32 $0x10000  }
0x21b: {  	[hbm4b:s19+s5] =	stream.linear.scatter [tilespmem:s28], [sflag:$0x7], $0x400, $0x38;
	[tilespmem:$0x19400] =	vst v63  }
0x21c: {  	s19 =	sadd.s32 $0x700, s14;
	s28 =	simm.s32 $0x10800  }
0x21d: {  	[hbm4b:s19+s5] =	stream.linear.scatter [tilespmem:s28], [sflag:$0x7], $0x400, $0x38;
	[tilespmem:$0x19400] =	vst v63  }
0x21e: {  	s19 =	sadd.s32 $0x980, s14;
	s28 =	simm.s32 $0x11000  }
0x21f: {  	[hbm4b:s19+s5] =	stream.linear.scatter [tilespmem:s28], [sflag:$0x7], $0x400, $0x38;
	[tilespmem:$0x19400] =	vst v63  }
0x220: {  	s19 =	sadd.s32 $0xC00, s14;
	s28 =	simm.s32 $0x11800  }
0x221: {  	[hbm4b:s19+s5] =	stream.linear.scatter [tilespmem:s28], [sflag:$0x7], $0x400, $0x38;
	[tilespmem:$0x19400] =	vst v63  }
0x222: {  	s19 =	sadd.s32 $0xE80, s14;
	s28 =	simm.s32 $0x12000  }
0x223: {  	[hbm4b:s19+s5] =	stream.linear.scatter [tilespmem:s28], [sflag:$0x7], $0x400, $0x38;
	[tilespmem:$0x19400] =	vst v63  }
0x224: {  	s19 =	sadd.s32 $0x1100, s14;
	s28 =	simm.s32 $0x12800  }
0x225: {  	[hbm4b:s19+s5] =	stream.linear.scatter [tilespmem:s28], [sflag:$0x7], $0x400, $0x38;
	[tilespmem:$0x19400] =	vst v63  }
0x226: {  	s19 =	sadd.s32 $0x1380, s14;
	s28 =	simm.s32 $0x13000  }
0x227: {  	[hbm4b:s19+s5] =	stream.linear.scatter [tilespmem:s28], [sflag:$0x7], $0x400, $0x38;
	[tilespmem:$0x19400] =	vst v63  }
0x228: {  	s19 =	sadd.s32 $0x1600, s14;
	s28 =	simm.s32 $0x13800  }
0x229: {  	[hbm4b:s19+s5] =	stream.linear.scatter [tilespmem:s28], [sflag:$0x7], $0x400, $0x38;
	[tilespmem:$0x19400] =	vst v63  }
0x22a: {  	s14 =	sadd.s32 $0x1880, s14;
	s28 =	simm.s32 $0x14000  }
0x22b: {  	[hbm4b:s14+s5] =	stream.linear.scatter [tilespmem:s28], [sflag:$0x7], $0x400, $0x38;
	[tilespmem:$0x19400] =	vst v63  }
0x22c: {  	_ =	swait.ge [sflag:s3], $0x2800  }
0x22d: {  	[sflag:s3] =	ssyncset.done $0x0  }
0x22e: {  	[sflag:s3] =	ssyncadd.s32 $0xFFFFD800  }
0x22f: {  	_ =	swait.ge [sflag:s3], $0x2800  }
0x230: {  	[sflag:s3] =	ssyncset.done $0x0  }
0x231: {  	[sflag:s3] =	ssyncadd.s32 $0xFFFFD800  }
0x232: {  	_ =	swait.ge [sflag:s3], $0x2800  }
0x233: {  	[sflag:s3] =	ssyncset.done $0x0  }
0x234: {  	[sflag:s3] =	ssyncadd.s32 $0xFFFFD800  }
0x235: {  	_ =	swait.ge [sflag:s3], $0x2800  }
0x236: {  	[sflag:s3] =	ssyncset.done $0x0  }
0x237: {  	[sflag:s3] =	ssyncadd.s32 $0xFFFFD800  }
0x238: {  	_ =	swait.ge [sflag:s3], $0x2800  }
0x239: {  	[sflag:s3] =	ssyncset.done $0x0  }
0x23a: {  	[sflag:s3] =	ssyncadd.s32 $0xFFFFD800  }
0x23b: {  	s10 =	sshll.u32 s10, $0x5;
	s19 =	rddreg [dreg:$0x1]  }
0x23c: {  	s10 =	sadd.s32 s19, s10;
	s19 =	simm.s32 $0x1  }
0x23d: {  	[tilespmem:s23], [sflag:$0x3] =	stream.linear.gather [hbm4b:s10+s5], $0x5000, $0x38;
	[tilespmem:$0x19400] =	vst v63  }
0x23e: {  	_ =	swait.ge [sflag:s19], $0x50  }
0x23f: {  	[sflag:s19] =	ssyncset.done $0x0  }
0x240: {  	[sflag:s19] =	ssyncadd.s32 $0xFFFFFFB0  }
0x241: {  	_ =	swait.ge [sflag:s19], $0x50  }
0x242: {  	[sflag:s19] =	ssyncset.done $0x0  }
0x243: {  	[sflag:s19] =	ssyncadd.s32 $0xFFFFFFB0  }
0x244: {  	_ =	swait.ge [sflag:s19], $0x50  }
0x245: {  	[sflag:s19] =	ssyncset.done $0x0  }
0x246: {  	[sflag:s19] =	ssyncadd.s32 $0xFFFFFFB0  }
0x247: {  	[tilespmem:s25], [sflag:$0x5] =	stream.indirect.gather [hbm4b:s9+s18], $0x80, s5, s18, $0xb8;
	[tilespmem:$0x19400] =	vst v63  }
0x248: {  	_ = 	snop  }
0x249: {  	[tilespmem:s24], [sflag:$0x5] =	stream.indirect.gather [hbm4b:s9+s18], $0x80, s21, s18, $0xb8;
	[tilespmem:$0x19400] =	vst v63  }
0x24a: {  	_ = 	snop  }
0x24b: {  	[tilespmem:s12], [sflag:$0x5] =	stream.indirect.gather [hbm4b:s9+s18], $0x80, s22, s18, $0xb8;
	[tilespmem:$0x19400] =	vst v63  }
0x24c: {  	_ =	swait.ge [sflag:s31], $0x2800  }
0x24d: {  	[sflag:s31] =	ssyncset.done $0x0  }
0x24e: {  	[sflag:s31] =	ssyncadd.s32 $0xFFFFD800  }
0x24f: {  	_ =	swait.ge [sflag:s31], $0x2800  }
0x250: {  	[sflag:s31] =	ssyncset.done $0x0  }
0x251: {  	[sflag:s31] =	ssyncadd.s32 $0xFFFFD800  }
0x252: {  	_ =	swait.ge [sflag:s31], $0x2800  }
0x253: {  	p1 =	seq.s32 s1, $0x2620;
	s1 =	sadd.s32 @!p0 s1, s2;
	s10 =	rddreg [dreg:$0x5]  }
0x254: {  	s19 =	simm.s32 @!p1 $0x0;
	[sflag:s31] =	ssyncset.done $0x0;
	s7 =	sadd.s32 @!p1 s7, s10  }
0x255: {  	s2 =	rddreg [dreg:$0x1b];
	s10 =	simm.s32 @!p1 $0x200;
	s7 =	sshrl.u32 @!p1 s7, $0x3  }
0x256: {  	[sflag:s31] =	ssyncadd.s32 $0xFFFFD800;
	s1 =	smov.u32 @p0 s2;
	s14 =	sadd.s32 @!p1 s6, s7  }
0x257: {  	[tilespmem:s10], [sflag:$0x2] =	stream.linear.gather @!p1 [hbm4b:s14+s19], $0x50, $0x38;
	[tilespmem:$0x19400] =	vst v63  }
0x258: {  	s1 =	sshrl.u32 s1, $0x3;
	s10 =	sadd.s32 @!p1 s8, s7;
	s14 =	simm.s32 @!p1 $0x280  }
0x259: {  	[tilespmem:s14], [sflag:$0x2] =	stream.linear.gather @!p1 [hbm4b:s10+s19], $0x50, $0x38;
	[tilespmem:$0x19400] =	vst v63  }
0x25a: {  	s2 =	sadd.s32 @!p1 s20, s7;
	s7 =	simm.s32 @!p1 $0x300;
	s8 =	simm.s32 $0x4  }
0x25b: {  	[tilespmem:s7], [sflag:$0x2] =	stream.linear.gather @!p1 [hbm4b:s2+s19], $0x50, $0x38;
	[tilespmem:$0x19400] =	vst v63  }
0x25c: {  	s1 =	smul.u32 $0x280, s1;
	_ =	swait.ge [sflag:s8], $0x5000  }
0x25d: {  	[sflag:s8] =	ssyncset.done $0x0  }
0x25e: {  	s1 =	sadd.s32 s4, s1;
	[sflag:s8] =	ssyncadd.s32 $0xFFFFB000  }
0x25f: {  	[hbm4b:s1+s25] =	stream.strided.scatter [tilespmem:s13], [sflag:$0x8], $0x2800, s26, s25, $0x38;
	[tilespmem:$0x19400] =	vst v63  }
0x260: {  	s9 =	sadd.s32 $0x80, s1  }
0x261: {  	[hbm4b:s9+s25] =	stream.strided.scatter [tilespmem:s15], [sflag:$0x8], $0x2800, s26, s25, $0x38;
	[tilespmem:$0x19400] =	vst v63  }
0x262: {  	s10 =	sadd.s32 $0x100, s1  }
0x263: {  	[hbm4b:s10+s25] =	stream.strided.scatter [tilespmem:s0], [sflag:$0x8], $0x2800, s26, s25, $0x38;
	[tilespmem:$0x19400] =	vst v63  }
0x264: {  	s13 =	sadd.s32 $0x180, s1;
	s15 =	simm.s32 $0x14400  }
0x265: {  	[hbm4b:s13+s5] =	stream.linear.scatter [tilespmem:s15], [sflag:$0x8], $0x400, $0x38;
	[tilespmem:$0x19400] =	vst v63  }
0x266: {  	s18 =	sadd.s32 $0x400, s1;
	s14 =	rddreg [dreg:$0x7]  }
0x267: {  	[hbm4b:s18+s5] =	stream.linear.scatter [tilespmem:s14], [sflag:$0x8], $0x400, $0x38;
	[tilespmem:$0x19400] =	vst v63  }
0x268: {  	s20 =	sadd.s32 $0x680, s1;
	s19 =	rddreg [dreg:$0x8]  }
0x269: {  	[hbm4b:s20+s5] =	stream.linear.scatter [tilespmem:s19], [sflag:$0x8], $0x400, $0x38;
	[tilespmem:$0x19400] =	vst v63  }
0x26a: {  	s22 =	sadd.s32 $0x900, s1;
	s21 =	rddreg [dreg:$0x9]  }
0x26b: {  	[hbm4b:s22+s5] =	stream.linear.scatter [tilespmem:s21], [sflag:$0x8], $0x400, $0x38;
	[tilespmem:$0x19400] =	vst v63  }
0x26c: {  	s4 =	sadd.s32 $0xB80, s1;
	s0 =	rddreg [dreg:$0xa]  }
0x26d: {  	[hbm4b:s4+s5] =	stream.linear.scatter [tilespmem:s0], [sflag:$0x8], $0x400, $0x38;
	[tilespmem:$0x19400] =	vst v63  }
0x26e: {  	s6 =	rddreg [dreg:$0xb];
	s8 =	sadd.s32 $0xE00, s1  }
0x26f: {  	[hbm4b:s8+s5] =	stream.linear.scatter [tilespmem:s6], [sflag:$0x8], $0x400, $0x38;
	[tilespmem:$0x19400] =	vst v63  }
0x270: {  	s9 =	rddreg [dreg:$0xc];
	s13 =	sadd.s32 $0x1080, s1  }
0x271: {  	[hbm4b:s13+s5] =	stream.linear.scatter [tilespmem:s9], [sflag:$0x8], $0x400, $0x38;
	[tilespmem:$0x19400] =	vst v63  }
0x272: {  	s15 =	sadd.s32 $0x1300, s1;
	s14 =	rddreg [dreg:$0xd]  }
0x273: {  	[hbm4b:s15+s5] =	stream.linear.scatter [tilespmem:s14], [sflag:$0x8], $0x400, $0x38;
	[tilespmem:$0x19400] =	vst v63  }
0x274: {  	s18 =	rddreg [dreg:$0xe];
	s19 =	sadd.s32 $0x1580, s1  }
0x275: {  	[hbm4b:s19+s5] =	stream.linear.scatter [tilespmem:s18], [sflag:$0x8], $0x400, $0x38;
	[tilespmem:$0x19400] =	vst v63  }
0x276: {  	s20 =	rddreg [dreg:$0xf];
	s21 =	sadd.s32 $0x1800, s1  }
0x277: {  	[hbm4b:s21+s5] =	stream.linear.scatter [tilespmem:s20], [sflag:$0x8], $0x400, $0x38;
	[tilespmem:$0x19400] =	vst v63  }
0x278: {  	s22 =	rddreg [dreg:$0x10];
	s0 =	sadd.s32 $0x200, s1  }
0x279: {  	[hbm4b:s0+s5] =	stream.linear.scatter [tilespmem:s22], [sflag:$0x8], $0x400, $0x38;
	[tilespmem:$0x19400] =	vst v63  }
0x27a: {  	s4 =	rddreg [dreg:$0x11];
	s6 =	sadd.s32 $0x480, s1  }
0x27b: {  	[hbm4b:s6+s5] =	stream.linear.scatter [tilespmem:s4], [sflag:$0x8], $0x400, $0x38;
	[tilespmem:$0x19400] =	vst v63  }
0x27c: {  	s8 =	rddreg [dreg:$0x12];
	s9 =	sadd.s32 $0x700, s1  }
0x27d: {  	[hbm4b:s9+s5] =	stream.linear.scatter [tilespmem:s8], [sflag:$0x8], $0x400, $0x38;
	[tilespmem:$0x19400] =	vst v63  }
0x27e: {  	s13 =	rddreg [dreg:$0x13];
	s14 =	sadd.s32 $0x980, s1  }
0x27f: {  	[hbm4b:s14+s5] =	stream.linear.scatter [tilespmem:s13], [sflag:$0x8], $0x400, $0x38;
	[tilespmem:$0x19400] =	vst v63  }
0x280: {  	s15 =	rddreg [dreg:$0x14];
	s18 =	sadd.s32 $0xC00, s1  }
0x281: {  	[hbm4b:s18+s5] =	stream.linear.scatter [tilespmem:s15], [sflag:$0x8], $0x400, $0x38;
	[tilespmem:$0x19400] =	vst v63  }
0x282: {  	s19 =	rddreg [dreg:$0x15];
	s20 =	sadd.s32 $0xE80, s1  }
0x283: {  	[hbm4b:s20+s5] =	stream.linear.scatter [tilespmem:s19], [sflag:$0x8], $0x400, $0x38;
	[tilespmem:$0x19400] =	vst v63  }
0x284: {  	s21 =	rddreg [dreg:$0x16];
	s22 =	sadd.s32 $0x1100, s1  }
0x285: {  	[hbm4b:s22+s5] =	stream.linear.scatter [tilespmem:s21], [sflag:$0x8], $0x400, $0x38;
	[tilespmem:$0x19400] =	vst v63  }
0x286: {  	s0 =	rddreg [dreg:$0x17];
	s4 =	sadd.s32 $0x1380, s1  }
0x287: {  	[hbm4b:s4+s5] =	stream.linear.scatter [tilespmem:s0], [sflag:$0x8], $0x400, $0x38;
	[tilespmem:$0x19400] =	vst v63  }
0x288: {  	s7 =	sadd.s32 $0x1600, s1;
	s6 =	rddreg [dreg:$0x18]  }
0x289: {  	[hbm4b:s7+s5] =	stream.linear.scatter [tilespmem:s6], [sflag:$0x8], $0x400, $0x38;
	[tilespmem:$0x19400] =	vst v63  }
0x28a: {  	s1 =	sadd.s32 $0x1880, s1;
	s8 =	rddreg [dreg:$0x19]  }
0x28b: {  	[hbm4b:s1+s5] =	stream.linear.scatter [tilespmem:s8], [sflag:$0x8], $0x400, $0x38;
	[tilespmem:$0x19400] =	vst v63  }
0x28c: {  	_ =	swait.ge [sflag:s16], $0x2800  }
0x28d: {  	[sflag:s16] =	ssyncset.done $0x0  }
0x28e: {  	[sflag:s16] =	ssyncadd.s32 $0xFFFFD800  }
0x28f: {  	_ =	swait.ge [sflag:s16], $0x2800  }
0x290: {  	[sflag:s16] =	ssyncset.done $0x0  }
0x291: {  	[sflag:s16] =	ssyncadd.s32 $0xFFFFD800  }
0x292: {  	_ =	swait.ge [sflag:s16], $0x2800  }
0x293: {  	[sflag:s16] =	ssyncset.done $0x0  }
0x294: {  	[sflag:s16] =	ssyncadd.s32 $0xFFFFD800  }
0x295: {  	_ =	swait.ge [sflag:s17], $0x5000  }
0x296: {  	s2 =	sld [smem:$0x7FB]  }
0x297: {  	[sflag:s17] =	ssyncset.done $0x0  }
0x298: {  	[sflag:s17] =	ssyncadd.s32 $0xFFFFB000  }
0x299: {  	[hbm4b:s2+s25] =	stream.strided.scatter [tilespmem:s25], [sflag:$0x7], $0x2800, s26, s25, $0x38;
	[tilespmem:$0x19400] =	vst v63  }
0x29a: {  	s9 =	sadd.s32 $0x80, s2  }
0x29b: {  	[hbm4b:s9+s25] =	stream.strided.scatter [tilespmem:s24], [sflag:$0x7], $0x2800, s26, s25, $0x38;
	[tilespmem:$0x19400] =	vst v63  }
0x29c: {  	s10 =	sadd.s32 $0x100, s2  }
0x29d: {  	[hbm4b:s10+s25] =	stream.strided.scatter [tilespmem:s12], [sflag:$0x7], $0x2800, s26, s25, $0x38;
	[tilespmem:$0x19400] =	vst v63  }
0x29e: {  	s13 =	sadd.s32 $0x180, s2  }
0x29f: {  	[hbm4b:s13+s5] =	stream.linear.scatter [tilespmem:s23], [sflag:$0x7], $0x400, $0x38;
	[tilespmem:$0x19400] =	vst v63  }
0x2a0: {  	s14 =	sadd.s32 $0x400, s2  }
0x2a1: {  	[hbm4b:s14+s5] =	stream.linear.scatter [tilespmem:s29], [sflag:$0x7], $0x400, $0x38;
	[tilespmem:$0x19400] =	vst v63  }
0x2a2: {  	s17 =	simm.s32 $0x10400;
	s15 =	sadd.s32 $0x680, s2  }
0x2a3: {  	[hbm4b:s15+s5] =	stream.linear.scatter [tilespmem:s17], [sflag:$0x7], $0x400, $0x38;
	[tilespmem:$0x19400] =	vst v63  }
0x2a4: {  	s18 =	sadd.s32 $0x900, s2  }
0x2a5: {  	[hbm4b:s18+s5] =	stream.linear.scatter [tilespmem:s30], [sflag:$0x7], $0x400, $0x38;
	[tilespmem:$0x19400] =	vst v63  }
0x2a6: {  	s20 =	simm.s32 $0x11400;
	s19 =	sadd.s32 $0xB80, s2  }
0x2a7: {  	[hbm4b:s19+s5] =	stream.linear.scatter [tilespmem:s20], [sflag:$0x7], $0x400, $0x38;
	[tilespmem:$0x19400] =	vst v63  }
0x2a8: {  	s22 =	simm.s32 $0x11C00;
	s21 =	sadd.s32 $0xE00, s2  }
0x2a9: {  	[hbm4b:s21+s5] =	stream.linear.scatter [tilespmem:s22], [sflag:$0x7], $0x400, $0x38;
	[tilespmem:$0x19400] =	vst v63  }
0x2aa: {  	s24 =	simm.s32 $0x12400;
	s23 =	sadd.s32 $0x1080, s2  }
0x2ab: {  	[hbm4b:s23+s5] =	stream.linear.scatter [tilespmem:s24], [sflag:$0x7], $0x400, $0x38;
	[tilespmem:$0x19400] =	vst v63  }
0x2ac: {  	s25 =	sadd.s32 $0x1300, s2;
	s26 =	simm.s32 $0x12C00  }
0x2ad: {  	[hbm4b:s25+s5] =	stream.linear.scatter [tilespmem:s26], [sflag:$0x7], $0x400, $0x38;
	[tilespmem:$0x19400] =	vst v63  }
0x2ae: {  	s29 =	sadd.s32 $0x1580, s2;
	s30 =	simm.s32 $0x13400  }
0x2af: {  	[hbm4b:s29+s5] =	stream.linear.scatter [tilespmem:s30], [sflag:$0x7], $0x400, $0x38;
	[tilespmem:$0x19400] =	vst v63  }
0x2b0: {  	s4 =	simm.s32 $0x13C00;
	s0 =	sadd.s32 $0x1800, s2  }
0x2b1: {  	[hbm4b:s0+s5] =	stream.linear.scatter [tilespmem:s4], [sflag:$0x7], $0x400, $0x38;
	[tilespmem:$0x19400] =	vst v63  }
0x2b2: {  	s7 =	simm.s32 $0xF800;
	s6 =	sadd.s32 $0x200, s2  }
0x2b3: {  	[hbm4b:s6+s5] =	stream.linear.scatter [tilespmem:s7], [sflag:$0x7], $0x400, $0x38;
	[tilespmem:$0x19400] =	vst v63  }
0x2b4: {  	s8 =	sadd.s32 $0x480, s2;
	s9 =	simm.s32 $0x10000  }
0x2b5: {  	[hbm4b:s8+s5] =	stream.linear.scatter [tilespmem:s9], [sflag:$0x7], $0x400, $0x38;
	[tilespmem:$0x19400] =	vst v63  }
0x2b6: {  	s10 =	sadd.s32 $0x700, s2;
	s12 =	simm.s32 $0x10800  }
0x2b7: {  	[hbm4b:s10+s5] =	stream.linear.scatter [tilespmem:s12], [sflag:$0x7], $0x400, $0x38;
	[tilespmem:$0x19400] =	vst v63  }
0x2b8: {  	s13 =	sadd.s32 $0x980, s2;
	s14 =	simm.s32 $0x11000  }
0x2b9: {  	[hbm4b:s13+s5] =	stream.linear.scatter [tilespmem:s14], [sflag:$0x7], $0x400, $0x38;
	[tilespmem:$0x19400] =	vst v63  }
0x2ba: {  	s15 =	sadd.s32 $0xC00, s2;
	s17 =	simm.s32 $0x11800  }
0x2bb: {  	[hbm4b:s15+s5] =	stream.linear.scatter [tilespmem:s17], [sflag:$0x7], $0x400, $0x38;
	[tilespmem:$0x19400] =	vst v63  }
0x2bc: {  	s18 =	sadd.s32 $0xE80, s2;
	s19 =	simm.s32 $0x12000  }
0x2bd: {  	[hbm4b:s18+s5] =	stream.linear.scatter [tilespmem:s19], [sflag:$0x7], $0x400, $0x38;
	[tilespmem:$0x19400] =	vst v63  }
0x2be: {  	s20 =	sadd.s32 $0x1100, s2;
	s21 =	simm.s32 $0x12800  }
0x2bf: {  	[hbm4b:s20+s5] =	stream.linear.scatter [tilespmem:s21], [sflag:$0x7], $0x400, $0x38;
	[tilespmem:$0x19400] =	vst v63  }
0x2c0: {  	s22 =	sadd.s32 $0x1380, s2;
	s23 =	simm.s32 $0x13000  }
0x2c1: {  	[hbm4b:s22+s5] =	stream.linear.scatter [tilespmem:s23], [sflag:$0x7], $0x400, $0x38;
	[tilespmem:$0x19400] =	vst v63  }
0x2c2: {  	s24 =	sadd.s32 $0x1600, s2;
	s25 =	simm.s32 $0x13800  }
0x2c3: {  	[hbm4b:s24+s5] =	stream.linear.scatter [tilespmem:s25], [sflag:$0x7], $0x400, $0x38;
	[tilespmem:$0x19400] =	vst v63  }
0x2c4: {  	s26 =	sadd.s32 $0x1880, s2  }
0x2c5: {  	[hbm4b:s26+s5] =	stream.linear.scatter [tilespmem:s28], [sflag:$0x7], $0x400, $0x38;
	[tilespmem:$0x19400] =	vst v63  }
0x2c6: {  	s28 =	simm.s32 $0x8  }
0x2c7: {  	_ =	swait.ge [sflag:s28], $0x2800  }
0x2c8: {  	[sflag:s28] =	ssyncset.done $0x0  }
0x2c9: {  	[sflag:s28] =	ssyncadd.s32 $0xFFFFD800  }
0x2ca: {  	_ =	swait.ge [sflag:s28], $0x2800  }
0x2cb: {  	[sflag:s28] =	ssyncset.done $0x0  }
0x2cc: {  	[sflag:s28] =	ssyncadd.s32 $0xFFFFD800  }
0x2cd: {  	_ =	swait.ge [sflag:s28], $0x2800  }
0x2ce: {  	[sflag:s28] =	ssyncset.done $0x0  }
0x2cf: {  	[sflag:s28] =	ssyncadd.s32 $0xFFFFD800  }
0x2d0: {  	_ =	swait.ge [sflag:s28], $0x2800  }
0x2d1: {  	[sflag:s28] =	ssyncset.done $0x0  }
0x2d2: {  	[sflag:s28] =	ssyncadd.s32 $0xFFFFD800  }
0x2d3: {  	_ =	swait.ge [sflag:s28], $0x2800  }
0x2d4: {  	[sflag:s28] =	ssyncset.done $0x0  }
0x2d5: {  	[sflag:s28] =	ssyncadd.s32 $0xFFFFD800  }
0x2d6: {  	_ =	swait.ge [sflag:s3], $0x2800  }
0x2d7: {  	[sflag:s3] =	ssyncset.done $0x0  }
0x2d8: {  	[sflag:s3] =	ssyncadd.s32 $0xFFFFD800  }
0x2d9: {  	_ =	swait.ge [sflag:s3], $0x2800  }
0x2da: {  	[sflag:s3] =	ssyncset.done $0x0  }
0x2db: {  	[sflag:s3] =	ssyncadd.s32 $0xFFFFD800  }
0x2dc: {  	_ =	swait.ge [sflag:s3], $0x2800  }
0x2dd: {  	[sflag:s3] =	ssyncset.done $0x0  }
0x2de: {  	[sflag:s3] =	ssyncadd.s32 $0xFFFFD800  }
0x2df: {  	_ =	swait.ge [sflag:s3], $0x2800  }
0x2e0: {  	[sflag:s3] =	ssyncset.done $0x0  }
0x2e1: {  	[sflag:s3] =	ssyncadd.s32 $0xFFFFD800  }
0x2e2: {  	_ =	swait.ge [sflag:s3], $0x2800  }
0x2e3: {  	s29 =	sld [smem:$0x7F3]  }
0x2e4: {  	s30 =	sld [smem:$0x7FC];
	_ =	sdelay $0x1  }
0x2e5: {  	s0 =	sadd.s32 $0x1, s29  }
0x2e6: {  	p0 =	sne.s32 s0, s30  }
.Ltmp1:
0x2e7: {  	_ = 	snop;
	(pc) =	sbr.rel @p0 .LBB2_1-.Ltmp1, $3  }
0x2e8: {  	_ =	sdelay $0x1  }
0x2e9: {  	[sflag:s3] =	ssyncset.done $0x0  }
0x2ea: {  	[sflag:s3] =	ssyncadd.s32 $0xFFFFD800  }
0x2eb: {  	_ =	sfence.sel $0x180000  }
0x2ec: {  	[bflag:$0x0] =	sbarrier.arrive $0xFFFF  }
0x2ed: {  	_ =	strace $0x90000047  }
0x2ee: {  	s0 =	stileid.u32;
	[bflag:$0x2] =	sbarrier.arrive $0xFFFF  }
0x2ef: {  	p0 =	sne.s32 s0, $0x0;
	s0 =	rddreg [dreg:$0x3]  }
0x2f0: {  	s0 =	sadd.s32 @!p0 $0x100000, s0  }
0x2f1: {  	[sflag:s0] =	ssyncadd.tile.s32 @!p0 $0x1;
	_ =	shalt  }
.Lfunc_end2:
_tile_overlayer_lowered:
.L_overlay_start_2:
0x2f2: {  	(tag) =	ssettag $0x2  }
0x2f3: {  	s0 =	rddreg [dreg:$0x0];
	s2 =	stileid.u32  }
0x2f4: {  	s1 =	rddreg [dreg:$0x1];
	p0 =	sne.s32 s2, $0x0  }
0x2f5: {  	s3 =	rddreg [dreg:$0x2];
	[bflag:$0x3] =	sbarrier.arrive $0xFFFF;
	s2 =	simm.s32 @!p0 $0x1C09  }
0x2f6: {  	[timem:s3], [sflag:s2] =	dma.local @!p0 [hbm:s0], s1  }
0x2f7: {  	s0 =	simm.s32 @!p0 $0x9  }
0x2f8: {  	_ =	swait.ge @!p0 [sflag:s0], s1  }
0x2f9: {  	s1 =	ssub.s32 @!p0 $0x0, s1;
	[sflag:s0] =	ssyncset.done @!p0 $0x0  }
0x2fa: {  	[sflag:s0] =	ssyncadd.s32 @!p0 s1  }
0x2fb: {  	[bflag:$0x3] =	sbarrier.arrive $0xFFFF  }
0x2fc: {  	_ =	shalt  }

</sc_bundles>
